<compile_context>
chip_gen: v7x
topology: tpu7x:2x2x1
jax: 0.10.2.dev20260603
libtpu: 0.0.44.dev20260713+nightly
codegen_flags: <defaults>
</compile_context>

<pallas_src>
import functools

import jax
import jax.numpy as jnp
from jax import lax
from jax.experimental import pallas as pl
from jax.experimental.pallas import tpu as pltpu
from jax.experimental.pallas import tpu_sc as plsc

VOCAB = 1000000
EMBED_DIM = 64
BATCH = 16384
HIST = 200
NUM_CLASSES = 2

DP = 16
PACK = 8
VP = VOCAB // PACK
NC, NS = 2, 16
NW = NC * NS
BAGS_PER_W = BATCH // NW
G = 4
ROWS_PER_CHUNK = 2 * G
CHUNKS_PER_W = BAGS_PER_W // G
TC_BLK = 5000


def _project_table(table, big_w, b_row):

    def body(*refs):
        t_refs, w_ref, b_ref, o_ref = refs[:PACK], refs[PACK], refs[PACK + 1], refs[PACK + 2]
        x = jnp.concatenate([t[...] for t in t_refs], axis=1)
        o_ref[...] = (
            jnp.dot(x, w_ref[...], preferred_element_type=jnp.float32)
            + b_ref[...]
        )

    nblk = VP // TC_BLK

    def _tmap(k):
        return lambda i, k=k: (k * nblk + i, 0)

    return pl.pallas_call(
        body,
        grid=(nblk,),
        in_specs=[
            pl.BlockSpec((TC_BLK, EMBED_DIM), _tmap(k)) for k in range(PACK)
        ] + [
            pl.BlockSpec((PACK * EMBED_DIM, PACK * DP), lambda i: (0, 0)),
            pl.BlockSpec((1, PACK * DP), lambda i: (0, 0)),
        ],
        out_specs=pl.BlockSpec((TC_BLK, PACK * DP), lambda i: (i, 0)),
        out_shape=jax.ShapeDtypeStruct((VP, PACK * DP), jnp.float32),
    )(*([table] * PACK), big_w, b_row)


def _bag_sum(proj, idx3):
    mesh = plsc.VectorSubcoreMesh(core_axis_name="c", subcore_axis_name="s")

    rows_n = ROWS_PER_CHUNK * 100

    @functools.partial(
        pl.kernel,
        mesh=mesh,
        out_type=jax.ShapeDtypeStruct((BATCH, DP), jnp.float32),
        compiler_params=pltpu.CompilerParams(use_tc_tiling_on_sc=False),
        name="bag_sum",
        scratch_types=[
            pltpu.VMEM((2, ROWS_PER_CHUNK, 100), jnp.int32),
            pltpu.VMEM((2, rows_n, DP), jnp.float32),
            pltpu.VMEM((G, DP), jnp.float32),
            pltpu.SemaphoreType.DMA,
            pltpu.SemaphoreType.DMA,
            pltpu.SemaphoreType.DMA,
            pltpu.SemaphoreType.DMA,
        ],
    )
    def body(proj_hbm, idx_hbm, out_hbm, idx_v, rows_v, out_v,
             sem0, sem1, isem0, isem1):
        wid = lax.axis_index("s") * NC + lax.axis_index("c")
        sems = (sem0, sem1)
        isems = (isem0, isem1)
        last = CHUNKS_PER_W - 1

        def idx_start(c, p):
            pltpu.async_copy(
                idx_hbm.at[wid * CHUNKS_PER_W + c], idx_v.at[p], isems[p]
            )

        def idx_drain(p):
            pltpu.make_async_copy(
                idx_hbm.at[0], idx_v.at[p], isems[p]
            ).wait()

        def fire(p):
            for j in range(ROWS_PER_CHUNK):
                pltpu.async_copy(
                    proj_hbm.at[idx_v.at[p].at[j]],
                    rows_v.at[p].at[pl.ds(j * 100, 100)],
                    sems[p],
                )

        def drain(p):
            pltpu.make_async_copy(
                proj_hbm.at[pl.ds(0, rows_n)], rows_v.at[p], sems[p]
            ).wait()

        pltpu.sync_copy(idx_hbm.at[wid * CHUNKS_PER_W], idx_v.at[0])
        fire(0)
        idx_start(1, 1)

        def pair_body(k, carry):
            for p in (0, 1):
                c = 2 * k + p
                idx_drain(1 - p)
                fire(1 - p)
                drain(p)
                idx_start(jnp.minimum(c + 2, last), p)
                rv = rows_v.at[p]
                for g in range(G):
                    base = g * HIST

                    def acc_body(i, accs, base=base, rv=rv):
                        r = base + i * 8
                        return tuple(accs[j] + rv[r + j, :] for j in range(8))

                    z = jnp.zeros((DP,), jnp.float32)
                    a = lax.fori_loop(0, HIST // 8, acc_body, (z,) * 8)
                    out_v[g, :] = (
                        ((a[0] + a[1]) + (a[2] + a[3]))
                        + ((a[4] + a[5]) + (a[6] + a[7]))
                    )
                pltpu.sync_copy(
                    out_v,
                    out_hbm.at[pl.ds((wid * CHUNKS_PER_W + c) * G, G)],
                )
            return carry

        lax.fori_loop(0, CHUNKS_PER_W // 2, pair_body, 0)
        drain(0)
        idx_drain(1)

    return body(proj, idx3)


def kernel(text, table, fc_w, fc_b):
    inv_l = 1.0 / HIST
    w_pad = jnp.zeros((EMBED_DIM, DP), jnp.float32).at[:, :NUM_CLASSES].set(
        fc_w.T * inv_l
    )
    big_w = jnp.kron(jnp.eye(PACK, dtype=jnp.float32), w_pad)
    b_pad = jnp.zeros((DP,), jnp.float32).at[:NUM_CLASSES].set(fc_b * inv_l)
    b_row = jnp.tile(b_pad, PACK)[None, :]
    proj128 = _project_table(
        table.astype(jnp.bfloat16), big_w.astype(jnp.bfloat16), b_row
    )
    proj = proj128.reshape(VOCAB, DP)
    t32 = text.astype(jnp.int32)
    tt = (t32 % VP) * 8 + t32 // VP
    idx3 = tt.reshape(NW * CHUNKS_PER_W, ROWS_PER_CHUNK, 100)
    out16 = _bag_sum(proj, idx3)
    return out16[:, :NUM_CLASSES]

# --- scband reference (transcript-rebuilt; emitter-appended) ---
"""Pipeline reference for scband-twitter-classifier-84610855731754 (READ-ONLY COPY).

The authoritative reference and input builder live on the scoring server;
editing this copy changes nothing except your own understanding.
"""

import jax, jax.numpy as jnp
import numpy as np

VOCAB = 1000000
EMBED_DIM = 64
BATCH = 16384
HIST = 200
NUM_CLASSES = 2


def setup_inputs(seed: int = 0) -> dict:
    key = jax.random.key(seed)
    k1, k2, k3 = jax.random.split(key, 3)
    # forward arg: token indices [B, L] -> EmbeddingBag 2D input (one bag per row)
    text = jax.random.randint(k1, (BATCH, HIST), 0, VOCAB, dtype=jnp.int64)
    # pretrained (frozen) embedding table, per init arg weights_matrix [vocab, embed_dim]
    table = jax.random.normal(k2, (VOCAB, EMBED_DIM), dtype=jnp.float32) * 0.1
    # fc init: uniform(-0.5, 0.5) weight, zero bias (per init_weights)
    fc_w = jax.random.uniform(k3, (NUM_CLASSES, EMBED_DIM), minval=-0.5, maxval=0.5, dtype=jnp.float32)
    fc_b = jnp.zeros((NUM_CLASSES,), dtype=jnp.float32)
    return {"text": text, "table": table, "fc_w": fc_w, "fc_b": fc_b}


def reference(text, table, fc_w, fc_b):
    # nn.EmbeddingBag(mode='mean') with 2D input: gather then mean over bag dim
    emb = jnp.take(table, text, axis=0)          # [B, L, D] gather
    bag = jnp.mean(emb, axis=1)                   # [B, D]
    # nn.Linear
    out = bag @ fc_w.T + fc_b                     # [B, 2]
    return out

if __name__ == "__main__":
    import jax
    _d = setup_inputs()
    print(jax.jit(kernel)(*tuple(_d.values())))

</pallas_src>

<mosaic_0001>
#map = affine_map<(d0, d1) -> (0, 0)>
#map1 = affine_map<(d0, d1) -> (0, 0, 0)>
module attributes {stable_mosaic.version = 14 : i64} {
  func.func @bag_sum(%arg0: i32, %arg1: i32, %arg2: memref<1000000x16xf32, #tpu.memory_space<hbm>>, %arg3: memref<4096x8x100xi32, #tpu.memory_space<hbm>>, %arg4: memref<16384x16xf32, #tpu.memory_space<hbm>>, %arg5: memref<2x8x100xi32, #tpu.memory_space<vmem>>, %arg6: memref<2x800x16xf32, #tpu.memory_space<vmem>>, %arg7: memref<4x16xf32, #tpu.memory_space<vmem>>, %arg8: memref<!tpu.dma_semaphore, #tpu.memory_space<semaphore_mem>>, %arg9: memref<!tpu.dma_semaphore, #tpu.memory_space<semaphore_mem>>, %arg10: memref<!tpu.dma_semaphore, #tpu.memory_space<semaphore_mem>>, %arg11: memref<!tpu.dma_semaphore, #tpu.memory_space<semaphore_mem>>) attributes {dimension_semantics = [#tpu.dimension_semantics<core_parallel>, #tpu.dimension_semantics<subcore_parallel>], iteration_bounds = array<i64: 2, 16>, scalar_prefetch = 0 : i64, scratch_operands = 7 : i64, tpu.core_type = #tpu.core_type<sc_vector_subcore>, window_params = [{transform_indices = #map}, {transform_indices = #map1}, {transform_indices = #map}]} {
    %mul3A = arith.constant 2 : i32
    %mul3A_0 = arith.muli %arg1, %mul3A : i32
    %add3A = arith.addi %mul3A_0, %arg0 : i32
    %mul3A_1 = arith.constant 128 : i32
    %mul3A_2 = arith.muli %add3A, %mul3A_1 : i32
    %run_scoped3A = arith.constant 0 : i32
    "tpu.region"() ({
      %run_scoped3A_220 = tpu.sem_alloc : memref<!tpu.dma_semaphore, #tpu.memory_space<semaphore_mem>>
      %dma_start3A_221 = arith.constant 0 : i32
      %dma_start3A_222 = arith.constant 0 : i32
      %dma_start3A_223 = tpu.memref_slice %arg5[%run_scoped3A, %dma_start3A_221, %dma_start3A_222] : memref<2x8x100xi32, #tpu.memory_space<vmem>> -> memref<1x8x100xi32, #tpu.memory_space<vmem>>
      %dma_start3A_224 = tpu.memref_squeeze %dma_start3A_223 : memref<1x8x100xi32, #tpu.memory_space<vmem>> -> memref<8x100xi32, #tpu.memory_space<vmem>>
      %dma_start3A_225 = arith.constant 0 : i32
      %dma_start3A_226 = arith.constant 0 : i32
      %dma_start3A_227 = tpu.memref_slice %arg3[%mul3A_2, %dma_start3A_225, %dma_start3A_226] : memref<4096x8x100xi32, #tpu.memory_space<hbm>> -> memref<1x8x100xi32, #tpu.memory_space<hbm>>
      %dma_start3A_228 = tpu.memref_squeeze %dma_start3A_227 : memref<1x8x100xi32, #tpu.memory_space<hbm>> -> memref<8x100xi32, #tpu.memory_space<hbm>>
      %dma_start3A_229 = arith.constant 0 : i32
      %dma_start3A_230 = arith.constant 0 : i32
      %dma_start3A_231 = tpu.memref_slice %arg5[%run_scoped3A, %dma_start3A_229, %dma_start3A_230] : memref<2x8x100xi32, #tpu.memory_space<vmem>> -> memref<1x8x100xi32, #tpu.memory_space<vmem>>
      %dma_start3A_232 = tpu.memref_squeeze %dma_start3A_231 : memref<1x8x100xi32, #tpu.memory_space<vmem>> -> memref<8x100xi32, #tpu.memory_space<vmem>>
      %dma_start3A_233 = arith.constant 0 : i32
      %dma_start3A_234 = arith.constant 0 : i32
      %dma_start3A_235 = tpu.memref_slice %arg3[%mul3A_2, %dma_start3A_233, %dma_start3A_234] : memref<4096x8x100xi32, #tpu.memory_space<hbm>> -> memref<1x8x100xi32, #tpu.memory_space<hbm>>
      %dma_start3A_236 = tpu.memref_squeeze %dma_start3A_235 : memref<1x8x100xi32, #tpu.memory_space<hbm>> -> memref<8x100xi32, #tpu.memory_space<hbm>>
      tpu.enqueue_dma source(%dma_start3A_236 : memref<8x100xi32, #tpu.memory_space<hbm>>) target(%dma_start3A_232 : memref<8x100xi32, #tpu.memory_space<vmem>>) target_semaphore(%run_scoped3A_220 : memref<!tpu.dma_semaphore, #tpu.memory_space<semaphore_mem>>)
      %dma_wait3A_237 = arith.constant 0 : i32
      %dma_wait3A_238 = arith.constant 0 : i32
      %dma_wait3A_239 = tpu.memref_slice %arg5[%run_scoped3A, %dma_wait3A_237, %dma_wait3A_238] : memref<2x8x100xi32, #tpu.memory_space<vmem>> -> memref<1x8x100xi32, #tpu.memory_space<vmem>>
      %dma_wait3A_240 = tpu.memref_squeeze %dma_wait3A_239 : memref<1x8x100xi32, #tpu.memory_space<vmem>> -> memref<8x100xi32, #tpu.memory_space<vmem>>
      %dma_wait3A_241 = arith.constant 0 : i32
      %dma_wait3A_242 = arith.constant 0 : i32
      %dma_wait3A_243 = tpu.memref_slice %arg3[%mul3A_2, %dma_wait3A_241, %dma_wait3A_242] : memref<4096x8x100xi32, #tpu.memory_space<hbm>> -> memref<1x8x100xi32, #tpu.memory_space<hbm>>
      %dma_wait3A_244 = tpu.memref_squeeze %dma_wait3A_243 : memref<1x8x100xi32, #tpu.memory_space<hbm>> -> memref<8x100xi32, #tpu.memory_space<hbm>>
      %dma_wait3A_245 = arith.constant 0 : i32
      %dma_wait3A_246 = arith.constant 0 : i32
      %dma_wait3A_247 = tpu.memref_slice %arg5[%run_scoped3A, %dma_wait3A_245, %dma_wait3A_246] : memref<2x8x100xi32, #tpu.memory_space<vmem>> -> memref<1x8x100xi32, #tpu.memory_space<vmem>>
      %dma_wait3A_248 = tpu.memref_squeeze %dma_wait3A_247 : memref<1x8x100xi32, #tpu.memory_space<vmem>> -> memref<8x100xi32, #tpu.memory_space<vmem>>
      %dma_wait3A_249 = arith.constant 0 : i32
      %dma_wait3A_250 = arith.constant 0 : i32
      %dma_wait3A_251 = tpu.memref_slice %arg3[%mul3A_2, %dma_wait3A_249, %dma_wait3A_250] : memref<4096x8x100xi32, #tpu.memory_space<hbm>> -> memref<1x8x100xi32, #tpu.memory_space<hbm>>
      %dma_wait3A_252 = tpu.memref_squeeze %dma_wait3A_251 : memref<1x8x100xi32, #tpu.memory_space<hbm>> -> memref<8x100xi32, #tpu.memory_space<hbm>>
      tpu.wait_dma2 semaphore(%run_scoped3A_220 : memref<!tpu.dma_semaphore, #tpu.memory_space<semaphore_mem>>) src(%dma_wait3A_252 : memref<8x100xi32, #tpu.memory_space<hbm>>) dst(%dma_wait3A_248 : memref<8x100xi32, #tpu.memory_space<vmem>>)
      tpu.yield
    }) : () -> ()
    %dma_start3A = arith.constant 0 : i32
    %dma_start3A_3 = arith.constant 0 : i32
    %dma_start3A_4 = arith.constant 0 : i32
    %dma_start3A_5 = arith.constant 0 : i32
    %dma_start3A_6 = arith.constant 0 : i32
    %dma_start3A_7 = tpu.memref_slice %arg6[%dma_start3A_4, %dma_start3A_5, %dma_start3A_6] : memref<2x800x16xf32, #tpu.memory_space<vmem>> -> memref<1x800x16xf32, #tpu.memory_space<vmem>>
    %dma_start3A_8 = tpu.memref_squeeze %dma_start3A_7 : memref<1x800x16xf32, #tpu.memory_space<vmem>> -> memref<800x16xf32, #tpu.memory_space<vmem>>
    %dma_start3A_9 = arith.constant 0 : i32
    %dma_start3A_10 = arith.constant 0 : i32
    %dma_start3A_11 = tpu.memref_slice %dma_start3A_8[%dma_start3A_9, %dma_start3A_10] : memref<800x16xf32, #tpu.memory_space<vmem>> -> memref<100x16xf32, #tpu.memory_space<vmem>>
    %dma_start3A_12 = arith.constant 0 : i32
    %dma_start3A_13 = arith.constant 0 : i32
    %dma_start3A_14 = tpu.memref_slice %arg5[%dma_start3A, %dma_start3A_12, %dma_start3A_13] : memref<2x8x100xi32, #tpu.memory_space<vmem>> -> memref<1x8x100xi32, #tpu.memory_space<vmem>>
    %dma_start3A_15 = tpu.memref_squeeze %dma_start3A_14 : memref<1x8x100xi32, #tpu.memory_space<vmem>> -> memref<8x100xi32, #tpu.memory_space<vmem>>
    %dma_start3A_16 = arith.constant 0 : i32
    %dma_start3A_17 = tpu.memref_slice %dma_start3A_15[%dma_start3A_3, %dma_start3A_16] : memref<8x100xi32, #tpu.memory_space<vmem>> -> memref<1x100xi32, #tpu.memory_space<vmem>>
    %dma_start3A_18 = tpu.memref_squeeze %dma_start3A_17 : memref<1x100xi32, #tpu.memory_space<vmem>> -> memref<100xi32, #tpu.memory_space<vmem>>
    %dma_start3A_19 = arith.constant 0 : i32
    %dma_start3A_20 = arith.constant 0 : i32
    %dma_start3A_21 = tpu.memref_slice %arg2[%dma_start3A_19, %dma_start3A_20] : memref<1000000x16xf32, #tpu.memory_space<hbm>> -> memref<1000000x16xf32, #tpu.memory_space<hbm>>
    tpu.enqueue_indirect_dma source(%dma_start3A_21 : memref<1000000x16xf32, #tpu.memory_space<hbm>>) target(%dma_start3A_11 : memref<100x16xf32, #tpu.memory_space<vmem>>) offsets(%dma_start3A_18 : memref<100xi32, #tpu.memory_space<vmem>>) semaphore(%arg8 : memref<!tpu.dma_semaphore, #tpu.memory_space<semaphore_mem>>)
    %dma_start3A_22 = arith.constant 0 : i32
    %dma_start3A_23 = arith.constant 1 : i32
    %dma_start3A_24 = arith.constant 0 : i32
    %dma_start3A_25 = arith.constant 0 : i32
    %dma_start3A_26 = arith.constant 0 : i32
    %dma_start3A_27 = tpu.memref_slice %arg6[%dma_start3A_24, %dma_start3A_25, %dma_start3A_26] : memref<2x800x16xf32, #tpu.memory_space<vmem>> -> memref<1x800x16xf32, #tpu.memory_space<vmem>>
    %dma_start3A_28 = tpu.memref_squeeze %dma_start3A_27 : memref<1x800x16xf32, #tpu.memory_space<vmem>> -> memref<800x16xf32, #tpu.memory_space<vmem>>
    %dma_start3A_29 = arith.constant 100 : i32
    %dma_start3A_30 = arith.constant 0 : i32
    %dma_start3A_31 = tpu.memref_slice %dma_start3A_28[%dma_start3A_29, %dma_start3A_30] : memref<800x16xf32, #tpu.memory_space<vmem>> -> memref<100x16xf32, #tpu.memory_space<vmem>>
    %dma_start3A_32 = arith.constant 0 : i32
    %dma_start3A_33 = arith.constant 0 : i32
    %dma_start3A_34 = tpu.memref_slice %arg5[%dma_start3A_22, %dma_start3A_32, %dma_start3A_33] : memref<2x8x100xi32, #tpu.memory_space<vmem>> -> memref<1x8x100xi32, #tpu.memory_space<vmem>>
    %dma_start3A_35 = tpu.memref_squeeze %dma_start3A_34 : memref<1x8x100xi32, #tpu.memory_space<vmem>> -> memref<8x100xi32, #tpu.memory_space<vmem>>
    %dma_start3A_36 = arith.constant 0 : i32
    %dma_start3A_37 = tpu.memref_slice %dma_start3A_35[%dma_start3A_23, %dma_start3A_36] : memref<8x100xi32, #tpu.memory_space<vmem>> -> memref<1x100xi32, #tpu.memory_space<vmem>>
    %dma_start3A_38 = tpu.memref_squeeze %dma_start3A_37 : memref<1x100xi32, #tpu.memory_space<vmem>> -> memref<100xi32, #tpu.memory_space<vmem>>
    %dma_start3A_39 = arith.constant 0 : i32
    %dma_start3A_40 = arith.constant 0 : i32
    %dma_start3A_41 = tpu.memref_slice %arg2[%dma_start3A_39, %dma_start3A_40] : memref<1000000x16xf32, #tpu.memory_space<hbm>> -> memref<1000000x16xf32, #tpu.memory_space<hbm>>
    tpu.enqueue_indirect_dma source(%dma_start3A_41 : memref<1000000x16xf32, #tpu.memory_space<hbm>>) target(%dma_start3A_31 : memref<100x16xf32, #tpu.memory_space<vmem>>) offsets(%dma_start3A_38 : memref<100xi32, #tpu.memory_space<vmem>>) semaphore(%arg8 : memref<!tpu.dma_semaphore, #tpu.memory_space<semaphore_mem>>)
    %dma_start3A_42 = arith.constant 0 : i32
    %dma_start3A_43 = arith.constant 2 : i32
    %dma_start3A_44 = arith.constant 0 : i32
    %dma_start3A_45 = arith.constant 0 : i32
    %dma_start3A_46 = arith.constant 0 : i32
    %dma_start3A_47 = tpu.memref_slice %arg6[%dma_start3A_44, %dma_start3A_45, %dma_start3A_46] : memref<2x800x16xf32, #tpu.memory_space<vmem>> -> memref<1x800x16xf32, #tpu.memory_space<vmem>>
    %dma_start3A_48 = tpu.memref_squeeze %dma_start3A_47 : memref<1x800x16xf32, #tpu.memory_space<vmem>> -> memref<800x16xf32, #tpu.memory_space<vmem>>
    %dma_start3A_49 = arith.constant 200 : i32
    %dma_start3A_50 = arith.constant 0 : i32
    %dma_start3A_51 = tpu.memref_slice %dma_start3A_48[%dma_start3A_49, %dma_start3A_50] : memref<800x16xf32, #tpu.memory_space<vmem>> -> memref<100x16xf32, #tpu.memory_space<vmem>>
    %dma_start3A_52 = arith.constant 0 : i32
    %dma_start3A_53 = arith.constant 0 : i32
    %dma_start3A_54 = tpu.memref_slice %arg5[%dma_start3A_42, %dma_start3A_52, %dma_start3A_53] : memref<2x8x100xi32, #tpu.memory_space<vmem>> -> memref<1x8x100xi32, #tpu.memory_space<vmem>>
    %dma_start3A_55 = tpu.memref_squeeze %dma_start3A_54 : memref<1x8x100xi32, #tpu.memory_space<vmem>> -> memref<8x100xi32, #tpu.memory_space<vmem>>
    %dma_start3A_56 = arith.constant 0 : i32
    %dma_start3A_57 = tpu.memref_slice %dma_start3A_55[%dma_start3A_43, %dma_start3A_56] : memref<8x100xi32, #tpu.memory_space<vmem>> -> memref<1x100xi32, #tpu.memory_space<vmem>>
    %dma_start3A_58 = tpu.memref_squeeze %dma_start3A_57 : memref<1x100xi32, #tpu.memory_space<vmem>> -> memref<100xi32, #tpu.memory_space<vmem>>
    %dma_start3A_59 = arith.constant 0 : i32
    %dma_start3A_60 = arith.constant 0 : i32
    %dma_start3A_61 = tpu.memref_slice %arg2[%dma_start3A_59, %dma_start3A_60] : memref<1000000x16xf32, #tpu.memory_space<hbm>> -> memref<1000000x16xf32, #tpu.memory_space<hbm>>
    tpu.enqueue_indirect_dma source(%dma_start3A_61 : memref<1000000x16xf32, #tpu.memory_space<hbm>>) target(%dma_start3A_51 : memref<100x16xf32, #tpu.memory_space<vmem>>) offsets(%dma_start3A_58 : memref<100xi32, #tpu.memory_space<vmem>>) semaphore(%arg8 : memref<!tpu.dma_semaphore, #tpu.memory_space<semaphore_mem>>)
    %dma_start3A_62 = arith.constant 0 : i32
    %dma_start3A_63 = arith.constant 3 : i32
    %dma_start3A_64 = arith.constant 0 : i32
    %dma_start3A_65 = arith.constant 0 : i32
    %dma_start3A_66 = arith.constant 0 : i32
    %dma_start3A_67 = tpu.memref_slice %arg6[%dma_start3A_64, %dma_start3A_65, %dma_start3A_66] : memref<2x800x16xf32, #tpu.memory_space<vmem>> -> memref<1x800x16xf32, #tpu.memory_space<vmem>>
    %dma_start3A_68 = tpu.memref_squeeze %dma_start3A_67 : memref<1x800x16xf32, #tpu.memory_space<vmem>> -> memref<800x16xf32, #tpu.memory_space<vmem>>
    %dma_start3A_69 = arith.constant 300 : i32
    %dma_start3A_70 = arith.constant 0 : i32
    %dma_start3A_71 = tpu.memref_slice %dma_start3A_68[%dma_start3A_69, %dma_start3A_70] : memref<800x16xf32, #tpu.memory_space<vmem>> -> memref<100x16xf32, #tpu.memory_space<vmem>>
    %dma_start3A_72 = arith.constant 0 : i32
    %dma_start3A_73 = arith.constant 0 : i32
    %dma_start3A_74 = tpu.memref_slice %arg5[%dma_start3A_62, %dma_start3A_72, %dma_start3A_73] : memref<2x8x100xi32, #tpu.memory_space<vmem>> -> memref<1x8x100xi32, #tpu.memory_space<vmem>>
    %dma_start3A_75 = tpu.memref_squeeze %dma_start3A_74 : memref<1x8x100xi32, #tpu.memory_space<vmem>> -> memref<8x100xi32, #tpu.memory_space<vmem>>
    %dma_start3A_76 = arith.constant 0 : i32
    %dma_start3A_77 = tpu.memref_slice %dma_start3A_75[%dma_start3A_63, %dma_start3A_76] : memref<8x100xi32, #tpu.memory_space<vmem>> -> memref<1x100xi32, #tpu.memory_space<vmem>>
    %dma_start3A_78 = tpu.memref_squeeze %dma_start3A_77 : memref<1x100xi32, #tpu.memory_space<vmem>> -> memref<100xi32, #tpu.memory_space<vmem>>
    %dma_start3A_79 = arith.constant 0 : i32
    %dma_start3A_80 = arith.constant 0 : i32
    %dma_start3A_81 = tpu.memref_slice %arg2[%dma_start3A_79, %dma_start3A_80] : memref<1000000x16xf32, #tpu.memory_space<hbm>> -> memref<1000000x16xf32, #tpu.memory_space<hbm>>
    tpu.enqueue_indirect_dma source(%dma_start3A_81 : memref<1000000x16xf32, #tpu.memory_space<hbm>>) target(%dma_start3A_71 : memref<100x16xf32, #tpu.memory_space<vmem>>) offsets(%dma_start3A_78 : memref<100xi32, #tpu.memory_space<vmem>>) semaphore(%arg8 : memref<!tpu.dma_semaphore, #tpu.memory_space<semaphore_mem>>)
    %dma_start3A_82 = arith.constant 0 : i32
    %dma_start3A_83 = arith.constant 4 : i32
    %dma_start3A_84 = arith.constant 0 : i32
    %dma_start3A_85 = arith.constant 0 : i32
    %dma_start3A_86 = arith.constant 0 : i32
    %dma_start3A_87 = tpu.memref_slice %arg6[%dma_start3A_84, %dma_start3A_85, %dma_start3A_86] : memref<2x800x16xf32, #tpu.memory_space<vmem>> -> memref<1x800x16xf32, #tpu.memory_space<vmem>>
    %dma_start3A_88 = tpu.memref_squeeze %dma_start3A_87 : memref<1x800x16xf32, #tpu.memory_space<vmem>> -> memref<800x16xf32, #tpu.memory_space<vmem>>
    %dma_start3A_89 = arith.constant 400 : i32
    %dma_start3A_90 = arith.constant 0 : i32
    %dma_start3A_91 = tpu.memref_slice %dma_start3A_88[%dma_start3A_89, %dma_start3A_90] : memref<800x16xf32, #tpu.memory_space<vmem>> -> memref<100x16xf32, #tpu.memory_space<vmem>>
    %dma_start3A_92 = arith.constant 0 : i32
    %dma_start3A_93 = arith.constant 0 : i32
    %dma_start3A_94 = tpu.memref_slice %arg5[%dma_start3A_82, %dma_start3A_92, %dma_start3A_93] : memref<2x8x100xi32, #tpu.memory_space<vmem>> -> memref<1x8x100xi32, #tpu.memory_space<vmem>>
    %dma_start3A_95 = tpu.memref_squeeze %dma_start3A_94 : memref<1x8x100xi32, #tpu.memory_space<vmem>> -> memref<8x100xi32, #tpu.memory_space<vmem>>
    %dma_start3A_96 = arith.constant 0 : i32
    %dma_start3A_97 = tpu.memref_slice %dma_start3A_95[%dma_start3A_83, %dma_start3A_96] : memref<8x100xi32, #tpu.memory_space<vmem>> -> memref<1x100xi32, #tpu.memory_space<vmem>>
    %dma_start3A_98 = tpu.memref_squeeze %dma_start3A_97 : memref<1x100xi32, #tpu.memory_space<vmem>> -> memref<100xi32, #tpu.memory_space<vmem>>
    %dma_start3A_99 = arith.constant 0 : i32
    %dma_start3A_100 = arith.constant 0 : i32
    %dma_start3A_101 = tpu.memref_slice %arg2[%dma_start3A_99, %dma_start3A_100] : memref<1000000x16xf32, #tpu.memory_space<hbm>> -> memref<1000000x16xf32, #tpu.memory_space<hbm>>
    tpu.enqueue_indirect_dma source(%dma_start3A_101 : memref<1000000x16xf32, #tpu.memory_space<hbm>>) target(%dma_start3A_91 : memref<100x16xf32, #tpu.memory_space<vmem>>) offsets(%dma_start3A_98 : memref<100xi32, #tpu.memory_space<vmem>>) semaphore(%arg8 : memref<!tpu.dma_semaphore, #tpu.memory_space<semaphore_mem>>)
    %dma_start3A_102 = arith.constant 0 : i32
    %dma_start3A_103 = arith.constant 5 : i32
    %dma_start3A_104 = arith.constant 0 : i32
    %dma_start3A_105 = arith.constant 0 : i32
    %dma_start3A_106 = arith.constant 0 : i32
    %dma_start3A_107 = tpu.memref_slice %arg6[%dma_start3A_104, %dma_start3A_105, %dma_start3A_106] : memref<2x800x16xf32, #tpu.memory_space<vmem>> -> memref<1x800x16xf32, #tpu.memory_space<vmem>>
    %dma_start3A_108 = tpu.memref_squeeze %dma_start3A_107 : memref<1x800x16xf32, #tpu.memory_space<vmem>> -> memref<800x16xf32, #tpu.memory_space<vmem>>
    %dma_start3A_109 = arith.constant 500 : i32
    %dma_start3A_110 = arith.constant 0 : i32
    %dma_start3A_111 = tpu.memref_slice %dma_start3A_108[%dma_start3A_109, %dma_start3A_110] : memref<800x16xf32, #tpu.memory_space<vmem>> -> memref<100x16xf32, #tpu.memory_space<vmem>>
    %dma_start3A_112 = arith.constant 0 : i32
    %dma_start3A_113 = arith.constant 0 : i32
    %dma_start3A_114 = tpu.memref_slice %arg5[%dma_start3A_102, %dma_start3A_112, %dma_start3A_113] : memref<2x8x100xi32, #tpu.memory_space<vmem>> -> memref<1x8x100xi32, #tpu.memory_space<vmem>>
    %dma_start3A_115 = tpu.memref_squeeze %dma_start3A_114 : memref<1x8x100xi32, #tpu.memory_space<vmem>> -> memref<8x100xi32, #tpu.memory_space<vmem>>
    %dma_start3A_116 = arith.constant 0 : i32
    %dma_start3A_117 = tpu.memref_slice %dma_start3A_115[%dma_start3A_103, %dma_start3A_116] : memref<8x100xi32, #tpu.memory_space<vmem>> -> memref<1x100xi32, #tpu.memory_space<vmem>>
    %dma_start3A_118 = tpu.memref_squeeze %dma_start3A_117 : memref<1x100xi32, #tpu.memory_space<vmem>> -> memref<100xi32, #tpu.memory_space<vmem>>
    %dma_start3A_119 = arith.constant 0 : i32
    %dma_start3A_120 = arith.constant 0 : i32
    %dma_start3A_121 = tpu.memref_slice %arg2[%dma_start3A_119, %dma_start3A_120] : memref<1000000x16xf32, #tpu.memory_space<hbm>> -> memref<1000000x16xf32, #tpu.memory_space<hbm>>
    tpu.enqueue_indirect_dma source(%dma_start3A_121 : memref<1000000x16xf32, #tpu.memory_space<hbm>>) target(%dma_start3A_111 : memref<100x16xf32, #tpu.memory_space<vmem>>) offsets(%dma_start3A_118 : memref<100xi32, #tpu.memory_space<vmem>>) semaphore(%arg8 : memref<!tpu.dma_semaphore, #tpu.memory_space<semaphore_mem>>)
    %dma_start3A_122 = arith.constant 0 : i32
    %dma_start3A_123 = arith.constant 6 : i32
    %dma_start3A_124 = arith.constant 0 : i32
    %dma_start3A_125 = arith.constant 0 : i32
    %dma_start3A_126 = arith.constant 0 : i32
    %dma_start3A_127 = tpu.memref_slice %arg6[%dma_start3A_124, %dma_start3A_125, %dma_start3A_126] : memref<2x800x16xf32, #tpu.memory_space<vmem>> -> memref<1x800x16xf32, #tpu.memory_space<vmem>>
    %dma_start3A_128 = tpu.memref_squeeze %dma_start3A_127 : memref<1x800x16xf32, #tpu.memory_space<vmem>> -> memref<800x16xf32, #tpu.memory_space<vmem>>
    %dma_start3A_129 = arith.constant 600 : i32
    %dma_start3A_130 = arith.constant 0 : i32
    %dma_start3A_131 = tpu.memref_slice %dma_start3A_128[%dma_start3A_129, %dma_start3A_130] : memref<800x16xf32, #tpu.memory_space<vmem>> -> memref<100x16xf32, #tpu.memory_space<vmem>>
    %dma_start3A_132 = arith.constant 0 : i32
    %dma_start3A_133 = arith.constant 0 : i32
    %dma_start3A_134 = tpu.memref_slice %arg5[%dma_start3A_122, %dma_start3A_132, %dma_start3A_133] : memref<2x8x100xi32, #tpu.memory_space<vmem>> -> memref<1x8x100xi32, #tpu.memory_space<vmem>>
    %dma_start3A_135 = tpu.memref_squeeze %dma_start3A_134 : memref<1x8x100xi32, #tpu.memory_space<vmem>> -> memref<8x100xi32, #tpu.memory_space<vmem>>
    %dma_start3A_136 = arith.constant 0 : i32
    %dma_start3A_137 = tpu.memref_slice %dma_start3A_135[%dma_start3A_123, %dma_start3A_136] : memref<8x100xi32, #tpu.memory_space<vmem>> -> memref<1x100xi32, #tpu.memory_space<vmem>>
    %dma_start3A_138 = tpu.memref_squeeze %dma_start3A_137 : memref<1x100xi32, #tpu.memory_space<vmem>> -> memref<100xi32, #tpu.memory_space<vmem>>
    %dma_start3A_139 = arith.constant 0 : i32
    %dma_start3A_140 = arith.constant 0 : i32
    %dma_start3A_141 = tpu.memref_slice %arg2[%dma_start3A_139, %dma_start3A_140] : memref<1000000x16xf32, #tpu.memory_space<hbm>> -> memref<1000000x16xf32, #tpu.memory_space<hbm>>
    tpu.enqueue_indirect_dma source(%dma_start3A_141 : memref<1000000x16xf32, #tpu.memory_space<hbm>>) target(%dma_start3A_131 : memref<100x16xf32, #tpu.memory_space<vmem>>) offsets(%dma_start3A_138 : memref<100xi32, #tpu.memory_space<vmem>>) semaphore(%arg8 : memref<!tpu.dma_semaphore, #tpu.memory_space<semaphore_mem>>)
    %dma_start3A_142 = arith.constant 0 : i32
    %dma_start3A_143 = arith.constant 7 : i32
    %dma_start3A_144 = arith.constant 0 : i32
    %dma_start3A_145 = arith.constant 0 : i32
    %dma_start3A_146 = arith.constant 0 : i32
    %dma_start3A_147 = tpu.memref_slice %arg6[%dma_start3A_144, %dma_start3A_145, %dma_start3A_146] : memref<2x800x16xf32, #tpu.memory_space<vmem>> -> memref<1x800x16xf32, #tpu.memory_space<vmem>>
    %dma_start3A_148 = tpu.memref_squeeze %dma_start3A_147 : memref<1x800x16xf32, #tpu.memory_space<vmem>> -> memref<800x16xf32, #tpu.memory_space<vmem>>
    %dma_start3A_149 = arith.constant 700 : i32
    %dma_start3A_150 = arith.constant 0 : i32
    %dma_start3A_151 = tpu.memref_slice %dma_start3A_148[%dma_start3A_149, %dma_start3A_150] : memref<800x16xf32, #tpu.memory_space<vmem>> -> memref<100x16xf32, #tpu.memory_space<vmem>>
    %dma_start3A_152 = arith.constant 0 : i32
    %dma_start3A_153 = arith.constant 0 : i32
    %dma_start3A_154 = tpu.memref_slice %arg5[%dma_start3A_142, %dma_start3A_152, %dma_start3A_153] : memref<2x8x100xi32, #tpu.memory_space<vmem>> -> memref<1x8x100xi32, #tpu.memory_space<vmem>>
    %dma_start3A_155 = tpu.memref_squeeze %dma_start3A_154 : memref<1x8x100xi32, #tpu.memory_space<vmem>> -> memref<8x100xi32, #tpu.memory_space<vmem>>
    %dma_start3A_156 = arith.constant 0 : i32
    %dma_start3A_157 = tpu.memref_slice %dma_start3A_155[%dma_start3A_143, %dma_start3A_156] : memref<8x100xi32, #tpu.memory_space<vmem>> -> memref<1x100xi32, #tpu.memory_space<vmem>>
    %dma_start3A_158 = tpu.memref_squeeze %dma_start3A_157 : memref<1x100xi32, #tpu.memory_space<vmem>> -> memref<100xi32, #tpu.memory_space<vmem>>
    %dma_start3A_159 = arith.constant 0 : i32
    %dma_start3A_160 = arith.constant 0 : i32
    %dma_start3A_161 = tpu.memref_slice %arg2[%dma_start3A_159, %dma_start3A_160] : memref<1000000x16xf32, #tpu.memory_space<hbm>> -> memref<1000000x16xf32, #tpu.memory_space<hbm>>
    tpu.enqueue_indirect_dma source(%dma_start3A_161 : memref<1000000x16xf32, #tpu.memory_space<hbm>>) target(%dma_start3A_151 : memref<100x16xf32, #tpu.memory_space<vmem>>) offsets(%dma_start3A_158 : memref<100xi32, #tpu.memory_space<vmem>>) semaphore(%arg8 : memref<!tpu.dma_semaphore, #tpu.memory_space<semaphore_mem>>)
    %mul3A_162 = arith.constant 128 : i32
    %mul3A_163 = arith.muli %add3A, %mul3A_162 : i32
    %add3A_164 = arith.constant 1 : i32
    %add3A_165 = arith.addi %mul3A_163, %add3A_164 : i32
    %dma_start3A_166 = arith.constant 1 : i32
    %dma_start3A_167 = arith.constant 0 : i32
    %dma_start3A_168 = arith.constant 0 : i32
    %dma_start3A_169 = tpu.memref_slice %arg5[%dma_start3A_166, %dma_start3A_167, %dma_start3A_168] : memref<2x8x100xi32, #tpu.memory_space<vmem>> -> memref<1x8x100xi32, #tpu.memory_space<vmem>>
    %dma_start3A_170 = tpu.memref_squeeze %dma_start3A_169 : memref<1x8x100xi32, #tpu.memory_space<vmem>> -> memref<8x100xi32, #tpu.memory_space<vmem>>
    %dma_start3A_171 = arith.constant 0 : i32
    %dma_start3A_172 = arith.constant 0 : i32
    %dma_start3A_173 = tpu.memref_slice %arg3[%add3A_165, %dma_start3A_171, %dma_start3A_172] : memref<4096x8x100xi32, #tpu.memory_space<hbm>> -> memref<1x8x100xi32, #tpu.memory_space<hbm>>
    %dma_start3A_174 = tpu.memref_squeeze %dma_start3A_173 : memref<1x8x100xi32, #tpu.memory_space<hbm>> -> memref<8x100xi32, #tpu.memory_space<hbm>>
    %dma_start3A_175 = arith.constant 0 : i32
    %dma_start3A_176 = arith.constant 0 : i32
    %dma_start3A_177 = tpu.memref_slice %arg5[%dma_start3A_166, %dma_start3A_175, %dma_start3A_176] : memref<2x8x100xi32, #tpu.memory_space<vmem>> -> memref<1x8x100xi32, #tpu.memory_space<vmem>>
    %dma_start3A_178 = tpu.memref_squeeze %dma_start3A_177 : memref<1x8x100xi32, #tpu.memory_space<vmem>> -> memref<8x100xi32, #tpu.memory_space<vmem>>
    %dma_start3A_179 = arith.constant 0 : i32
    %dma_start3A_180 = arith.constant 0 : i32
    %dma_start3A_181 = tpu.memref_slice %arg3[%add3A_165, %dma_start3A_179, %dma_start3A_180] : memref<4096x8x100xi32, #tpu.memory_space<hbm>> -> memref<1x8x100xi32, #tpu.memory_space<hbm>>
    %dma_start3A_182 = tpu.memref_squeeze %dma_start3A_181 : memref<1x8x100xi32, #tpu.memory_space<hbm>> -> memref<8x100xi32, #tpu.memory_space<hbm>>
    tpu.enqueue_dma source(%dma_start3A_182 : memref<8x100xi32, #tpu.memory_space<hbm>>) target(%dma_start3A_178 : memref<8x100xi32, #tpu.memory_space<vmem>>) target_semaphore(%arg11 : memref<!tpu.dma_semaphore, #tpu.memory_space<semaphore_mem>>)
    %scan3A = arith.constant 0 : i32
    %scan3A_183 = arith.constant 0 : i32
    %scan3A_184 = arith.constant 64 : i32
    %scan3A_185 = arith.addi %scan3A_183, %scan3A_184 : i32
    %scan3A_186 = arith.constant 1 : i32
    scf.for %scan3A_220 = %scan3A_183 to %scan3A_185 step %scan3A_186  : i32 {
      %mul3A_221 = arith.constant 2 : i32
      %mul3A_222 = arith.muli %mul3A_221, %scan3A_220 : i32
      %add3A_223 = arith.constant 0 : i32
      %add3A_224 = arith.addi %mul3A_222, %add3A_223 : i32
      %dma_wait3A_225 = arith.constant 0 : i32
      %dma_wait3A_226 = arith.constant 1 : i32
      %dma_wait3A_227 = arith.constant 0 : i32
      %dma_wait3A_228 = arith.constant 0 : i32
      %dma_wait3A_229 = tpu.memref_slice %arg5[%dma_wait3A_226, %dma_wait3A_227, %dma_wait3A_228] : memref<2x8x100xi32, #tpu.memory_space<vmem>> -> memref<1x8x100xi32, #tpu.memory_space<vmem>>
      %dma_wait3A_230 = tpu.memref_squeeze %dma_wait3A_229 : memref<1x8x100xi32, #tpu.memory_space<vmem>> -> memref<8x100xi32, #tpu.memory_space<vmem>>
      %dma_wait3A_231 = arith.constant 0 : i32
      %dma_wait3A_232 = arith.constant 0 : i32
      %dma_wait3A_233 = tpu.memref_slice %arg3[%dma_wait3A_225, %dma_wait3A_231, %dma_wait3A_232] : memref<4096x8x100xi32, #tpu.memory_space<hbm>> -> memref<1x8x100xi32, #tpu.memory_space<hbm>>
      %dma_wait3A_234 = tpu.memref_squeeze %dma_wait3A_233 : memref<1x8x100xi32, #tpu.memory_space<hbm>> -> memref<8x100xi32, #tpu.memory_space<hbm>>
      %dma_wait3A_235 = arith.constant 0 : i32
      %dma_wait3A_236 = arith.constant 0 : i32
      %dma_wait3A_237 = tpu.memref_slice %arg5[%dma_wait3A_226, %dma_wait3A_235, %dma_wait3A_236] : memref<2x8x100xi32, #tpu.memory_space<vmem>> -> memref<1x8x100xi32, #tpu.memory_space<vmem>>
      %dma_wait3A_238 = tpu.memref_squeeze %dma_wait3A_237 : memref<1x8x100xi32, #tpu.memory_space<vmem>> -> memref<8x100xi32, #tpu.memory_space<vmem>>
      %dma_wait3A_239 = arith.constant 0 : i32
      %dma_wait3A_240 = arith.constant 0 : i32
      %dma_wait3A_241 = tpu.memref_slice %arg3[%dma_wait3A_225, %dma_wait3A_239, %dma_wait3A_240] : memref<4096x8x100xi32, #tpu.memory_space<hbm>> -> memref<1x8x100xi32, #tpu.memory_space<hbm>>
      %dma_wait3A_242 = tpu.memref_squeeze %dma_wait3A_241 : memref<1x8x100xi32, #tpu.memory_space<hbm>> -> memref<8x100xi32, #tpu.memory_space<hbm>>
      tpu.wait_dma2 semaphore(%arg11 : memref<!tpu.dma_semaphore, #tpu.memory_space<semaphore_mem>>) src(%dma_wait3A_242 : memref<8x100xi32, #tpu.memory_space<hbm>>) dst(%dma_wait3A_238 : memref<8x100xi32, #tpu.memory_space<vmem>>)
      %dma_start3A_243 = arith.constant 1 : i32
      %dma_start3A_244 = arith.constant 0 : i32
      %dma_start3A_245 = arith.constant 1 : i32
      %dma_start3A_246 = arith.constant 0 : i32
      %dma_start3A_247 = arith.constant 0 : i32
      %dma_start3A_248 = tpu.memref_slice %arg6[%dma_start3A_245, %dma_start3A_246, %dma_start3A_247] : memref<2x800x16xf32, #tpu.memory_space<vmem>> -> memref<1x800x16xf32, #tpu.memory_space<vmem>>
      %dma_start3A_249 = tpu.memref_squeeze %dma_start3A_248 : memref<1x800x16xf32, #tpu.memory_space<vmem>> -> memref<800x16xf32, #tpu.memory_space<vmem>>
      %dma_start3A_250 = arith.constant 0 : i32
      %dma_start3A_251 = arith.constant 0 : i32
      %dma_start3A_252 = tpu.memref_slice %dma_start3A_249[%dma_start3A_250, %dma_start3A_251] : memref<800x16xf32, #tpu.memory_space<vmem>> -> memref<100x16xf32, #tpu.memory_space<vmem>>
      %dma_start3A_253 = arith.constant 0 : i32
      %dma_start3A_254 = arith.constant 0 : i32
      %dma_start3A_255 = tpu.memref_slice %arg5[%dma_start3A_243, %dma_start3A_253, %dma_start3A_254] : memref<2x8x100xi32, #tpu.memory_space<vmem>> -> memref<1x8x100xi32, #tpu.memory_space<vmem>>
      %dma_start3A_256 = tpu.memref_squeeze %dma_start3A_255 : memref<1x8x100xi32, #tpu.memory_space<vmem>> -> memref<8x100xi32, #tpu.memory_space<vmem>>
      %dma_start3A_257 = arith.constant 0 : i32
      %dma_start3A_258 = tpu.memref_slice %dma_start3A_256[%dma_start3A_244, %dma_start3A_257] : memref<8x100xi32, #tpu.memory_space<vmem>> -> memref<1x100xi32, #tpu.memory_space<vmem>>
      %dma_start3A_259 = tpu.memref_squeeze %dma_start3A_258 : memref<1x100xi32, #tpu.memory_space<vmem>> -> memref<100xi32, #tpu.memory_space<vmem>>
      %dma_start3A_260 = arith.constant 0 : i32
      %dma_start3A_261 = arith.constant 0 : i32
      %dma_start3A_262 = tpu.memref_slice %arg2[%dma_start3A_260, %dma_start3A_261] : memref<1000000x16xf32, #tpu.memory_space<hbm>> -> memref<1000000x16xf32, #tpu.memory_space<hbm>>
      tpu.enqueue_indirect_dma source(%dma_start3A_262 : memref<1000000x16xf32, #tpu.memory_space<hbm>>) target(%dma_start3A_252 : memref<100x16xf32, #tpu.memory_space<vmem>>) offsets(%dma_start3A_259 : memref<100xi32, #tpu.memory_space<vmem>>) semaphore(%arg9 : memref<!tpu.dma_semaphore, #tpu.memory_space<semaphore_mem>>)
      %dma_start3A_263 = arith.constant 1 : i32
      %dma_start3A_264 = arith.constant 1 : i32
      %dma_start3A_265 = arith.constant 1 : i32
      %dma_start3A_266 = arith.constant 0 : i32
      %dma_start3A_267 = arith.constant 0 : i32
      %dma_start3A_268 = tpu.memref_slice %arg6[%dma_start3A_265, %dma_start3A_266, %dma_start3A_267] : memref<2x800x16xf32, #tpu.memory_space<vmem>> -> memref<1x800x16xf32, #tpu.memory_space<vmem>>
      %dma_start3A_269 = tpu.memref_squeeze %dma_start3A_268 : memref<1x800x16xf32, #tpu.memory_space<vmem>> -> memref<800x16xf32, #tpu.memory_space<vmem>>
      %dma_start3A_270 = arith.constant 100 : i32
      %dma_start3A_271 = arith.constant 0 : i32
      %dma_start3A_272 = tpu.memref_slice %dma_start3A_269[%dma_start3A_270, %dma_start3A_271] : memref<800x16xf32, #tpu.memory_space<vmem>> -> memref<100x16xf32, #tpu.memory_space<vmem>>
      %dma_start3A_273 = arith.constant 0 : i32
      %dma_start3A_274 = arith.constant 0 : i32
      %dma_start3A_275 = tpu.memref_slice %arg5[%dma_start3A_263, %dma_start3A_273, %dma_start3A_274] : memref<2x8x100xi32, #tpu.memory_space<vmem>> -> memref<1x8x100xi32, #tpu.memory_space<vmem>>
      %dma_start3A_276 = tpu.memref_squeeze %dma_start3A_275 : memref<1x8x100xi32, #tpu.memory_space<vmem>> -> memref<8x100xi32, #tpu.memory_space<vmem>>
      %dma_start3A_277 = arith.constant 0 : i32
      %dma_start3A_278 = tpu.memref_slice %dma_start3A_276[%dma_start3A_264, %dma_start3A_277] : memref<8x100xi32, #tpu.memory_space<vmem>> -> memref<1x100xi32, #tpu.memory_space<vmem>>
      %dma_start3A_279 = tpu.memref_squeeze %dma_start3A_278 : memref<1x100xi32, #tpu.memory_space<vmem>> -> memref<100xi32, #tpu.memory_space<vmem>>
      %dma_start3A_280 = arith.constant 0 : i32
      %dma_start3A_281 = arith.constant 0 : i32
      %dma_start3A_282 = tpu.memref_slice %arg2[%dma_start3A_280, %dma_start3A_281] : memref<1000000x16xf32, #tpu.memory_space<hbm>> -> memref<1000000x16xf32, #tpu.memory_space<hbm>>
      tpu.enqueue_indirect_dma source(%dma_start3A_282 : memref<1000000x16xf32, #tpu.memory_space<hbm>>) target(%dma_start3A_272 : memref<100x16xf32, #tpu.memory_space<vmem>>) offsets(%dma_start3A_279 : memref<100xi32, #tpu.memory_space<vmem>>) semaphore(%arg9 : memref<!tpu.dma_semaphore, #tpu.memory_space<semaphore_mem>>)
      %dma_start3A_283 = arith.constant 1 : i32
      %dma_start3A_284 = arith.constant 2 : i32
      %dma_start3A_285 = arith.constant 1 : i32
      %dma_start3A_286 = arith.constant 0 : i32
      %dma_start3A_287 = arith.constant 0 : i32
      %dma_start3A_288 = tpu.memref_slice %arg6[%dma_start3A_285, %dma_start3A_286, %dma_start3A_287] : memref<2x800x16xf32, #tpu.memory_space<vmem>> -> memref<1x800x16xf32, #tpu.memory_space<vmem>>
      %dma_start3A_289 = tpu.memref_squeeze %dma_start3A_288 : memref<1x800x16xf32, #tpu.memory_space<vmem>> -> memref<800x16xf32, #tpu.memory_space<vmem>>
      %dma_start3A_290 = arith.constant 200 : i32
      %dma_start3A_291 = arith.constant 0 : i32
      %dma_start3A_292 = tpu.memref_slice %dma_start3A_289[%dma_start3A_290, %dma_start3A_291] : memref<800x16xf32, #tpu.memory_space<vmem>> -> memref<100x16xf32, #tpu.memory_space<vmem>>
      %dma_start3A_293 = arith.constant 0 : i32
      %dma_start3A_294 = arith.constant 0 : i32
      %dma_start3A_295 = tpu.memref_slice %arg5[%dma_start3A_283, %dma_start3A_293, %dma_start3A_294] : memref<2x8x100xi32, #tpu.memory_space<vmem>> -> memref<1x8x100xi32, #tpu.memory_space<vmem>>
      %dma_start3A_296 = tpu.memref_squeeze %dma_start3A_295 : memref<1x8x100xi32, #tpu.memory_space<vmem>> -> memref<8x100xi32, #tpu.memory_space<vmem>>
      %dma_start3A_297 = arith.constant 0 : i32
      %dma_start3A_298 = tpu.memref_slice %dma_start3A_296[%dma_start3A_284, %dma_start3A_297] : memref<8x100xi32, #tpu.memory_space<vmem>> -> memref<1x100xi32, #tpu.memory_space<vmem>>
      %dma_start3A_299 = tpu.memref_squeeze %dma_start3A_298 : memref<1x100xi32, #tpu.memory_space<vmem>> -> memref<100xi32, #tpu.memory_space<vmem>>
      %dma_start3A_300 = arith.constant 0 : i32
      %dma_start3A_301 = arith.constant 0 : i32
      %dma_start3A_302 = tpu.memref_slice %arg2[%dma_start3A_300, %dma_start3A_301] : memref<1000000x16xf32, #tpu.memory_space<hbm>> -> memref<1000000x16xf32, #tpu.memory_space<hbm>>
      tpu.enqueue_indirect_dma source(%dma_start3A_302 : memref<1000000x16xf32, #tpu.memory_space<hbm>>) target(%dma_start3A_292 : memref<100x16xf32, #tpu.memory_space<vmem>>) offsets(%dma_start3A_299 : memref<100xi32, #tpu.memory_space<vmem>>) semaphore(%arg9 : memref<!tpu.dma_semaphore, #tpu.memory_space<semaphore_mem>>)
      %dma_start3A_303 = arith.constant 1 : i32
      %dma_start3A_304 = arith.constant 3 : i32
      %dma_start3A_305 = arith.constant 1 : i32
      %dma_start3A_306 = arith.constant 0 : i32
      %dma_start3A_307 = arith.constant 0 : i32
      %dma_start3A_308 = tpu.memref_slice %arg6[%dma_start3A_305, %dma_start3A_306, %dma_start3A_307] : memref<2x800x16xf32, #tpu.memory_space<vmem>> -> memref<1x800x16xf32, #tpu.memory_space<vmem>>
      %dma_start3A_309 = tpu.memref_squeeze %dma_start3A_308 : memref<1x800x16xf32, #tpu.memory_space<vmem>> -> memref<800x16xf32, #tpu.memory_space<vmem>>
      %dma_start3A_310 = arith.constant 300 : i32
      %dma_start3A_311 = arith.constant 0 : i32
      %dma_start3A_312 = tpu.memref_slice %dma_start3A_309[%dma_start3A_310, %dma_start3A_311] : memref<800x16xf32, #tpu.memory_space<vmem>> -> memref<100x16xf32, #tpu.memory_space<vmem>>
      %dma_start3A_313 = arith.constant 0 : i32
      %dma_start3A_314 = arith.constant 0 : i32
      %dma_start3A_315 = tpu.memref_slice %arg5[%dma_start3A_303, %dma_start3A_313, %dma_start3A_314] : memref<2x8x100xi32, #tpu.memory_space<vmem>> -> memref<1x8x100xi32, #tpu.memory_space<vmem>>
      %dma_start3A_316 = tpu.memref_squeeze %dma_start3A_315 : memref<1x8x100xi32, #tpu.memory_space<vmem>> -> memref<8x100xi32, #tpu.memory_space<vmem>>
      %dma_start3A_317 = arith.constant 0 : i32
      %dma_start3A_318 = tpu.memref_slice %dma_start3A_316[%dma_start3A_304, %dma_start3A_317] : memref<8x100xi32, #tpu.memory_space<vmem>> -> memref<1x100xi32, #tpu.memory_space<vmem>>
      %dma_start3A_319 = tpu.memref_squeeze %dma_start3A_318 : memref<1x100xi32, #tpu.memory_space<vmem>> -> memref<100xi32, #tpu.memory_space<vmem>>
      %dma_start3A_320 = arith.constant 0 : i32
      %dma_start3A_321 = arith.constant 0 : i32
      %dma_start3A_322 = tpu.memref_slice %arg2[%dma_start3A_320, %dma_start3A_321] : memref<1000000x16xf32, #tpu.memory_space<hbm>> -> memref<1000000x16xf32, #tpu.memory_space<hbm>>
      tpu.enqueue_indirect_dma source(%dma_start3A_322 : memref<1000000x16xf32, #tpu.memory_space<hbm>>) target(%dma_start3A_312 : memref<100x16xf32, #tpu.memory_space<vmem>>) offsets(%dma_start3A_319 : memref<100xi32, #tpu.memory_space<vmem>>) semaphore(%arg9 : memref<!tpu.dma_semaphore, #tpu.memory_space<semaphore_mem>>)
      %dma_start3A_323 = arith.constant 1 : i32
      %dma_start3A_324 = arith.constant 4 : i32
      %dma_start3A_325 = arith.constant 1 : i32
      %dma_start3A_326 = arith.constant 0 : i32
      %dma_start3A_327 = arith.constant 0 : i32
      %dma_start3A_328 = tpu.memref_slice %arg6[%dma_start3A_325, %dma_start3A_326, %dma_start3A_327] : memref<2x800x16xf32, #tpu.memory_space<vmem>> -> memref<1x800x16xf32, #tpu.memory_space<vmem>>
      %dma_start3A_329 = tpu.memref_squeeze %dma_start3A_328 : memref<1x800x16xf32, #tpu.memory_space<vmem>> -> memref<800x16xf32, #tpu.memory_space<vmem>>
      %dma_start3A_330 = arith.constant 400 : i32
      %dma_start3A_331 = arith.constant 0 : i32
      %dma_start3A_332 = tpu.memref_slice %dma_start3A_329[%dma_start3A_330, %dma_start3A_331] : memref<800x16xf32, #tpu.memory_space<vmem>> -> memref<100x16xf32, #tpu.memory_space<vmem>>
      %dma_start3A_333 = arith.constant 0 : i32
      %dma_start3A_334 = arith.constant 0 : i32
      %dma_start3A_335 = tpu.memref_slice %arg5[%dma_start3A_323, %dma_start3A_333, %dma_start3A_334] : memref<2x8x100xi32, #tpu.memory_space<vmem>> -> memref<1x8x100xi32, #tpu.memory_space<vmem>>
      %dma_start3A_336 = tpu.memref_squeeze %dma_start3A_335 : memref<1x8x100xi32, #tpu.memory_space<vmem>> -> memref<8x100xi32, #tpu.memory_space<vmem>>
      %dma_start3A_337 = arith.constant 0 : i32
      %dma_start3A_338 = tpu.memref_slice %dma_start3A_336[%dma_start3A_324, %dma_start3A_337] : memref<8x100xi32, #tpu.memory_space<vmem>> -> memref<1x100xi32, #tpu.memory_space<vmem>>
      %dma_start3A_339 = tpu.memref_squeeze %dma_start3A_338 : memref<1x100xi32, #tpu.memory_space<vmem>> -> memref<100xi32, #tpu.memory_space<vmem>>
      %dma_start3A_340 = arith.constant 0 : i32
      %dma_start3A_341 = arith.constant 0 : i32
      %dma_start3A_342 = tpu.memref_slice %arg2[%dma_start3A_340, %dma_start3A_341] : memref<1000000x16xf32, #tpu.memory_space<hbm>> -> memref<1000000x16xf32, #tpu.memory_space<hbm>>
      tpu.enqueue_indirect_dma source(%dma_start3A_342 : memref<1000000x16xf32, #tpu.memory_space<hbm>>) target(%dma_start3A_332 : memref<100x16xf32, #tpu.memory_space<vmem>>) offsets(%dma_start3A_339 : memref<100xi32, #tpu.memory_space<vmem>>) semaphore(%arg9 : memref<!tpu.dma_semaphore, #tpu.memory_space<semaphore_mem>>)
      %dma_start3A_343 = arith.constant 1 : i32
      %dma_start3A_344 = arith.constant 5 : i32
      %dma_start3A_345 = arith.constant 1 : i32
      %dma_start3A_346 = arith.constant 0 : i32
      %dma_start3A_347 = arith.constant 0 : i32
      %dma_start3A_348 = tpu.memref_slice %arg6[%dma_start3A_345, %dma_start3A_346, %dma_start3A_347] : memref<2x800x16xf32, #tpu.memory_space<vmem>> -> memref<1x800x16xf32, #tpu.memory_space<vmem>>
      %dma_start3A_349 = tpu.memref_squeeze %dma_start3A_348 : memref<1x800x16xf32, #tpu.memory_space<vmem>> -> memref<800x16xf32, #tpu.memory_space<vmem>>
      %dma_start3A_350 = arith.constant 500 : i32
      %dma_start3A_351 = arith.constant 0 : i32
      %dma_start3A_352 = tpu.memref_slice %dma_start3A_349[%dma_start3A_350, %dma_start3A_351] : memref<800x16xf32, #tpu.memory_space<vmem>> -> memref<100x16xf32, #tpu.memory_space<vmem>>
      %dma_start3A_353 = arith.constant 0 : i32
      %dma_start3A_354 = arith.constant 0 : i32
      %dma_start3A_355 = tpu.memref_slice %arg5[%dma_start3A_343, %dma_start3A_353, %dma_start3A_354] : memref<2x8x100xi32, #tpu.memory_space<vmem>> -> memref<1x8x100xi32, #tpu.memory_space<vmem>>
      %dma_start3A_356 = tpu.memref_squeeze %dma_start3A_355 : memref<1x8x100xi32, #tpu.memory_space<vmem>> -> memref<8x100xi32, #tpu.memory_space<vmem>>
      %dma_start3A_357 = arith.constant 0 : i32
      %dma_start3A_358 = tpu.memref_slice %dma_start3A_356[%dma_start3A_344, %dma_start3A_357] : memref<8x100xi32, #tpu.memory_space<vmem>> -> memref<1x100xi32, #tpu.memory_space<vmem>>
      %dma_start3A_359 = tpu.memref_squeeze %dma_start3A_358 : memref<1x100xi32, #tpu.memory_space<vmem>> -> memref<100xi32, #tpu.memory_space<vmem>>
      %dma_start3A_360 = arith.constant 0 : i32
      %dma_start3A_361 = arith.constant 0 : i32
      %dma_start3A_362 = tpu.memref_slice %arg2[%dma_start3A_360, %dma_start3A_361] : memref<1000000x16xf32, #tpu.memory_space<hbm>> -> memref<1000000x16xf32, #tpu.memory_space<hbm>>
      tpu.enqueue_indirect_dma source(%dma_start3A_362 : memref<1000000x16xf32, #tpu.memory_space<hbm>>) target(%dma_start3A_352 : memref<100x16xf32, #tpu.memory_space<vmem>>) offsets(%dma_start3A_359 : memref<100xi32, #tpu.memory_space<vmem>>) semaphore(%arg9 : memref<!tpu.dma_semaphore, #tpu.memory_space<semaphore_mem>>)
      %dma_start3A_363 = arith.constant 1 : i32
      %dma_start3A_364 = arith.constant 6 : i32
      %dma_start3A_365 = arith.constant 1 : i32
      %dma_start3A_366 = arith.constant 0 : i32
      %dma_start3A_367 = arith.constant 0 : i32
      %dma_start3A_368 = tpu.memref_slice %arg6[%dma_start3A_365, %dma_start3A_366, %dma_start3A_367] : memref<2x800x16xf32, #tpu.memory_space<vmem>> -> memref<1x800x16xf32, #tpu.memory_space<vmem>>
      %dma_start3A_369 = tpu.memref_squeeze %dma_start3A_368 : memref<1x800x16xf32, #tpu.memory_space<vmem>> -> memref<800x16xf32, #tpu.memory_space<vmem>>
      %dma_start3A_370 = arith.constant 600 : i32
      %dma_start3A_371 = arith.constant 0 : i32
      %dma_start3A_372 = tpu.memref_slice %dma_start3A_369[%dma_start3A_370, %dma_start3A_371] : memref<800x16xf32, #tpu.memory_space<vmem>> -> memref<100x16xf32, #tpu.memory_space<vmem>>
      %dma_start3A_373 = arith.constant 0 : i32
      %dma_start3A_374 = arith.constant 0 : i32
      %dma_start3A_375 = tpu.memref_slice %arg5[%dma_start3A_363, %dma_start3A_373, %dma_start3A_374] : memref<2x8x100xi32, #tpu.memory_space<vmem>> -> memref<1x8x100xi32, #tpu.memory_space<vmem>>
      %dma_start3A_376 = tpu.memref_squeeze %dma_start3A_375 : memref<1x8x100xi32, #tpu.memory_space<vmem>> -> memref<8x100xi32, #tpu.memory_space<vmem>>
      %dma_start3A_377 = arith.constant 0 : i32
      %dma_start3A_378 = tpu.memref_slice %dma_start3A_376[%dma_start3A_364, %dma_start3A_377] : memref<8x100xi32, #tpu.memory_space<vmem>> -> memref<1x100xi32, #tpu.memory_space<vmem>>
      %dma_start3A_379 = tpu.memref_squeeze %dma_start3A_378 : memref<1x100xi32, #tpu.memory_space<vmem>> -> memref<100xi32, #tpu.memory_space<vmem>>
      %dma_start3A_380 = arith.constant 0 : i32
      %dma_start3A_381 = arith.constant 0 : i32
      %dma_start3A_382 = tpu.memref_slice %arg2[%dma_start3A_380, %dma_start3A_381] : memref<1000000x16xf32, #tpu.memory_space<hbm>> -> memref<1000000x16xf32, #tpu.memory_space<hbm>>
      tpu.enqueue_indirect_dma source(%dma_start3A_382 : memref<1000000x16xf32, #tpu.memory_space<hbm>>) target(%dma_start3A_372 : memref<100x16xf32, #tpu.memory_space<vmem>>) offsets(%dma_start3A_379 : memref<100xi32, #tpu.memory_space<vmem>>) semaphore(%arg9 : memref<!tpu.dma_semaphore, #tpu.memory_space<semaphore_mem>>)
      %dma_start3A_383 = arith.constant 1 : i32
      %dma_start3A_384 = arith.constant 7 : i32
      %dma_start3A_385 = arith.constant 1 : i32
      %dma_start3A_386 = arith.constant 0 : i32
      %dma_start3A_387 = arith.constant 0 : i32
      %dma_start3A_388 = tpu.memref_slice %arg6[%dma_start3A_385, %dma_start3A_386, %dma_start3A_387] : memref<2x800x16xf32, #tpu.memory_space<vmem>> -> memref<1x800x16xf32, #tpu.memory_space<vmem>>
      %dma_start3A_389 = tpu.memref_squeeze %dma_start3A_388 : memref<1x800x16xf32, #tpu.memory_space<vmem>> -> memref<800x16xf32, #tpu.memory_space<vmem>>
      %dma_start3A_390 = arith.constant 700 : i32
      %dma_start3A_391 = arith.constant 0 : i32
      %dma_start3A_392 = tpu.memref_slice %dma_start3A_389[%dma_start3A_390, %dma_start3A_391] : memref<800x16xf32, #tpu.memory_space<vmem>> -> memref<100x16xf32, #tpu.memory_space<vmem>>
      %dma_start3A_393 = arith.constant 0 : i32
      %dma_start3A_394 = arith.constant 0 : i32
      %dma_start3A_395 = tpu.memref_slice %arg5[%dma_start3A_383, %dma_start3A_393, %dma_start3A_394] : memref<2x8x100xi32, #tpu.memory_space<vmem>> -> memref<1x8x100xi32, #tpu.memory_space<vmem>>
      %dma_start3A_396 = tpu.memref_squeeze %dma_start3A_395 : memref<1x8x100xi32, #tpu.memory_space<vmem>> -> memref<8x100xi32, #tpu.memory_space<vmem>>
      %dma_start3A_397 = arith.constant 0 : i32
      %dma_start3A_398 = tpu.memref_slice %dma_start3A_396[%dma_start3A_384, %dma_start3A_397] : memref<8x100xi32, #tpu.memory_space<vmem>> -> memref<1x100xi32, #tpu.memory_space<vmem>>
      %dma_start3A_399 = tpu.memref_squeeze %dma_start3A_398 : memref<1x100xi32, #tpu.memory_space<vmem>> -> memref<100xi32, #tpu.memory_space<vmem>>
      %dma_start3A_400 = arith.constant 0 : i32
      %dma_start3A_401 = arith.constant 0 : i32
      %dma_start3A_402 = tpu.memref_slice %arg2[%dma_start3A_400, %dma_start3A_401] : memref<1000000x16xf32, #tpu.memory_space<hbm>> -> memref<1000000x16xf32, #tpu.memory_space<hbm>>
      tpu.enqueue_indirect_dma source(%dma_start3A_402 : memref<1000000x16xf32, #tpu.memory_space<hbm>>) target(%dma_start3A_392 : memref<100x16xf32, #tpu.memory_space<vmem>>) offsets(%dma_start3A_399 : memref<100xi32, #tpu.memory_space<vmem>>) semaphore(%arg9 : memref<!tpu.dma_semaphore, #tpu.memory_space<semaphore_mem>>)
      %dma_wait3A_403 = arith.constant 0 : i32
      %dma_wait3A_404 = arith.constant 0 : i32
      %dma_wait3A_405 = arith.constant 0 : i32
      %dma_wait3A_406 = tpu.memref_slice %arg6[%dma_wait3A_403, %dma_wait3A_404, %dma_wait3A_405] : memref<2x800x16xf32, #tpu.memory_space<vmem>> -> memref<1x800x16xf32, #tpu.memory_space<vmem>>
      %dma_wait3A_407 = tpu.memref_squeeze %dma_wait3A_406 : memref<1x800x16xf32, #tpu.memory_space<vmem>> -> memref<800x16xf32, #tpu.memory_space<vmem>>
      %dma_wait3A_408 = arith.constant 0 : i32
      %dma_wait3A_409 = arith.constant 0 : i32
      %dma_wait3A_410 = tpu.memref_slice %arg2[%dma_wait3A_408, %dma_wait3A_409] : memref<1000000x16xf32, #tpu.memory_space<hbm>> -> memref<800x16xf32, #tpu.memory_space<hbm>>
      %dma_wait3A_411 = arith.constant 0 : i32
      %dma_wait3A_412 = arith.constant 0 : i32
      %dma_wait3A_413 = tpu.memref_slice %arg6[%dma_wait3A_403, %dma_wait3A_411, %dma_wait3A_412] : memref<2x800x16xf32, #tpu.memory_space<vmem>> -> memref<1x800x16xf32, #tpu.memory_space<vmem>>
      %dma_wait3A_414 = tpu.memref_squeeze %dma_wait3A_413 : memref<1x800x16xf32, #tpu.memory_space<vmem>> -> memref<800x16xf32, #tpu.memory_space<vmem>>
      %dma_wait3A_415 = arith.constant 0 : i32
      %dma_wait3A_416 = arith.constant 0 : i32
      %dma_wait3A_417 = tpu.memref_slice %arg2[%dma_wait3A_415, %dma_wait3A_416] : memref<1000000x16xf32, #tpu.memory_space<hbm>> -> memref<800x16xf32, #tpu.memory_space<hbm>>
      tpu.wait_dma2 semaphore(%arg8 : memref<!tpu.dma_semaphore, #tpu.memory_space<semaphore_mem>>) src(%dma_wait3A_417 : memref<800x16xf32, #tpu.memory_space<hbm>>) dst(%dma_wait3A_414 : memref<800x16xf32, #tpu.memory_space<vmem>>)
      %add3A_418 = arith.constant 2 : i32
      %add3A_419 = arith.addi %add3A_224, %add3A_418 : i32
      %min3A = arith.constant 127 : i32
      %min3A_420 = arith.minsi %add3A_419, %min3A : i32
      %mul3A_421 = arith.constant 128 : i32
      %mul3A_422 = arith.muli %add3A, %mul3A_421 : i32
      %add3A_423 = arith.addi %mul3A_422, %min3A_420 : i32
      %dma_start3A_424 = arith.constant 0 : i32
      %dma_start3A_425 = arith.constant 0 : i32
      %dma_start3A_426 = arith.constant 0 : i32
      %dma_start3A_427 = tpu.memref_slice %arg5[%dma_start3A_424, %dma_start3A_425, %dma_start3A_426] : memref<2x8x100xi32, #tpu.memory_space<vmem>> -> memref<1x8x100xi32, #tpu.memory_space<vmem>>
      %dma_start3A_428 = tpu.memref_squeeze %dma_start3A_427 : memref<1x8x100xi32, #tpu.memory_space<vmem>> -> memref<8x100xi32, #tpu.memory_space<vmem>>
      %dma_start3A_429 = arith.constant 0 : i32
      %dma_start3A_430 = arith.constant 0 : i32
      %dma_start3A_431 = tpu.memref_slice %arg3[%add3A_423, %dma_start3A_429, %dma_start3A_430] : memref<4096x8x100xi32, #tpu.memory_space<hbm>> -> memref<1x8x100xi32, #tpu.memory_space<hbm>>
      %dma_start3A_432 = tpu.memref_squeeze %dma_start3A_431 : memref<1x8x100xi32, #tpu.memory_space<hbm>> -> memref<8x100xi32, #tpu.memory_space<hbm>>
      %dma_start3A_433 = arith.constant 0 : i32
      %dma_start3A_434 = arith.constant 0 : i32
      %dma_start3A_435 = tpu.memref_slice %arg5[%dma_start3A_424, %dma_start3A_433, %dma_start3A_434] : memref<2x8x100xi32, #tpu.memory_space<vmem>> -> memref<1x8x100xi32, #tpu.memory_space<vmem>>
      %dma_start3A_436 = tpu.memref_squeeze %dma_start3A_435 : memref<1x8x100xi32, #tpu.memory_space<vmem>> -> memref<8x100xi32, #tpu.memory_space<vmem>>
      %dma_start3A_437 = arith.constant 0 : i32
      %dma_start3A_438 = arith.constant 0 : i32
      %dma_start3A_439 = tpu.memref_slice %arg3[%add3A_423, %dma_start3A_437, %dma_start3A_438] : memref<4096x8x100xi32, #tpu.memory_space<hbm>> -> memref<1x8x100xi32, #tpu.memory_space<hbm>>
      %dma_start3A_440 = tpu.memref_squeeze %dma_start3A_439 : memref<1x8x100xi32, #tpu.memory_space<hbm>> -> memref<8x100xi32, #tpu.memory_space<hbm>>
      tpu.enqueue_dma source(%dma_start3A_440 : memref<8x100xi32, #tpu.memory_space<hbm>>) target(%dma_start3A_436 : memref<8x100xi32, #tpu.memory_space<vmem>>) target_semaphore(%arg10 : memref<!tpu.dma_semaphore, #tpu.memory_space<semaphore_mem>>)
      %broadcast_in_dim3A = arith.constant 0.000000e+00 : f32
      %broadcast_in_dim3A_441 = vector.broadcast %broadcast_in_dim3A : f32 to vector<16xf32>
      %scan3A_442 = arith.constant 0 : i32
      %scan3A_443 = arith.constant 0 : i32
      %scan3A_444 = arith.constant 25 : i32
      %scan3A_445 = arith.addi %scan3A_443, %scan3A_444 : i32
      %scan3A_446 = arith.constant 1 : i32
      %scan3A_447:8 = scf.for %scan3A_846 = %scan3A_443 to %scan3A_445 step %scan3A_446 iter_args(%scan3A_847 = %broadcast_in_dim3A_441, %scan3A_848 = %broadcast_in_dim3A_441, %scan3A_849 = %broadcast_in_dim3A_441, %scan3A_850 = %broadcast_in_dim3A_441, %scan3A_851 = %broadcast_in_dim3A_441, %scan3A_852 = %broadcast_in_dim3A_441, %scan3A_853 = %broadcast_in_dim3A_441, %scan3A_854 = %broadcast_in_dim3A_441) -> (vector<16xf32>, vector<16xf32>, vector<16xf32>, vector<16xf32>, vector<16xf32>, vector<16xf32>, vector<16xf32>, vector<16xf32>)  : i32 {
        %mul3A_855 = arith.constant 8 : i32
        %mul3A_856 = arith.muli %scan3A_846, %mul3A_855 : i32
        %add3A_857 = arith.constant 0 : i32
        %add3A_858 = arith.addi %add3A_857, %mul3A_856 : i32
        %add3A_859 = arith.constant 0 : i32
        %add3A_860 = arith.addi %add3A_858, %add3A_859 : i32
        %get3A = arith.constant 0 : i32
        %get3A_861 = arith.constant 0 : i32
        %get3A_862 = tpu.memref_slice %arg6[%scan3A_442, %get3A, %get3A_861] : memref<2x800x16xf32, #tpu.memory_space<vmem>> -> memref<1x800x16xf32, #tpu.memory_space<vmem>>
        %get3A_863 = tpu.memref_squeeze %get3A_862 : memref<1x800x16xf32, #tpu.memory_space<vmem>> -> memref<800x16xf32, #tpu.memory_space<vmem>>
        %get3A_864 = arith.index_cast %add3A_860 : i32 to index
        %get3A_865 = arith.constant 0 : index
        %get3A_866 = tpu.vector_load %get3A_863[%get3A_864, %get3A_865] {strides = array<i32>} : memref<800x16xf32, #tpu.memory_space<vmem>>, vector<1x16xf32>,
        %get3A_867 = vector.shape_cast %get3A_866 : vector<1x16xf32> to vector<16xf32>
        %add3A_868 = arith.addf %scan3A_847, %get3A_867 : vector<16xf32>
        %add3A_869 = arith.constant 1 : i32
        %add3A_870 = arith.addi %add3A_858, %add3A_869 : i32
        %get3A_871 = arith.constant 0 : i32
        %get3A_872 = arith.constant 0 : i32
        %get3A_873 = tpu.memref_slice %arg6[%scan3A_442, %get3A_871, %get3A_872] : memref<2x800x16xf32, #tpu.memory_space<vmem>> -> memref<1x800x16xf32, #tpu.memory_space<vmem>>
        %get3A_874 = tpu.memref_squeeze %get3A_873 : memref<1x800x16xf32, #tpu.memory_space<vmem>> -> memref<800x16xf32, #tpu.memory_space<vmem>>
        %get3A_875 = arith.index_cast %add3A_870 : i32 to index
        %get3A_876 = arith.constant 0 : index
        %get3A_877 = tpu.vector_load %get3A_874[%get3A_875, %get3A_876] {strides = array<i32>} : memref<800x16xf32, #tpu.memory_space<vmem>>, vector<1x16xf32>,
        %get3A_878 = vector.shape_cast %get3A_877 : vector<1x16xf32> to vector<16xf32>
        %add3A_879 = arith.addf %scan3A_848, %get3A_878 : vector<16xf32>
        %add3A_880 = arith.constant 2 : i32
        %add3A_881 = arith.addi %add3A_858, %add3A_880 : i32
        %get3A_882 = arith.constant 0 : i32
        %get3A_883 = arith.constant 0 : i32
        %get3A_884 = tpu.memref_slice %arg6[%scan3A_442, %get3A_882, %get3A_883] : memref<2x800x16xf32, #tpu.memory_space<vmem>> -> memref<1x800x16xf32, #tpu.memory_space<vmem>>
        %get3A_885 = tpu.memref_squeeze %get3A_884 : memref<1x800x16xf32, #tpu.memory_space<vmem>> -> memref<800x16xf32, #tpu.memory_space<vmem>>
        %get3A_886 = arith.index_cast %add3A_881 : i32 to index
        %get3A_887 = arith.constant 0 : index
        %get3A_888 = tpu.vector_load %get3A_885[%get3A_886, %get3A_887] {strides = array<i32>} : memref<800x16xf32, #tpu.memory_space<vmem>>, vector<1x16xf32>,
        %get3A_889 = vector.shape_cast %get3A_888 : vector<1x16xf32> to vector<16xf32>
        %add3A_890 = arith.addf %scan3A_849, %get3A_889 : vector<16xf32>
        %add3A_891 = arith.constant 3 : i32
        %add3A_892 = arith.addi %add3A_858, %add3A_891 : i32
        %get3A_893 = arith.constant 0 : i32
        %get3A_894 = arith.constant 0 : i32
        %get3A_895 = tpu.memref_slice %arg6[%scan3A_442, %get3A_893, %get3A_894] : memref<2x800x16xf32, #tpu.memory_space<vmem>> -> memref<1x800x16xf32, #tpu.memory_space<vmem>>
        %get3A_896 = tpu.memref_squeeze %get3A_895 : memref<1x800x16xf32, #tpu.memory_space<vmem>> -> memref<800x16xf32, #tpu.memory_space<vmem>>
        %get3A_897 = arith.index_cast %add3A_892 : i32 to index
        %get3A_898 = arith.constant 0 : index
        %get3A_899 = tpu.vector_load %get3A_896[%get3A_897, %get3A_898] {strides = array<i32>} : memref<800x16xf32, #tpu.memory_space<vmem>>, vector<1x16xf32>,
        %get3A_900 = vector.shape_cast %get3A_899 : vector<1x16xf32> to vector<16xf32>
        %add3A_901 = arith.addf %scan3A_850, %get3A_900 : vector<16xf32>
        %add3A_902 = arith.constant 4 : i32
        %add3A_903 = arith.addi %add3A_858, %add3A_902 : i32
        %get3A_904 = arith.constant 0 : i32
        %get3A_905 = arith.constant 0 : i32
        %get3A_906 = tpu.memref_slice %arg6[%scan3A_442, %get3A_904, %get3A_905] : memref<2x800x16xf32, #tpu.memory_space<vmem>> -> memref<1x800x16xf32, #tpu.memory_space<vmem>>
        %get3A_907 = tpu.memref_squeeze %get3A_906 : memref<1x800x16xf32, #tpu.memory_space<vmem>> -> memref<800x16xf32, #tpu.memory_space<vmem>>
        %get3A_908 = arith.index_cast %add3A_903 : i32 to index
        %get3A_909 = arith.constant 0 : index
        %get3A_910 = tpu.vector_load %get3A_907[%get3A_908, %get3A_909] {strides = array<i32>} : memref<800x16xf32, #tpu.memory_space<vmem>>, vector<1x16xf32>,
        %get3A_911 = vector.shape_cast %get3A_910 : vector<1x16xf32> to vector<16xf32>
        %add3A_912 = arith.addf %scan3A_851, %get3A_911 : vector<16xf32>
        %add3A_913 = arith.constant 5 : i32
        %add3A_914 = arith.addi %add3A_858, %add3A_913 : i32
        %get3A_915 = arith.constant 0 : i32
        %get3A_916 = arith.constant 0 : i32
        %get3A_917 = tpu.memref_slice %arg6[%scan3A_442, %get3A_915, %get3A_916] : memref<2x800x16xf32, #tpu.memory_space<vmem>> -> memref<1x800x16xf32, #tpu.memory_space<vmem>>
        %get3A_918 = tpu.memref_squeeze %get3A_917 : memref<1x800x16xf32, #tpu.memory_space<vmem>> -> memref<800x16xf32, #tpu.memory_space<vmem>>
        %get3A_919 = arith.index_cast %add3A_914 : i32 to index
        %get3A_920 = arith.constant 0 : index
        %get3A_921 = tpu.vector_load %get3A_918[%get3A_919, %get3A_920] {strides = array<i32>} : memref<800x16xf32, #tpu.memory_space<vmem>>, vector<1x16xf32>,
        %get3A_922 = vector.shape_cast %get3A_921 : vector<1x16xf32> to vector<16xf32>
        %add3A_923 = arith.addf %scan3A_852, %get3A_922 : vector<16xf32>
        %add3A_924 = arith.constant 6 : i32
        %add3A_925 = arith.addi %add3A_858, %add3A_924 : i32
        %get3A_926 = arith.constant 0 : i32
        %get3A_927 = arith.constant 0 : i32
        %get3A_928 = tpu.memref_slice %arg6[%scan3A_442, %get3A_926, %get3A_927] : memref<2x800x16xf32, #tpu.memory_space<vmem>> -> memref<1x800x16xf32, #tpu.memory_space<vmem>>
        %get3A_929 = tpu.memref_squeeze %get3A_928 : memref<1x800x16xf32, #tpu.memory_space<vmem>> -> memref<800x16xf32, #tpu.memory_space<vmem>>
        %get3A_930 = arith.index_cast %add3A_925 : i32 to index
        %get3A_931 = arith.constant 0 : index
        %get3A_932 = tpu.vector_load %get3A_929[%get3A_930, %get3A_931] {strides = array<i32>} : memref<800x16xf32, #tpu.memory_space<vmem>>, vector<1x16xf32>,
        %get3A_933 = vector.shape_cast %get3A_932 : vector<1x16xf32> to vector<16xf32>
        %add3A_934 = arith.addf %scan3A_853, %get3A_933 : vector<16xf32>
        %add3A_935 = arith.constant 7 : i32
        %add3A_936 = arith.addi %add3A_858, %add3A_935 : i32
        %get3A_937 = arith.constant 0 : i32
        %get3A_938 = arith.constant 0 : i32
        %get3A_939 = tpu.memref_slice %arg6[%scan3A_442, %get3A_937, %get3A_938] : memref<2x800x16xf32, #tpu.memory_space<vmem>> -> memref<1x800x16xf32, #tpu.memory_space<vmem>>
        %get3A_940 = tpu.memref_squeeze %get3A_939 : memref<1x800x16xf32, #tpu.memory_space<vmem>> -> memref<800x16xf32, #tpu.memory_space<vmem>>
        %get3A_941 = arith.index_cast %add3A_936 : i32 to index
        %get3A_942 = arith.constant 0 : index
        %get3A_943 = tpu.vector_load %get3A_940[%get3A_941, %get3A_942] {strides = array<i32>} : memref<800x16xf32, #tpu.memory_space<vmem>>, vector<1x16xf32>,
        %get3A_944 = vector.shape_cast %get3A_943 : vector<1x16xf32> to vector<16xf32>
        %add3A_945 = arith.addf %scan3A_854, %get3A_944 : vector<16xf32>
        scf.yield %add3A_868, %add3A_879, %add3A_890, %add3A_901, %add3A_912, %add3A_923, %add3A_934, %add3A_945 : vector<16xf32>, vector<16xf32>, vector<16xf32>, vector<16xf32>, vector<16xf32>, vector<16xf32>, vector<16xf32>, vector<16xf32>
      }
      %scan3A_448 = arith.constant 25 : i32
      %add3A_449 = arith.addf %scan3A_447#0, %scan3A_447#1 : vector<16xf32>
      %add3A_450 = arith.addf %scan3A_447#2, %scan3A_447#3 : vector<16xf32>
      %add3A_451 = arith.addf %add3A_449, %add3A_450 : vector<16xf32>
      %add3A_452 = arith.addf %scan3A_447#4, %scan3A_447#5 : vector<16xf32>
      %add3A_453 = arith.addf %scan3A_447#6, %scan3A_447#7 : vector<16xf32>
      %add3A_454 = arith.addf %add3A_452, %add3A_453 : vector<16xf32>
      %add3A_455 = arith.addf %add3A_451, %add3A_454 : vector<16xf32>
      %swap3A = arith.constant 0 : i32
      %swap3A_456 = arith.index_cast %swap3A : i32 to index
      %swap3A_457 = arith.constant 0 : index
      %swap3A_458 = tpu.vector_load %arg7[%swap3A_456, %swap3A_457] {strides = array<i32>} : memref<4x16xf32, #tpu.memory_space<vmem>>, vector<1x16xf32>,
      %swap3A_459 = vector.shape_cast %swap3A_458 : vector<1x16xf32> to vector<16xf32>
      %swap3A_460 = vector.shape_cast %add3A_455 : vector<16xf32> to vector<1x16xf32>
      tpu.vector_store %arg7[%swap3A_456, %swap3A_457], %swap3A_460 {strides = array<i32>} : memref<4x16xf32, #tpu.memory_space<vmem>>, vector<1x16xf32>,
      %broadcast_in_dim3A_461 = arith.constant 0.000000e+00 : f32
      %broadcast_in_dim3A_462 = vector.broadcast %broadcast_in_dim3A_461 : f32 to vector<16xf32>
      %scan3A_463 = arith.constant 0 : i32
      %scan3A_464 = arith.constant 0 : i32
      %scan3A_465 = arith.constant 25 : i32
      %scan3A_466 = arith.addi %scan3A_464, %scan3A_465 : i32
      %scan3A_467 = arith.constant 1 : i32
      %scan3A_468:8 = scf.for %scan3A_846 = %scan3A_464 to %scan3A_466 step %scan3A_467 iter_args(%scan3A_847 = %broadcast_in_dim3A_462, %scan3A_848 = %broadcast_in_dim3A_462, %scan3A_849 = %broadcast_in_dim3A_462, %scan3A_850 = %broadcast_in_dim3A_462, %scan3A_851 = %broadcast_in_dim3A_462, %scan3A_852 = %broadcast_in_dim3A_462, %scan3A_853 = %broadcast_in_dim3A_462, %scan3A_854 = %broadcast_in_dim3A_462) -> (vector<16xf32>, vector<16xf32>, vector<16xf32>, vector<16xf32>, vector<16xf32>, vector<16xf32>, vector<16xf32>, vector<16xf32>)  : i32 {
        %mul3A_855 = arith.constant 8 : i32
        %mul3A_856 = arith.muli %scan3A_846, %mul3A_855 : i32
        %add3A_857 = arith.constant 200 : i32
        %add3A_858 = arith.addi %add3A_857, %mul3A_856 : i32
        %add3A_859 = arith.constant 0 : i32
        %add3A_860 = arith.addi %add3A_858, %add3A_859 : i32
        %get3A = arith.constant 0 : i32
        %get3A_861 = arith.constant 0 : i32
        %get3A_862 = tpu.memref_slice %arg6[%scan3A_463, %get3A, %get3A_861] : memref<2x800x16xf32, #tpu.memory_space<vmem>> -> memref<1x800x16xf32, #tpu.memory_space<vmem>>
        %get3A_863 = tpu.memref_squeeze %get3A_862 : memref<1x800x16xf32, #tpu.memory_space<vmem>> -> memref<800x16xf32, #tpu.memory_space<vmem>>
        %get3A_864 = arith.index_cast %add3A_860 : i32 to index
        %get3A_865 = arith.constant 0 : index
        %get3A_866 = tpu.vector_load %get3A_863[%get3A_864, %get3A_865] {strides = array<i32>} : memref<800x16xf32, #tpu.memory_space<vmem>>, vector<1x16xf32>,
        %get3A_867 = vector.shape_cast %get3A_866 : vector<1x16xf32> to vector<16xf32>
        %add3A_868 = arith.addf %scan3A_847, %get3A_867 : vector<16xf32>
        %add3A_869 = arith.constant 1 : i32
        %add3A_870 = arith.addi %add3A_858, %add3A_869 : i32
        %get3A_871 = arith.constant 0 : i32
        %get3A_872 = arith.constant 0 : i32
        %get3A_873 = tpu.memref_slice %arg6[%scan3A_463, %get3A_871, %get3A_872] : memref<2x800x16xf32, #tpu.memory_space<vmem>> -> memref<1x800x16xf32, #tpu.memory_space<vmem>>
        %get3A_874 = tpu.memref_squeeze %get3A_873 : memref<1x800x16xf32, #tpu.memory_space<vmem>> -> memref<800x16xf32, #tpu.memory_space<vmem>>
        %get3A_875 = arith.index_cast %add3A_870 : i32 to index
        %get3A_876 = arith.constant 0 : index
        %get3A_877 = tpu.vector_load %get3A_874[%get3A_875, %get3A_876] {strides = array<i32>} : memref<800x16xf32, #tpu.memory_space<vmem>>, vector<1x16xf32>,
        %get3A_878 = vector.shape_cast %get3A_877 : vector<1x16xf32> to vector<16xf32>
        %add3A_879 = arith.addf %scan3A_848, %get3A_878 : vector<16xf32>
        %add3A_880 = arith.constant 2 : i32
        %add3A_881 = arith.addi %add3A_858, %add3A_880 : i32
        %get3A_882 = arith.constant 0 : i32
        %get3A_883 = arith.constant 0 : i32
        %get3A_884 = tpu.memref_slice %arg6[%scan3A_463, %get3A_882, %get3A_883] : memref<2x800x16xf32, #tpu.memory_space<vmem>> -> memref<1x800x16xf32, #tpu.memory_space<vmem>>
        %get3A_885 = tpu.memref_squeeze %get3A_884 : memref<1x800x16xf32, #tpu.memory_space<vmem>> -> memref<800x16xf32, #tpu.memory_space<vmem>>
        %get3A_886 = arith.index_cast %add3A_881 : i32 to index
        %get3A_887 = arith.constant 0 : index
        %get3A_888 = tpu.vector_load %get3A_885[%get3A_886, %get3A_887] {strides = array<i32>} : memref<800x16xf32, #tpu.memory_space<vmem>>, vector<1x16xf32>,
        %get3A_889 = vector.shape_cast %get3A_888 : vector<1x16xf32> to vector<16xf32>
        %add3A_890 = arith.addf %scan3A_849, %get3A_889 : vector<16xf32>
        %add3A_891 = arith.constant 3 : i32
        %add3A_892 = arith.addi %add3A_858, %add3A_891 : i32
        %get3A_893 = arith.constant 0 : i32
        %get3A_894 = arith.constant 0 : i32
        %get3A_895 = tpu.memref_slice %arg6[%scan3A_463, %get3A_893, %get3A_894] : memref<2x800x16xf32, #tpu.memory_space<vmem>> -> memref<1x800x16xf32, #tpu.memory_space<vmem>>
        %get3A_896 = tpu.memref_squeeze %get3A_895 : memref<1x800x16xf32, #tpu.memory_space<vmem>> -> memref<800x16xf32, #tpu.memory_space<vmem>>
        %get3A_897 = arith.index_cast %add3A_892 : i32 to index
        %get3A_898 = arith.constant 0 : index
        %get3A_899 = tpu.vector_load %get3A_896[%get3A_897, %get3A_898] {strides = array<i32>} : memref<800x16xf32, #tpu.memory_space<vmem>>, vector<1x16xf32>,
        %get3A_900 = vector.shape_cast %get3A_899 : vector<1x16xf32> to vector<16xf32>
        %add3A_901 = arith.addf %scan3A_850, %get3A_900 : vector<16xf32>
        %add3A_902 = arith.constant 4 : i32
        %add3A_903 = arith.addi %add3A_858, %add3A_902 : i32
        %get3A_904 = arith.constant 0 : i32
        %get3A_905 = arith.constant 0 : i32
        %get3A_906 = tpu.memref_slice %arg6[%scan3A_463, %get3A_904, %get3A_905] : memref<2x800x16xf32, #tpu.memory_space<vmem>> -> memref<1x800x16xf32, #tpu.memory_space<vmem>>
        %get3A_907 = tpu.memref_squeeze %get3A_906 : memref<1x800x16xf32, #tpu.memory_space<vmem>> -> memref<800x16xf32, #tpu.memory_space<vmem>>
        %get3A_908 = arith.index_cast %add3A_903 : i32 to index
        %get3A_909 = arith.constant 0 : index
        %get3A_910 = tpu.vector_load %get3A_907[%get3A_908, %get3A_909] {strides = array<i32>} : memref<800x16xf32, #tpu.memory_space<vmem>>, vector<1x16xf32>,
        %get3A_911 = vector.shape_cast %get3A_910 : vector<1x16xf32> to vector<16xf32>
        %add3A_912 = arith.addf %scan3A_851, %get3A_911 : vector<16xf32>
        %add3A_913 = arith.constant 5 : i32
        %add3A_914 = arith.addi %add3A_858, %add3A_913 : i32
        %get3A_915 = arith.constant 0 : i32
        %get3A_916 = arith.constant 0 : i32
        %get3A_917 = tpu.memref_slice %arg6[%scan3A_463, %get3A_915, %get3A_916] : memref<2x800x16xf32, #tpu.memory_space<vmem>> -> memref<1x800x16xf32, #tpu.memory_space<vmem>>
        %get3A_918 = tpu.memref_squeeze %get3A_917 : memref<1x800x16xf32, #tpu.memory_space<vmem>> -> memref<800x16xf32, #tpu.memory_space<vmem>>
        %get3A_919 = arith.index_cast %add3A_914 : i32 to index
        %get3A_920 = arith.constant 0 : index
        %get3A_921 = tpu.vector_load %get3A_918[%get3A_919, %get3A_920] {strides = array<i32>} : memref<800x16xf32, #tpu.memory_space<vmem>>, vector<1x16xf32>,
        %get3A_922 = vector.shape_cast %get3A_921 : vector<1x16xf32> to vector<16xf32>
        %add3A_923 = arith.addf %scan3A_852, %get3A_922 : vector<16xf32>
        %add3A_924 = arith.constant 6 : i32
        %add3A_925 = arith.addi %add3A_858, %add3A_924 : i32
        %get3A_926 = arith.constant 0 : i32
        %get3A_927 = arith.constant 0 : i32
        %get3A_928 = tpu.memref_slice %arg6[%scan3A_463, %get3A_926, %get3A_927] : memref<2x800x16xf32, #tpu.memory_space<vmem>> -> memref<1x800x16xf32, #tpu.memory_space<vmem>>
        %get3A_929 = tpu.memref_squeeze %get3A_928 : memref<1x800x16xf32, #tpu.memory_space<vmem>> -> memref<800x16xf32, #tpu.memory_space<vmem>>
        %get3A_930 = arith.index_cast %add3A_925 : i32 to index
        %get3A_931 = arith.constant 0 : index
        %get3A_932 = tpu.vector_load %get3A_929[%get3A_930, %get3A_931] {strides = array<i32>} : memref<800x16xf32, #tpu.memory_space<vmem>>, vector<1x16xf32>,
        %get3A_933 = vector.shape_cast %get3A_932 : vector<1x16xf32> to vector<16xf32>
        %add3A_934 = arith.addf %scan3A_853, %get3A_933 : vector<16xf32>
        %add3A_935 = arith.constant 7 : i32
        %add3A_936 = arith.addi %add3A_858, %add3A_935 : i32
        %get3A_937 = arith.constant 0 : i32
        %get3A_938 = arith.constant 0 : i32
        %get3A_939 = tpu.memref_slice %arg6[%scan3A_463, %get3A_937, %get3A_938] : memref<2x800x16xf32, #tpu.memory_space<vmem>> -> memref<1x800x16xf32, #tpu.memory_space<vmem>>
        %get3A_940 = tpu.memref_squeeze %get3A_939 : memref<1x800x16xf32, #tpu.memory_space<vmem>> -> memref<800x16xf32, #tpu.memory_space<vmem>>
        %get3A_941 = arith.index_cast %add3A_936 : i32 to index
        %get3A_942 = arith.constant 0 : index
        %get3A_943 = tpu.vector_load %get3A_940[%get3A_941, %get3A_942] {strides = array<i32>} : memref<800x16xf32, #tpu.memory_space<vmem>>, vector<1x16xf32>,
        %get3A_944 = vector.shape_cast %get3A_943 : vector<1x16xf32> to vector<16xf32>
        %add3A_945 = arith.addf %scan3A_854, %get3A_944 : vector<16xf32>
        scf.yield %add3A_868, %add3A_879, %add3A_890, %add3A_901, %add3A_912, %add3A_923, %add3A_934, %add3A_945 : vector<16xf32>, vector<16xf32>, vector<16xf32>, vector<16xf32>, vector<16xf32>, vector<16xf32>, vector<16xf32>, vector<16xf32>
      }
      %scan3A_469 = arith.constant 25 : i32
      %add3A_470 = arith.addf %scan3A_468#0, %scan3A_468#1 : vector<16xf32>
      %add3A_471 = arith.addf %scan3A_468#2, %scan3A_468#3 : vector<16xf32>
      %add3A_472 = arith.addf %add3A_470, %add3A_471 : vector<16xf32>
      %add3A_473 = arith.addf %scan3A_468#4, %scan3A_468#5 : vector<16xf32>
      %add3A_474 = arith.addf %scan3A_468#6, %scan3A_468#7 : vector<16xf32>
      %add3A_475 = arith.addf %add3A_473, %add3A_474 : vector<16xf32>
      %add3A_476 = arith.addf %add3A_472, %add3A_475 : vector<16xf32>
      %swap3A_477 = arith.constant 1 : i32
      %swap3A_478 = arith.index_cast %swap3A_477 : i32 to index
      %swap3A_479 = arith.constant 0 : index
      %swap3A_480 = tpu.vector_load %arg7[%swap3A_478, %swap3A_479] {strides = array<i32>} : memref<4x16xf32, #tpu.memory_space<vmem>>, vector<1x16xf32>,
      %swap3A_481 = vector.shape_cast %swap3A_480 : vector<1x16xf32> to vector<16xf32>
      %swap3A_482 = vector.shape_cast %add3A_476 : vector<16xf32> to vector<1x16xf32>
      tpu.vector_store %arg7[%swap3A_478, %swap3A_479], %swap3A_482 {strides = array<i32>} : memref<4x16xf32, #tpu.memory_space<vmem>>, vector<1x16xf32>,
      %broadcast_in_dim3A_483 = arith.constant 0.000000e+00 : f32
      %broadcast_in_dim3A_484 = vector.broadcast %broadcast_in_dim3A_483 : f32 to vector<16xf32>
      %scan3A_485 = arith.constant 0 : i32
      %scan3A_486 = arith.constant 0 : i32
      %scan3A_487 = arith.constant 25 : i32
      %scan3A_488 = arith.addi %scan3A_486, %scan3A_487 : i32
      %scan3A_489 = arith.constant 1 : i32
      %scan3A_490:8 = scf.for %scan3A_846 = %scan3A_486 to %scan3A_488 step %scan3A_489 iter_args(%scan3A_847 = %broadcast_in_dim3A_484, %scan3A_848 = %broadcast_in_dim3A_484, %scan3A_849 = %broadcast_in_dim3A_484, %scan3A_850 = %broadcast_in_dim3A_484, %scan3A_851 = %broadcast_in_dim3A_484, %scan3A_852 = %broadcast_in_dim3A_484, %scan3A_853 = %broadcast_in_dim3A_484, %scan3A_854 = %broadcast_in_dim3A_484) -> (vector<16xf32>, vector<16xf32>, vector<16xf32>, vector<16xf32>, vector<16xf32>, vector<16xf32>, vector<16xf32>, vector<16xf32>)  : i32 {
        %mul3A_855 = arith.constant 8 : i32
        %mul3A_856 = arith.muli %scan3A_846, %mul3A_855 : i32
        %add3A_857 = arith.constant 400 : i32
        %add3A_858 = arith.addi %add3A_857, %mul3A_856 : i32
        %add3A_859 = arith.constant 0 : i32
        %add3A_860 = arith.addi %add3A_858, %add3A_859 : i32
        %get3A = arith.constant 0 : i32
        %get3A_861 = arith.constant 0 : i32
        %get3A_862 = tpu.memref_slice %arg6[%scan3A_485, %get3A, %get3A_861] : memref<2x800x16xf32, #tpu.memory_space<vmem>> -> memref<1x800x16xf32, #tpu.memory_space<vmem>>
        %get3A_863 = tpu.memref_squeeze %get3A_862 : memref<1x800x16xf32, #tpu.memory_space<vmem>> -> memref<800x16xf32, #tpu.memory_space<vmem>>
        %get3A_864 = arith.index_cast %add3A_860 : i32 to index
        %get3A_865 = arith.constant 0 : index
        %get3A_866 = tpu.vector_load %get3A_863[%get3A_864, %get3A_865] {strides = array<i32>} : memref<800x16xf32, #tpu.memory_space<vmem>>, vector<1x16xf32>,
        %get3A_867 = vector.shape_cast %get3A_866 : vector<1x16xf32> to vector<16xf32>
        %add3A_868 = arith.addf %scan3A_847, %get3A_867 : vector<16xf32>
        %add3A_869 = arith.constant 1 : i32
        %add3A_870 = arith.addi %add3A_858, %add3A_869 : i32
        %get3A_871 = arith.constant 0 : i32
        %get3A_872 = arith.constant 0 : i32
        %get3A_873 = tpu.memref_slice %arg6[%scan3A_485, %get3A_871, %get3A_872] : memref<2x800x16xf32, #tpu.memory_space<vmem>> -> memref<1x800x16xf32, #tpu.memory_space<vmem>>
        %get3A_874 = tpu.memref_squeeze %get3A_873 : memref<1x800x16xf32, #tpu.memory_space<vmem>> -> memref<800x16xf32, #tpu.memory_space<vmem>>
        %get3A_875 = arith.index_cast %add3A_870 : i32 to index
        %get3A_876 = arith.constant 0 : index
        %get3A_877 = tpu.vector_load %get3A_874[%get3A_875, %get3A_876] {strides = array<i32>} : memref<800x16xf32, #tpu.memory_space<vmem>>, vector<1x16xf32>,
        %get3A_878 = vector.shape_cast %get3A_877 : vector<1x16xf32> to vector<16xf32>
        %add3A_879 = arith.addf %scan3A_848, %get3A_878 : vector<16xf32>
        %add3A_880 = arith.constant 2 : i32
        %add3A_881 = arith.addi %add3A_858, %add3A_880 : i32
        %get3A_882 = arith.constant 0 : i32
        %get3A_883 = arith.constant 0 : i32
        %get3A_884 = tpu.memref_slice %arg6[%scan3A_485, %get3A_882, %get3A_883] : memref<2x800x16xf32, #tpu.memory_space<vmem>> -> memref<1x800x16xf32, #tpu.memory_space<vmem>>
        %get3A_885 = tpu.memref_squeeze %get3A_884 : memref<1x800x16xf32, #tpu.memory_space<vmem>> -> memref<800x16xf32, #tpu.memory_space<vmem>>
        %get3A_886 = arith.index_cast %add3A_881 : i32 to index
        %get3A_887 = arith.constant 0 : index
        %get3A_888 = tpu.vector_load %get3A_885[%get3A_886, %get3A_887] {strides = array<i32>} : memref<800x16xf32, #tpu.memory_space<vmem>>, vector<1x16xf32>,
        %get3A_889 = vector.shape_cast %get3A_888 : vector<1x16xf32> to vector<16xf32>
        %add3A_890 = arith.addf %scan3A_849, %get3A_889 : vector<16xf32>
        %add3A_891 = arith.constant 3 : i32
        %add3A_892 = arith.addi %add3A_858, %add3A_891 : i32
        %get3A_893 = arith.constant 0 : i32
        %get3A_894 = arith.constant 0 : i32
        %get3A_895 = tpu.memref_slice %arg6[%scan3A_485, %get3A_893, %get3A_894] : memref<2x800x16xf32, #tpu.memory_space<vmem>> -> memref<1x800x16xf32, #tpu.memory_space<vmem>>
        %get3A_896 = tpu.memref_squeeze %get3A_895 : memref<1x800x16xf32, #tpu.memory_space<vmem>> -> memref<800x16xf32, #tpu.memory_space<vmem>>
        %get3A_897 = arith.index_cast %add3A_892 : i32 to index
        %get3A_898 = arith.constant 0 : index
        %get3A_899 = tpu.vector_load %get3A_896[%get3A_897, %get3A_898] {strides = array<i32>} : memref<800x16xf32, #tpu.memory_space<vmem>>, vector<1x16xf32>,
        %get3A_900 = vector.shape_cast %get3A_899 : vector<1x16xf32> to vector<16xf32>
        %add3A_901 = arith.addf %scan3A_850, %get3A_900 : vector<16xf32>
        %add3A_902 = arith.constant 4 : i32
        %add3A_903 = arith.addi %add3A_858, %add3A_902 : i32
        %get3A_904 = arith.constant 0 : i32
        %get3A_905 = arith.constant 0 : i32
        %get3A_906 = tpu.memref_slice %arg6[%scan3A_485, %get3A_904, %get3A_905] : memref<2x800x16xf32, #tpu.memory_space<vmem>> -> memref<1x800x16xf32, #tpu.memory_space<vmem>>
        %get3A_907 = tpu.memref_squeeze %get3A_906 : memref<1x800x16xf32, #tpu.memory_space<vmem>> -> memref<800x16xf32, #tpu.memory_space<vmem>>
        %get3A_908 = arith.index_cast %add3A_903 : i32 to index
        %get3A_909 = arith.constant 0 : index
        %get3A_910 = tpu.vector_load %get3A_907[%get3A_908, %get3A_909] {strides = array<i32>} : memref<800x16xf32, #tpu.memory_space<vmem>>, vector<1x16xf32>,
        %get3A_911 = vector.shape_cast %get3A_910 : vector<1x16xf32> to vector<16xf32>
        %add3A_912 = arith.addf %scan3A_851, %get3A_911 : vector<16xf32>
        %add3A_913 = arith.constant 5 : i32
        %add3A_914 = arith.addi %add3A_858, %add3A_913 : i32
        %get3A_915 = arith.constant 0 : i32
        %get3A_916 = arith.constant 0 : i32
        %get3A_917 = tpu.memref_slice %arg6[%scan3A_485, %get3A_915, %get3A_916] : memref<2x800x16xf32, #tpu.memory_space<vmem>> -> memref<1x800x16xf32, #tpu.memory_space<vmem>>
        %get3A_918 = tpu.memref_squeeze %get3A_917 : memref<1x800x16xf32, #tpu.memory_space<vmem>> -> memref<800x16xf32, #tpu.memory_space<vmem>>
        %get3A_919 = arith.index_cast %add3A_914 : i32 to index
        %get3A_920 = arith.constant 0 : index
        %get3A_921 = tpu.vector_load %get3A_918[%get3A_919, %get3A_920] {strides = array<i32>} : memref<800x16xf32, #tpu.memory_space<vmem>>, vector<1x16xf32>,
        %get3A_922 = vector.shape_cast %get3A_921 : vector<1x16xf32> to vector<16xf32>
        %add3A_923 = arith.addf %scan3A_852, %get3A_922 : vector<16xf32>
        %add3A_924 = arith.constant 6 : i32
        %add3A_925 = arith.addi %add3A_858, %add3A_924 : i32
        %get3A_926 = arith.constant 0 : i32
        %get3A_927 = arith.constant 0 : i32
        %get3A_928 = tpu.memref_slice %arg6[%scan3A_485, %get3A_926, %get3A_927] : memref<2x800x16xf32, #tpu.memory_space<vmem>> -> memref<1x800x16xf32, #tpu.memory_space<vmem>>
        %get3A_929 = tpu.memref_squeeze %get3A_928 : memref<1x800x16xf32, #tpu.memory_space<vmem>> -> memref<800x16xf32, #tpu.memory_space<vmem>>
        %get3A_930 = arith.index_cast %add3A_925 : i32 to index
        %get3A_931 = arith.constant 0 : index
        %get3A_932 = tpu.vector_load %get3A_929[%get3A_930, %get3A_931] {strides = array<i32>} : memref<800x16xf32, #tpu.memory_space<vmem>>, vector<1x16xf32>,
        %get3A_933 = vector.shape_cast %get3A_932 : vector<1x16xf32> to vector<16xf32>
        %add3A_934 = arith.addf %scan3A_853, %get3A_933 : vector<16xf32>
        %add3A_935 = arith.constant 7 : i32
        %add3A_936 = arith.addi %add3A_858, %add3A_935 : i32
        %get3A_937 = arith.constant 0 : i32
        %get3A_938 = arith.constant 0 : i32
        %get3A_939 = tpu.memref_slice %arg6[%scan3A_485, %get3A_937, %get3A_938] : memref<2x800x16xf32, #tpu.memory_space<vmem>> -> memref<1x800x16xf32, #tpu.memory_space<vmem>>
        %get3A_940 = tpu.memref_squeeze %get3A_939 : memref<1x800x16xf32, #tpu.memory_space<vmem>> -> memref<800x16xf32, #tpu.memory_space<vmem>>
        %get3A_941 = arith.index_cast %add3A_936 : i32 to index
        %get3A_942 = arith.constant 0 : index
        %get3A_943 = tpu.vector_load %get3A_940[%get3A_941, %get3A_942] {strides = array<i32>} : memref<800x16xf32, #tpu.memory_space<vmem>>, vector<1x16xf32>,
        %get3A_944 = vector.shape_cast %get3A_943 : vector<1x16xf32> to vector<16xf32>
        %add3A_945 = arith.addf %scan3A_854, %get3A_944 : vector<16xf32>
        scf.yield %add3A_868, %add3A_879, %add3A_890, %add3A_901, %add3A_912, %add3A_923, %add3A_934, %add3A_945 : vector<16xf32>, vector<16xf32>, vector<16xf32>, vector<16xf32>, vector<16xf32>, vector<16xf32>, vector<16xf32>, vector<16xf32>
      }
      %scan3A_491 = arith.constant 25 : i32
      %add3A_492 = arith.addf %scan3A_490#0, %scan3A_490#1 : vector<16xf32>
      %add3A_493 = arith.addf %scan3A_490#2, %scan3A_490#3 : vector<16xf32>
      %add3A_494 = arith.addf %add3A_492, %add3A_493 : vector<16xf32>
      %add3A_495 = arith.addf %scan3A_490#4, %scan3A_490#5 : vector<16xf32>
      %add3A_496 = arith.addf %scan3A_490#6, %scan3A_490#7 : vector<16xf32>
      %add3A_497 = arith.addf %add3A_495, %add3A_496 : vector<16xf32>
      %add3A_498 = arith.addf %add3A_494, %add3A_497 : vector<16xf32>
      %swap3A_499 = arith.constant 2 : i32
      %swap3A_500 = arith.index_cast %swap3A_499 : i32 to index
      %swap3A_501 = arith.constant 0 : index
      %swap3A_502 = tpu.vector_load %arg7[%swap3A_500, %swap3A_501] {strides = array<i32>} : memref<4x16xf32, #tpu.memory_space<vmem>>, vector<1x16xf32>,
      %swap3A_503 = vector.shape_cast %swap3A_502 : vector<1x16xf32> to vector<16xf32>
      %swap3A_504 = vector.shape_cast %add3A_498 : vector<16xf32> to vector<1x16xf32>
      tpu.vector_store %arg7[%swap3A_500, %swap3A_501], %swap3A_504 {strides = array<i32>} : memref<4x16xf32, #tpu.memory_space<vmem>>, vector<1x16xf32>,
      %broadcast_in_dim3A_505 = arith.constant 0.000000e+00 : f32
      %broadcast_in_dim3A_506 = vector.broadcast %broadcast_in_dim3A_505 : f32 to vector<16xf32>
      %scan3A_507 = arith.constant 0 : i32
      %scan3A_508 = arith.constant 0 : i32
      %scan3A_509 = arith.constant 25 : i32
      %scan3A_510 = arith.addi %scan3A_508, %scan3A_509 : i32
      %scan3A_511 = arith.constant 1 : i32
      %scan3A_512:8 = scf.for %scan3A_846 = %scan3A_508 to %scan3A_510 step %scan3A_511 iter_args(%scan3A_847 = %broadcast_in_dim3A_506, %scan3A_848 = %broadcast_in_dim3A_506, %scan3A_849 = %broadcast_in_dim3A_506, %scan3A_850 = %broadcast_in_dim3A_506, %scan3A_851 = %broadcast_in_dim3A_506, %scan3A_852 = %broadcast_in_dim3A_506, %scan3A_853 = %broadcast_in_dim3A_506, %scan3A_854 = %broadcast_in_dim3A_506) -> (vector<16xf32>, vector<16xf32>, vector<16xf32>, vector<16xf32>, vector<16xf32>, vector<16xf32>, vector<16xf32>, vector<16xf32>)  : i32 {
        %mul3A_855 = arith.constant 8 : i32
        %mul3A_856 = arith.muli %scan3A_846, %mul3A_855 : i32
        %add3A_857 = arith.constant 600 : i32
        %add3A_858 = arith.addi %add3A_857, %mul3A_856 : i32
        %add3A_859 = arith.constant 0 : i32
        %add3A_860 = arith.addi %add3A_858, %add3A_859 : i32
        %get3A = arith.constant 0 : i32
        %get3A_861 = arith.constant 0 : i32
        %get3A_862 = tpu.memref_slice %arg6[%scan3A_507, %get3A, %get3A_861] : memref<2x800x16xf32, #tpu.memory_space<vmem>> -> memref<1x800x16xf32, #tpu.memory_space<vmem>>
        %get3A_863 = tpu.memref_squeeze %get3A_862 : memref<1x800x16xf32, #tpu.memory_space<vmem>> -> memref<800x16xf32, #tpu.memory_space<vmem>>
        %get3A_864 = arith.index_cast %add3A_860 : i32 to index
        %get3A_865 = arith.constant 0 : index
        %get3A_866 = tpu.vector_load %get3A_863[%get3A_864, %get3A_865] {strides = array<i32>} : memref<800x16xf32, #tpu.memory_space<vmem>>, vector<1x16xf32>,
        %get3A_867 = vector.shape_cast %get3A_866 : vector<1x16xf32> to vector<16xf32>
        %add3A_868 = arith.addf %scan3A_847, %get3A_867 : vector<16xf32>
        %add3A_869 = arith.constant 1 : i32
        %add3A_870 = arith.addi %add3A_858, %add3A_869 : i32
        %get3A_871 = arith.constant 0 : i32
        %get3A_872 = arith.constant 0 : i32
        %get3A_873 = tpu.memref_slice %arg6[%scan3A_507, %get3A_871, %get3A_872] : memref<2x800x16xf32, #tpu.memory_space<vmem>> -> memref<1x800x16xf32, #tpu.memory_space<vmem>>
        %get3A_874 = tpu.memref_squeeze %get3A_873 : memref<1x800x16xf32, #tpu.memory_space<vmem>> -> memref<800x16xf32, #tpu.memory_space<vmem>>
        %get3A_875 = arith.index_cast %add3A_870 : i32 to index
        %get3A_876 = arith.constant 0 : index
        %get3A_877 = tpu.vector_load %get3A_874[%get3A_875, %get3A_876] {strides = array<i32>} : memref<800x16xf32, #tpu.memory_space<vmem>>, vector<1x16xf32>,
        %get3A_878 = vector.shape_cast %get3A_877 : vector<1x16xf32> to vector<16xf32>
        %add3A_879 = arith.addf %scan3A_848, %get3A_878 : vector<16xf32>
        %add3A_880 = arith.constant 2 : i32
        %add3A_881 = arith.addi %add3A_858, %add3A_880 : i32
        %get3A_882 = arith.constant 0 : i32
        %get3A_883 = arith.constant 0 : i32
        %get3A_884 = tpu.memref_slice %arg6[%scan3A_507, %get3A_882, %get3A_883] : memref<2x800x16xf32, #tpu.memory_space<vmem>> -> memref<1x800x16xf32, #tpu.memory_space<vmem>>
        %get3A_885 = tpu.memref_squeeze %get3A_884 : memref<1x800x16xf32, #tpu.memory_space<vmem>> -> memref<800x16xf32, #tpu.memory_space<vmem>>
        %get3A_886 = arith.index_cast %add3A_881 : i32 to index
        %get3A_887 = arith.constant 0 : index
        %get3A_888 = tpu.vector_load %get3A_885[%get3A_886, %get3A_887] {strides = array<i32>} : memref<800x16xf32, #tpu.memory_space<vmem>>, vector<1x16xf32>,
        %get3A_889 = vector.shape_cast %get3A_888 : vector<1x16xf32> to vector<16xf32>
        %add3A_890 = arith.addf %scan3A_849, %get3A_889 : vector<16xf32>
        %add3A_891 = arith.constant 3 : i32
        %add3A_892 = arith.addi %add3A_858, %add3A_891 : i32
        %get3A_893 = arith.constant 0 : i32
        %get3A_894 = arith.constant 0 : i32
        %get3A_895 = tpu.memref_slice %arg6[%scan3A_507, %get3A_893, %get3A_894] : memref<2x800x16xf32, #tpu.memory_space<vmem>> -> memref<1x800x16xf32, #tpu.memory_space<vmem>>
        %get3A_896 = tpu.memref_squeeze %get3A_895 : memref<1x800x16xf32, #tpu.memory_space<vmem>> -> memref<800x16xf32, #tpu.memory_space<vmem>>
        %get3A_897 = arith.index_cast %add3A_892 : i32 to index
        %get3A_898 = arith.constant 0 : index
        %get3A_899 = tpu.vector_load %get3A_896[%get3A_897, %get3A_898] {strides = array<i32>} : memref<800x16xf32, #tpu.memory_space<vmem>>, vector<1x16xf32>,
        %get3A_900 = vector.shape_cast %get3A_899 : vector<1x16xf32> to vector<16xf32>
        %add3A_901 = arith.addf %scan3A_850, %get3A_900 : vector<16xf32>
        %add3A_902 = arith.constant 4 : i32
        %add3A_903 = arith.addi %add3A_858, %add3A_902 : i32
        %get3A_904 = arith.constant 0 : i32
        %get3A_905 = arith.constant 0 : i32
        %get3A_906 = tpu.memref_slice %arg6[%scan3A_507, %get3A_904, %get3A_905] : memref<2x800x16xf32, #tpu.memory_space<vmem>> -> memref<1x800x16xf32, #tpu.memory_space<vmem>>
        %get3A_907 = tpu.memref_squeeze %get3A_906 : memref<1x800x16xf32, #tpu.memory_space<vmem>> -> memref<800x16xf32, #tpu.memory_space<vmem>>
        %get3A_908 = arith.index_cast %add3A_903 : i32 to index
        %get3A_909 = arith.constant 0 : index
        %get3A_910 = tpu.vector_load %get3A_907[%get3A_908, %get3A_909] {strides = array<i32>} : memref<800x16xf32, #tpu.memory_space<vmem>>, vector<1x16xf32>,
        %get3A_911 = vector.shape_cast %get3A_910 : vector<1x16xf32> to vector<16xf32>
        %add3A_912 = arith.addf %scan3A_851, %get3A_911 : vector<16xf32>
        %add3A_913 = arith.constant 5 : i32
        %add3A_914 = arith.addi %add3A_858, %add3A_913 : i32
        %get3A_915 = arith.constant 0 : i32
        %get3A_916 = arith.constant 0 : i32
        %get3A_917 = tpu.memref_slice %arg6[%scan3A_507, %get3A_915, %get3A_916] : memref<2x800x16xf32, #tpu.memory_space<vmem>> -> memref<1x800x16xf32, #tpu.memory_space<vmem>>
        %get3A_918 = tpu.memref_squeeze %get3A_917 : memref<1x800x16xf32, #tpu.memory_space<vmem>> -> memref<800x16xf32, #tpu.memory_space<vmem>>
        %get3A_919 = arith.index_cast %add3A_914 : i32 to index
        %get3A_920 = arith.constant 0 : index
        %get3A_921 = tpu.vector_load %get3A_918[%get3A_919, %get3A_920] {strides = array<i32>} : memref<800x16xf32, #tpu.memory_space<vmem>>, vector<1x16xf32>,
        %get3A_922 = vector.shape_cast %get3A_921 : vector<1x16xf32> to vector<16xf32>
        %add3A_923 = arith.addf %scan3A_852, %get3A_922 : vector<16xf32>
        %add3A_924 = arith.constant 6 : i32
        %add3A_925 = arith.addi %add3A_858, %add3A_924 : i32
        %get3A_926 = arith.constant 0 : i32
        %get3A_927 = arith.constant 0 : i32
        %get3A_928 = tpu.memref_slice %arg6[%scan3A_507, %get3A_926, %get3A_927] : memref<2x800x16xf32, #tpu.memory_space<vmem>> -> memref<1x800x16xf32, #tpu.memory_space<vmem>>
        %get3A_929 = tpu.memref_squeeze %get3A_928 : memref<1x800x16xf32, #tpu.memory_space<vmem>> -> memref<800x16xf32, #tpu.memory_space<vmem>>
        %get3A_930 = arith.index_cast %add3A_925 : i32 to index
        %get3A_931 = arith.constant 0 : index
        %get3A_932 = tpu.vector_load %get3A_929[%get3A_930, %get3A_931] {strides = array<i32>} : memref<800x16xf32, #tpu.memory_space<vmem>>, vector<1x16xf32>,
        %get3A_933 = vector.shape_cast %get3A_932 : vector<1x16xf32> to vector<16xf32>
        %add3A_934 = arith.addf %scan3A_853, %get3A_933 : vector<16xf32>
        %add3A_935 = arith.constant 7 : i32
        %add3A_936 = arith.addi %add3A_858, %add3A_935 : i32
        %get3A_937 = arith.constant 0 : i32
        %get3A_938 = arith.constant 0 : i32
        %get3A_939 = tpu.memref_slice %arg6[%scan3A_507, %get3A_937, %get3A_938] : memref<2x800x16xf32, #tpu.memory_space<vmem>> -> memref<1x800x16xf32, #tpu.memory_space<vmem>>
        %get3A_940 = tpu.memref_squeeze %get3A_939 : memref<1x800x16xf32, #tpu.memory_space<vmem>> -> memref<800x16xf32, #tpu.memory_space<vmem>>
        %get3A_941 = arith.index_cast %add3A_936 : i32 to index
        %get3A_942 = arith.constant 0 : index
        %get3A_943 = tpu.vector_load %get3A_940[%get3A_941, %get3A_942] {strides = array<i32>} : memref<800x16xf32, #tpu.memory_space<vmem>>, vector<1x16xf32>,
        %get3A_944 = vector.shape_cast %get3A_943 : vector<1x16xf32> to vector<16xf32>
        %add3A_945 = arith.addf %scan3A_854, %get3A_944 : vector<16xf32>
        scf.yield %add3A_868, %add3A_879, %add3A_890, %add3A_901, %add3A_912, %add3A_923, %add3A_934, %add3A_945 : vector<16xf32>, vector<16xf32>, vector<16xf32>, vector<16xf32>, vector<16xf32>, vector<16xf32>, vector<16xf32>, vector<16xf32>
      }
      %scan3A_513 = arith.constant 25 : i32
      %add3A_514 = arith.addf %scan3A_512#0, %scan3A_512#1 : vector<16xf32>
      %add3A_515 = arith.addf %scan3A_512#2, %scan3A_512#3 : vector<16xf32>
      %add3A_516 = arith.addf %add3A_514, %add3A_515 : vector<16xf32>
      %add3A_517 = arith.addf %scan3A_512#4, %scan3A_512#5 : vector<16xf32>
      %add3A_518 = arith.addf %scan3A_512#6, %scan3A_512#7 : vector<16xf32>
      %add3A_519 = arith.addf %add3A_517, %add3A_518 : vector<16xf32>
      %add3A_520 = arith.addf %add3A_516, %add3A_519 : vector<16xf32>
      %swap3A_521 = arith.constant 3 : i32
      %swap3A_522 = arith.index_cast %swap3A_521 : i32 to index
      %swap3A_523 = arith.constant 0 : index
      %swap3A_524 = tpu.vector_load %arg7[%swap3A_522, %swap3A_523] {strides = array<i32>} : memref<4x16xf32, #tpu.memory_space<vmem>>, vector<1x16xf32>,
      %swap3A_525 = vector.shape_cast %swap3A_524 : vector<1x16xf32> to vector<16xf32>
      %swap3A_526 = vector.shape_cast %add3A_520 : vector<16xf32> to vector<1x16xf32>
      tpu.vector_store %arg7[%swap3A_522, %swap3A_523], %swap3A_526 {strides = array<i32>} : memref<4x16xf32, #tpu.memory_space<vmem>>, vector<1x16xf32>,
      %mul3A_527 = arith.constant 128 : i32
      %mul3A_528 = arith.muli %add3A, %mul3A_527 : i32
      %add3A_529 = arith.addi %mul3A_528, %add3A_224 : i32
      %mul3A_530 = arith.constant 4 : i32
      %mul3A_531 = arith.muli %add3A_529, %mul3A_530 : i32
      "tpu.region"() ({
        %run_scoped3A_846 = tpu.sem_alloc : memref<!tpu.dma_semaphore, #tpu.memory_space<semaphore_mem>>
        %dma_start3A_847 = arith.constant 0 : i32
        %dma_start3A_848 = tpu.memref_slice %arg4[%mul3A_531, %dma_start3A_847] : memref<16384x16xf32, #tpu.memory_space<hbm>> -> memref<4x16xf32, #tpu.memory_space<hbm>>
        %dma_start3A_849 = arith.constant 0 : i32
        %dma_start3A_850 = tpu.memref_slice %arg4[%mul3A_531, %dma_start3A_849] : memref<16384x16xf32, #tpu.memory_space<hbm>> -> memref<4x16xf32, #tpu.memory_space<hbm>>
        tpu.enqueue_dma source(%arg7 : memref<4x16xf32, #tpu.memory_space<vmem>>) target(%dma_start3A_850 : memref<4x16xf32, #tpu.memory_space<hbm>>) target_semaphore(%run_scoped3A_846 : memref<!tpu.dma_semaphore, #tpu.memory_space<semaphore_mem>>)
        %dma_wait3A_851 = arith.constant 0 : i32
        %dma_wait3A_852 = tpu.memref_slice %arg4[%mul3A_531, %dma_wait3A_851] : memref<16384x16xf32, #tpu.memory_space<hbm>> -> memref<4x16xf32, #tpu.memory_space<hbm>>
        %dma_wait3A_853 = arith.constant 0 : i32
        %dma_wait3A_854 = tpu.memref_slice %arg4[%mul3A_531, %dma_wait3A_853] : memref<16384x16xf32, #tpu.memory_space<hbm>> -> memref<4x16xf32, #tpu.memory_space<hbm>>
        tpu.wait_dma2 semaphore(%run_scoped3A_846 : memref<!tpu.dma_semaphore, #tpu.memory_space<semaphore_mem>>) src(%arg7 : memref<4x16xf32, #tpu.memory_space<vmem>>) dst(%dma_wait3A_854 : memref<4x16xf32, #tpu.memory_space<hbm>>)
        tpu.yield
      }) : () -> ()
      %mul3A_532 = arith.constant 2 : i32
      %mul3A_533 = arith.muli %mul3A_532, %scan3A_220 : i32
      %add3A_534 = arith.constant 1 : i32
      %add3A_535 = arith.addi %mul3A_533, %add3A_534 : i32
      %dma_wait3A_536 = arith.constant 0 : i32
      %dma_wait3A_537 = arith.constant 0 : i32
      %dma_wait3A_538 = arith.constant 0 : i32
      %dma_wait3A_539 = arith.constant 0 : i32
      %dma_wait3A_540 = tpu.memref_slice %arg5[%dma_wait3A_537, %dma_wait3A_538, %dma_wait3A_539] : memref<2x8x100xi32, #tpu.memory_space<vmem>> -> memref<1x8x100xi32, #tpu.memory_space<vmem>>
      %dma_wait3A_541 = tpu.memref_squeeze %dma_wait3A_540 : memref<1x8x100xi32, #tpu.memory_space<vmem>> -> memref<8x100xi32, #tpu.memory_space<vmem>>
      %dma_wait3A_542 = arith.constant 0 : i32
      %dma_wait3A_543 = arith.constant 0 : i32
      %dma_wait3A_544 = tpu.memref_slice %arg3[%dma_wait3A_536, %dma_wait3A_542, %dma_wait3A_543] : memref<4096x8x100xi32, #tpu.memory_space<hbm>> -> memref<1x8x100xi32, #tpu.memory_space<hbm>>
      %dma_wait3A_545 = tpu.memref_squeeze %dma_wait3A_544 : memref<1x8x100xi32, #tpu.memory_space<hbm>> -> memref<8x100xi32, #tpu.memory_space<hbm>>
      %dma_wait3A_546 = arith.constant 0 : i32
      %dma_wait3A_547 = arith.constant 0 : i32
      %dma_wait3A_548 = tpu.memref_slice %arg5[%dma_wait3A_537, %dma_wait3A_546, %dma_wait3A_547] : memref<2x8x100xi32, #tpu.memory_space<vmem>> -> memref<1x8x100xi32, #tpu.memory_space<vmem>>
      %dma_wait3A_549 = tpu.memref_squeeze %dma_wait3A_548 : memref<1x8x100xi32, #tpu.memory_space<vmem>> -> memref<8x100xi32, #tpu.memory_space<vmem>>
      %dma_wait3A_550 = arith.constant 0 : i32
      %dma_wait3A_551 = arith.constant 0 : i32
      %dma_wait3A_552 = tpu.memref_slice %arg3[%dma_wait3A_536, %dma_wait3A_550, %dma_wait3A_551] : memref<4096x8x100xi32, #tpu.memory_space<hbm>> -> memref<1x8x100xi32, #tpu.memory_space<hbm>>
      %dma_wait3A_553 = tpu.memref_squeeze %dma_wait3A_552 : memref<1x8x100xi32, #tpu.memory_space<hbm>> -> memref<8x100xi32, #tpu.memory_space<hbm>>
      tpu.wait_dma2 semaphore(%arg10 : memref<!tpu.dma_semaphore, #tpu.memory_space<semaphore_mem>>) src(%dma_wait3A_553 : memref<8x100xi32, #tpu.memory_space<hbm>>) dst(%dma_wait3A_549 : memref<8x100xi32, #tpu.memory_space<vmem>>)
      %dma_start3A_554 = arith.constant 0 : i32
      %dma_start3A_555 = arith.constant 0 : i32
      %dma_start3A_556 = arith.constant 0 : i32
      %dma_start3A_557 = arith.constant 0 : i32
      %dma_start3A_558 = arith.constant 0 : i32
      %dma_start3A_559 = tpu.memref_slice %arg6[%dma_start3A_556, %dma_start3A_557, %dma_start3A_558] : memref<2x800x16xf32, #tpu.memory_space<vmem>> -> memref<1x800x16xf32, #tpu.memory_space<vmem>>
      %dma_start3A_560 = tpu.memref_squeeze %dma_start3A_559 : memref<1x800x16xf32, #tpu.memory_space<vmem>> -> memref<800x16xf32, #tpu.memory_space<vmem>>
      %dma_start3A_561 = arith.constant 0 : i32
      %dma_start3A_562 = arith.constant 0 : i32
      %dma_start3A_563 = tpu.memref_slice %dma_start3A_560[%dma_start3A_561, %dma_start3A_562] : memref<800x16xf32, #tpu.memory_space<vmem>> -> memref<100x16xf32, #tpu.memory_space<vmem>>
      %dma_start3A_564 = arith.constant 0 : i32
      %dma_start3A_565 = arith.constant 0 : i32
      %dma_start3A_566 = tpu.memref_slice %arg5[%dma_start3A_554, %dma_start3A_564, %dma_start3A_565] : memref<2x8x100xi32, #tpu.memory_space<vmem>> -> memref<1x8x100xi32, #tpu.memory_space<vmem>>
      %dma_start3A_567 = tpu.memref_squeeze %dma_start3A_566 : memref<1x8x100xi32, #tpu.memory_space<vmem>> -> memref<8x100xi32, #tpu.memory_space<vmem>>
      %dma_start3A_568 = arith.constant 0 : i32
      %dma_start3A_569 = tpu.memref_slice %dma_start3A_567[%dma_start3A_555, %dma_start3A_568] : memref<8x100xi32, #tpu.memory_space<vmem>> -> memref<1x100xi32, #tpu.memory_space<vmem>>
      %dma_start3A_570 = tpu.memref_squeeze %dma_start3A_569 : memref<1x100xi32, #tpu.memory_space<vmem>> -> memref<100xi32, #tpu.memory_space<vmem>>
      %dma_start3A_571 = arith.constant 0 : i32
      %dma_start3A_572 = arith.constant 0 : i32
      %dma_start3A_573 = tpu.memref_slice %arg2[%dma_start3A_571, %dma_start3A_572] : memref<1000000x16xf32, #tpu.memory_space<hbm>> -> memref<1000000x16xf32, #tpu.memory_space<hbm>>
      tpu.enqueue_indirect_dma source(%dma_start3A_573 : memref<1000000x16xf32, #tpu.memory_space<hbm>>) target(%dma_start3A_563 : memref<100x16xf32, #tpu.memory_space<vmem>>) offsets(%dma_start3A_570 : memref<100xi32, #tpu.memory_space<vmem>>) semaphore(%arg8 : memref<!tpu.dma_semaphore, #tpu.memory_space<semaphore_mem>>)
      %dma_start3A_574 = arith.constant 0 : i32
      %dma_start3A_575 = arith.constant 1 : i32
      %dma_start3A_576 = arith.constant 0 : i32
      %dma_start3A_577 = arith.constant 0 : i32
      %dma_start3A_578 = arith.constant 0 : i32
      %dma_start3A_579 = tpu.memref_slice %arg6[%dma_start3A_576, %dma_start3A_577, %dma_start3A_578] : memref<2x800x16xf32, #tpu.memory_space<vmem>> -> memref<1x800x16xf32, #tpu.memory_space<vmem>>
      %dma_start3A_580 = tpu.memref_squeeze %dma_start3A_579 : memref<1x800x16xf32, #tpu.memory_space<vmem>> -> memref<800x16xf32, #tpu.memory_space<vmem>>
      %dma_start3A_581 = arith.constant 100 : i32
      %dma_start3A_582 = arith.constant 0 : i32
      %dma_start3A_583 = tpu.memref_slice %dma_start3A_580[%dma_start3A_581, %dma_start3A_582] : memref<800x16xf32, #tpu.memory_space<vmem>> -> memref<100x16xf32, #tpu.memory_space<vmem>>
      %dma_start3A_584 = arith.constant 0 : i32
      %dma_start3A_585 = arith.constant 0 : i32
      %dma_start3A_586 = tpu.memref_slice %arg5[%dma_start3A_574, %dma_start3A_584, %dma_start3A_585] : memref<2x8x100xi32, #tpu.memory_space<vmem>> -> memref<1x8x100xi32, #tpu.memory_space<vmem>>
      %dma_start3A_587 = tpu.memref_squeeze %dma_start3A_586 : memref<1x8x100xi32, #tpu.memory_space<vmem>> -> memref<8x100xi32, #tpu.memory_space<vmem>>
      %dma_start3A_588 = arith.constant 0 : i32
      %dma_start3A_589 = tpu.memref_slice %dma_start3A_587[%dma_start3A_575, %dma_start3A_588] : memref<8x100xi32, #tpu.memory_space<vmem>> -> memref<1x100xi32, #tpu.memory_space<vmem>>
      %dma_start3A_590 = tpu.memref_squeeze %dma_start3A_589 : memref<1x100xi32, #tpu.memory_space<vmem>> -> memref<100xi32, #tpu.memory_space<vmem>>
      %dma_start3A_591 = arith.constant 0 : i32
      %dma_start3A_592 = arith.constant 0 : i32
      %dma_start3A_593 = tpu.memref_slice %arg2[%dma_start3A_591, %dma_start3A_592] : memref<1000000x16xf32, #tpu.memory_space<hbm>> -> memref<1000000x16xf32, #tpu.memory_space<hbm>>
      tpu.enqueue_indirect_dma source(%dma_start3A_593 : memref<1000000x16xf32, #tpu.memory_space<hbm>>) target(%dma_start3A_583 : memref<100x16xf32, #tpu.memory_space<vmem>>) offsets(%dma_start3A_590 : memref<100xi32, #tpu.memory_space<vmem>>) semaphore(%arg8 : memref<!tpu.dma_semaphore, #tpu.memory_space<semaphore_mem>>)
      %dma_start3A_594 = arith.constant 0 : i32
      %dma_start3A_595 = arith.constant 2 : i32
      %dma_start3A_596 = arith.constant 0 : i32
      %dma_start3A_597 = arith.constant 0 : i32
      %dma_start3A_598 = arith.constant 0 : i32
      %dma_start3A_599 = tpu.memref_slice %arg6[%dma_start3A_596, %dma_start3A_597, %dma_start3A_598] : memref<2x800x16xf32, #tpu.memory_space<vmem>> -> memref<1x800x16xf32, #tpu.memory_space<vmem>>
      %dma_start3A_600 = tpu.memref_squeeze %dma_start3A_599 : memref<1x800x16xf32, #tpu.memory_space<vmem>> -> memref<800x16xf32, #tpu.memory_space<vmem>>
      %dma_start3A_601 = arith.constant 200 : i32
      %dma_start3A_602 = arith.constant 0 : i32
      %dma_start3A_603 = tpu.memref_slice %dma_start3A_600[%dma_start3A_601, %dma_start3A_602] : memref<800x16xf32, #tpu.memory_space<vmem>> -> memref<100x16xf32, #tpu.memory_space<vmem>>
      %dma_start3A_604 = arith.constant 0 : i32
      %dma_start3A_605 = arith.constant 0 : i32
      %dma_start3A_606 = tpu.memref_slice %arg5[%dma_start3A_594, %dma_start3A_604, %dma_start3A_605] : memref<2x8x100xi32, #tpu.memory_space<vmem>> -> memref<1x8x100xi32, #tpu.memory_space<vmem>>
      %dma_start3A_607 = tpu.memref_squeeze %dma_start3A_606 : memref<1x8x100xi32, #tpu.memory_space<vmem>> -> memref<8x100xi32, #tpu.memory_space<vmem>>
      %dma_start3A_608 = arith.constant 0 : i32
      %dma_start3A_609 = tpu.memref_slice %dma_start3A_607[%dma_start3A_595, %dma_start3A_608] : memref<8x100xi32, #tpu.memory_space<vmem>> -> memref<1x100xi32, #tpu.memory_space<vmem>>
      %dma_start3A_610 = tpu.memref_squeeze %dma_start3A_609 : memref<1x100xi32, #tpu.memory_space<vmem>> -> memref<100xi32, #tpu.memory_space<vmem>>
      %dma_start3A_611 = arith.constant 0 : i32
      %dma_start3A_612 = arith.constant 0 : i32
      %dma_start3A_613 = tpu.memref_slice %arg2[%dma_start3A_611, %dma_start3A_612] : memref<1000000x16xf32, #tpu.memory_space<hbm>> -> memref<1000000x16xf32, #tpu.memory_space<hbm>>
      tpu.enqueue_indirect_dma source(%dma_start3A_613 : memref<1000000x16xf32, #tpu.memory_space<hbm>>) target(%dma_start3A_603 : memref<100x16xf32, #tpu.memory_space<vmem>>) offsets(%dma_start3A_610 : memref<100xi32, #tpu.memory_space<vmem>>) semaphore(%arg8 : memref<!tpu.dma_semaphore, #tpu.memory_space<semaphore_mem>>)
      %dma_start3A_614 = arith.constant 0 : i32
      %dma_start3A_615 = arith.constant 3 : i32
      %dma_start3A_616 = arith.constant 0 : i32
      %dma_start3A_617 = arith.constant 0 : i32
      %dma_start3A_618 = arith.constant 0 : i32
      %dma_start3A_619 = tpu.memref_slice %arg6[%dma_start3A_616, %dma_start3A_617, %dma_start3A_618] : memref<2x800x16xf32, #tpu.memory_space<vmem>> -> memref<1x800x16xf32, #tpu.memory_space<vmem>>
      %dma_start3A_620 = tpu.memref_squeeze %dma_start3A_619 : memref<1x800x16xf32, #tpu.memory_space<vmem>> -> memref<800x16xf32, #tpu.memory_space<vmem>>
      %dma_start3A_621 = arith.constant 300 : i32
      %dma_start3A_622 = arith.constant 0 : i32
      %dma_start3A_623 = tpu.memref_slice %dma_start3A_620[%dma_start3A_621, %dma_start3A_622] : memref<800x16xf32, #tpu.memory_space<vmem>> -> memref<100x16xf32, #tpu.memory_space<vmem>>
      %dma_start3A_624 = arith.constant 0 : i32
      %dma_start3A_625 = arith.constant 0 : i32
      %dma_start3A_626 = tpu.memref_slice %arg5[%dma_start3A_614, %dma_start3A_624, %dma_start3A_625] : memref<2x8x100xi32, #tpu.memory_space<vmem>> -> memref<1x8x100xi32, #tpu.memory_space<vmem>>
      %dma_start3A_627 = tpu.memref_squeeze %dma_start3A_626 : memref<1x8x100xi32, #tpu.memory_space<vmem>> -> memref<8x100xi32, #tpu.memory_space<vmem>>
      %dma_start3A_628 = arith.constant 0 : i32
      %dma_start3A_629 = tpu.memref_slice %dma_start3A_627[%dma_start3A_615, %dma_start3A_628] : memref<8x100xi32, #tpu.memory_space<vmem>> -> memref<1x100xi32, #tpu.memory_space<vmem>>
      %dma_start3A_630 = tpu.memref_squeeze %dma_start3A_629 : memref<1x100xi32, #tpu.memory_space<vmem>> -> memref<100xi32, #tpu.memory_space<vmem>>
      %dma_start3A_631 = arith.constant 0 : i32
      %dma_start3A_632 = arith.constant 0 : i32
      %dma_start3A_633 = tpu.memref_slice %arg2[%dma_start3A_631, %dma_start3A_632] : memref<1000000x16xf32, #tpu.memory_space<hbm>> -> memref<1000000x16xf32, #tpu.memory_space<hbm>>
      tpu.enqueue_indirect_dma source(%dma_start3A_633 : memref<1000000x16xf32, #tpu.memory_space<hbm>>) target(%dma_start3A_623 : memref<100x16xf32, #tpu.memory_space<vmem>>) offsets(%dma_start3A_630 : memref<100xi32, #tpu.memory_space<vmem>>) semaphore(%arg8 : memref<!tpu.dma_semaphore, #tpu.memory_space<semaphore_mem>>)
      %dma_start3A_634 = arith.constant 0 : i32
      %dma_start3A_635 = arith.constant 4 : i32
      %dma_start3A_636 = arith.constant 0 : i32
      %dma_start3A_637 = arith.constant 0 : i32
      %dma_start3A_638 = arith.constant 0 : i32
      %dma_start3A_639 = tpu.memref_slice %arg6[%dma_start3A_636, %dma_start3A_637, %dma_start3A_638] : memref<2x800x16xf32, #tpu.memory_space<vmem>> -> memref<1x800x16xf32, #tpu.memory_space<vmem>>
      %dma_start3A_640 = tpu.memref_squeeze %dma_start3A_639 : memref<1x800x16xf32, #tpu.memory_space<vmem>> -> memref<800x16xf32, #tpu.memory_space<vmem>>
      %dma_start3A_641 = arith.constant 400 : i32
      %dma_start3A_642 = arith.constant 0 : i32
      %dma_start3A_643 = tpu.memref_slice %dma_start3A_640[%dma_start3A_641, %dma_start3A_642] : memref<800x16xf32, #tpu.memory_space<vmem>> -> memref<100x16xf32, #tpu.memory_space<vmem>>
      %dma_start3A_644 = arith.constant 0 : i32
      %dma_start3A_645 = arith.constant 0 : i32
      %dma_start3A_646 = tpu.memref_slice %arg5[%dma_start3A_634, %dma_start3A_644, %dma_start3A_645] : memref<2x8x100xi32, #tpu.memory_space<vmem>> -> memref<1x8x100xi32, #tpu.memory_space<vmem>>
      %dma_start3A_647 = tpu.memref_squeeze %dma_start3A_646 : memref<1x8x100xi32, #tpu.memory_space<vmem>> -> memref<8x100xi32, #tpu.memory_space<vmem>>
      %dma_start3A_648 = arith.constant 0 : i32
      %dma_start3A_649 = tpu.memref_slice %dma_start3A_647[%dma_start3A_635, %dma_start3A_648] : memref<8x100xi32, #tpu.memory_space<vmem>> -> memref<1x100xi32, #tpu.memory_space<vmem>>
      %dma_start3A_650 = tpu.memref_squeeze %dma_start3A_649 : memref<1x100xi32, #tpu.memory_space<vmem>> -> memref<100xi32, #tpu.memory_space<vmem>>
      %dma_start3A_651 = arith.constant 0 : i32
      %dma_start3A_652 = arith.constant 0 : i32
      %dma_start3A_653 = tpu.memref_slice %arg2[%dma_start3A_651, %dma_start3A_652] : memref<1000000x16xf32, #tpu.memory_space<hbm>> -> memref<1000000x16xf32, #tpu.memory_space<hbm>>
      tpu.enqueue_indirect_dma source(%dma_start3A_653 : memref<1000000x16xf32, #tpu.memory_space<hbm>>) target(%dma_start3A_643 : memref<100x16xf32, #tpu.memory_space<vmem>>) offsets(%dma_start3A_650 : memref<100xi32, #tpu.memory_space<vmem>>) semaphore(%arg8 : memref<!tpu.dma_semaphore, #tpu.memory_space<semaphore_mem>>)
      %dma_start3A_654 = arith.constant 0 : i32
      %dma_start3A_655 = arith.constant 5 : i32
      %dma_start3A_656 = arith.constant 0 : i32
      %dma_start3A_657 = arith.constant 0 : i32
      %dma_start3A_658 = arith.constant 0 : i32
      %dma_start3A_659 = tpu.memref_slice %arg6[%dma_start3A_656, %dma_start3A_657, %dma_start3A_658] : memref<2x800x16xf32, #tpu.memory_space<vmem>> -> memref<1x800x16xf32, #tpu.memory_space<vmem>>
      %dma_start3A_660 = tpu.memref_squeeze %dma_start3A_659 : memref<1x800x16xf32, #tpu.memory_space<vmem>> -> memref<800x16xf32, #tpu.memory_space<vmem>>
      %dma_start3A_661 = arith.constant 500 : i32
      %dma_start3A_662 = arith.constant 0 : i32
      %dma_start3A_663 = tpu.memref_slice %dma_start3A_660[%dma_start3A_661, %dma_start3A_662] : memref<800x16xf32, #tpu.memory_space<vmem>> -> memref<100x16xf32, #tpu.memory_space<vmem>>
      %dma_start3A_664 = arith.constant 0 : i32
      %dma_start3A_665 = arith.constant 0 : i32
      %dma_start3A_666 = tpu.memref_slice %arg5[%dma_start3A_654, %dma_start3A_664, %dma_start3A_665] : memref<2x8x100xi32, #tpu.memory_space<vmem>> -> memref<1x8x100xi32, #tpu.memory_space<vmem>>
      %dma_start3A_667 = tpu.memref_squeeze %dma_start3A_666 : memref<1x8x100xi32, #tpu.memory_space<vmem>> -> memref<8x100xi32, #tpu.memory_space<vmem>>
      %dma_start3A_668 = arith.constant 0 : i32
      %dma_start3A_669 = tpu.memref_slice %dma_start3A_667[%dma_start3A_655, %dma_start3A_668] : memref<8x100xi32, #tpu.memory_space<vmem>> -> memref<1x100xi32, #tpu.memory_space<vmem>>
      %dma_start3A_670 = tpu.memref_squeeze %dma_start3A_669 : memref<1x100xi32, #tpu.memory_space<vmem>> -> memref<100xi32, #tpu.memory_space<vmem>>
      %dma_start3A_671 = arith.constant 0 : i32
      %dma_start3A_672 = arith.constant 0 : i32
      %dma_start3A_673 = tpu.memref_slice %arg2[%dma_start3A_671, %dma_start3A_672] : memref<1000000x16xf32, #tpu.memory_space<hbm>> -> memref<1000000x16xf32, #tpu.memory_space<hbm>>
      tpu.enqueue_indirect_dma source(%dma_start3A_673 : memref<1000000x16xf32, #tpu.memory_space<hbm>>) target(%dma_start3A_663 : memref<100x16xf32, #tpu.memory_space<vmem>>) offsets(%dma_start3A_670 : memref<100xi32, #tpu.memory_space<vmem>>) semaphore(%arg8 : memref<!tpu.dma_semaphore, #tpu.memory_space<semaphore_mem>>)
      %dma_start3A_674 = arith.constant 0 : i32
      %dma_start3A_675 = arith.constant 6 : i32
      %dma_start3A_676 = arith.constant 0 : i32
      %dma_start3A_677 = arith.constant 0 : i32
      %dma_start3A_678 = arith.constant 0 : i32
      %dma_start3A_679 = tpu.memref_slice %arg6[%dma_start3A_676, %dma_start3A_677, %dma_start3A_678] : memref<2x800x16xf32, #tpu.memory_space<vmem>> -> memref<1x800x16xf32, #tpu.memory_space<vmem>>
      %dma_start3A_680 = tpu.memref_squeeze %dma_start3A_679 : memref<1x800x16xf32, #tpu.memory_space<vmem>> -> memref<800x16xf32, #tpu.memory_space<vmem>>
      %dma_start3A_681 = arith.constant 600 : i32
      %dma_start3A_682 = arith.constant 0 : i32
      %dma_start3A_683 = tpu.memref_slice %dma_start3A_680[%dma_start3A_681, %dma_start3A_682] : memref<800x16xf32, #tpu.memory_space<vmem>> -> memref<100x16xf32, #tpu.memory_space<vmem>>
      %dma_start3A_684 = arith.constant 0 : i32
      %dma_start3A_685 = arith.constant 0 : i32
      %dma_start3A_686 = tpu.memref_slice %arg5[%dma_start3A_674, %dma_start3A_684, %dma_start3A_685] : memref<2x8x100xi32, #tpu.memory_space<vmem>> -> memref<1x8x100xi32, #tpu.memory_space<vmem>>
      %dma_start3A_687 = tpu.memref_squeeze %dma_start3A_686 : memref<1x8x100xi32, #tpu.memory_space<vmem>> -> memref<8x100xi32, #tpu.memory_space<vmem>>
      %dma_start3A_688 = arith.constant 0 : i32
      %dma_start3A_689 = tpu.memref_slice %dma_start3A_687[%dma_start3A_675, %dma_start3A_688] : memref<8x100xi32, #tpu.memory_space<vmem>> -> memref<1x100xi32, #tpu.memory_space<vmem>>
      %dma_start3A_690 = tpu.memref_squeeze %dma_start3A_689 : memref<1x100xi32, #tpu.memory_space<vmem>> -> memref<100xi32, #tpu.memory_space<vmem>>
      %dma_start3A_691 = arith.constant 0 : i32
      %dma_start3A_692 = arith.constant 0 : i32
      %dma_start3A_693 = tpu.memref_slice %arg2[%dma_start3A_691, %dma_start3A_692] : memref<1000000x16xf32, #tpu.memory_space<hbm>> -> memref<1000000x16xf32, #tpu.memory_space<hbm>>
      tpu.enqueue_indirect_dma source(%dma_start3A_693 : memref<1000000x16xf32, #tpu.memory_space<hbm>>) target(%dma_start3A_683 : memref<100x16xf32, #tpu.memory_space<vmem>>) offsets(%dma_start3A_690 : memref<100xi32, #tpu.memory_space<vmem>>) semaphore(%arg8 : memref<!tpu.dma_semaphore, #tpu.memory_space<semaphore_mem>>)
      %dma_start3A_694 = arith.constant 0 : i32
      %dma_start3A_695 = arith.constant 7 : i32
      %dma_start3A_696 = arith.constant 0 : i32
      %dma_start3A_697 = arith.constant 0 : i32
      %dma_start3A_698 = arith.constant 0 : i32
      %dma_start3A_699 = tpu.memref_slice %arg6[%dma_start3A_696, %dma_start3A_697, %dma_start3A_698] : memref<2x800x16xf32, #tpu.memory_space<vmem>> -> memref<1x800x16xf32, #tpu.memory_space<vmem>>
      %dma_start3A_700 = tpu.memref_squeeze %dma_start3A_699 : memref<1x800x16xf32, #tpu.memory_space<vmem>> -> memref<800x16xf32, #tpu.memory_space<vmem>>
      %dma_start3A_701 = arith.constant 700 : i32
      %dma_start3A_702 = arith.constant 0 : i32
      %dma_start3A_703 = tpu.memref_slice %dma_start3A_700[%dma_start3A_701, %dma_start3A_702] : memref<800x16xf32, #tpu.memory_space<vmem>> -> memref<100x16xf32, #tpu.memory_space<vmem>>
      %dma_start3A_704 = arith.constant 0 : i32
      %dma_start3A_705 = arith.constant 0 : i32
      %dma_start3A_706 = tpu.memref_slice %arg5[%dma_start3A_694, %dma_start3A_704, %dma_start3A_705] : memref<2x8x100xi32, #tpu.memory_space<vmem>> -> memref<1x8x100xi32, #tpu.memory_space<vmem>>
      %dma_start3A_707 = tpu.memref_squeeze %dma_start3A_706 : memref<1x8x100xi32, #tpu.memory_space<vmem>> -> memref<8x100xi32, #tpu.memory_space<vmem>>
      %dma_start3A_708 = arith.constant 0 : i32
      %dma_start3A_709 = tpu.memref_slice %dma_start3A_707[%dma_start3A_695, %dma_start3A_708] : memref<8x100xi32, #tpu.memory_space<vmem>> -> memref<1x100xi32, #tpu.memory_space<vmem>>
      %dma_start3A_710 = tpu.memref_squeeze %dma_start3A_709 : memref<1x100xi32, #tpu.memory_space<vmem>> -> memref<100xi32, #tpu.memory_space<vmem>>
      %dma_start3A_711 = arith.constant 0 : i32
      %dma_start3A_712 = arith.constant 0 : i32
      %dma_start3A_713 = tpu.memref_slice %arg2[%dma_start3A_711, %dma_start3A_712] : memref<1000000x16xf32, #tpu.memory_space<hbm>> -> memref<1000000x16xf32, #tpu.memory_space<hbm>>
      tpu.enqueue_indirect_dma source(%dma_start3A_713 : memref<1000000x16xf32, #tpu.memory_space<hbm>>) target(%dma_start3A_703 : memref<100x16xf32, #tpu.memory_space<vmem>>) offsets(%dma_start3A_710 : memref<100xi32, #tpu.memory_space<vmem>>) semaphore(%arg8 : memref<!tpu.dma_semaphore, #tpu.memory_space<semaphore_mem>>)
      %dma_wait3A_714 = arith.constant 1 : i32
      %dma_wait3A_715 = arith.constant 0 : i32
      %dma_wait3A_716 = arith.constant 0 : i32
      %dma_wait3A_717 = tpu.memref_slice %arg6[%dma_wait3A_714, %dma_wait3A_715, %dma_wait3A_716] : memref<2x800x16xf32, #tpu.memory_space<vmem>> -> memref<1x800x16xf32, #tpu.memory_space<vmem>>
      %dma_wait3A_718 = tpu.memref_squeeze %dma_wait3A_717 : memref<1x800x16xf32, #tpu.memory_space<vmem>> -> memref<800x16xf32, #tpu.memory_space<vmem>>
      %dma_wait3A_719 = arith.constant 0 : i32
      %dma_wait3A_720 = arith.constant 0 : i32
      %dma_wait3A_721 = tpu.memref_slice %arg2[%dma_wait3A_719, %dma_wait3A_720] : memref<1000000x16xf32, #tpu.memory_space<hbm>> -> memref<800x16xf32, #tpu.memory_space<hbm>>
      %dma_wait3A_722 = arith.constant 0 : i32
      %dma_wait3A_723 = arith.constant 0 : i32
      %dma_wait3A_724 = tpu.memref_slice %arg6[%dma_wait3A_714, %dma_wait3A_722, %dma_wait3A_723] : memref<2x800x16xf32, #tpu.memory_space<vmem>> -> memref<1x800x16xf32, #tpu.memory_space<vmem>>
      %dma_wait3A_725 = tpu.memref_squeeze %dma_wait3A_724 : memref<1x800x16xf32, #tpu.memory_space<vmem>> -> memref<800x16xf32, #tpu.memory_space<vmem>>
      %dma_wait3A_726 = arith.constant 0 : i32
      %dma_wait3A_727 = arith.constant 0 : i32
      %dma_wait3A_728 = tpu.memref_slice %arg2[%dma_wait3A_726, %dma_wait3A_727] : memref<1000000x16xf32, #tpu.memory_space<hbm>> -> memref<800x16xf32, #tpu.memory_space<hbm>>
      tpu.wait_dma2 semaphore(%arg9 : memref<!tpu.dma_semaphore, #tpu.memory_space<semaphore_mem>>) src(%dma_wait3A_728 : memref<800x16xf32, #tpu.memory_space<hbm>>) dst(%dma_wait3A_725 : memref<800x16xf32, #tpu.memory_space<vmem>>)
      %add3A_729 = arith.constant 2 : i32
      %add3A_730 = arith.addi %add3A_535, %add3A_729 : i32
      %min3A_731 = arith.constant 127 : i32
      %min3A_732 = arith.minsi %add3A_730, %min3A_731 : i32
      %mul3A_733 = arith.constant 128 : i32
      %mul3A_734 = arith.muli %add3A, %mul3A_733 : i32
      %add3A_735 = arith.addi %mul3A_734, %min3A_732 : i32
      %dma_start3A_736 = arith.constant 1 : i32
      %dma_start3A_737 = arith.constant 0 : i32
      %dma_start3A_738 = arith.constant 0 : i32
      %dma_start3A_739 = tpu.memref_slice %arg5[%dma_start3A_736, %dma_start3A_737, %dma_start3A_738] : memref<2x8x100xi32, #tpu.memory_space<vmem>> -> memref<1x8x100xi32, #tpu.memory_space<vmem>>
      %dma_start3A_740 = tpu.memref_squeeze %dma_start3A_739 : memref<1x8x100xi32, #tpu.memory_space<vmem>> -> memref<8x100xi32, #tpu.memory_space<vmem>>
      %dma_start3A_741 = arith.constant 0 : i32
      %dma_start3A_742 = arith.constant 0 : i32
      %dma_start3A_743 = tpu.memref_slice %arg3[%add3A_735, %dma_start3A_741, %dma_start3A_742] : memref<4096x8x100xi32, #tpu.memory_space<hbm>> -> memref<1x8x100xi32, #tpu.memory_space<hbm>>
      %dma_start3A_744 = tpu.memref_squeeze %dma_start3A_743 : memref<1x8x100xi32, #tpu.memory_space<hbm>> -> memref<8x100xi32, #tpu.memory_space<hbm>>
      %dma_start3A_745 = arith.constant 0 : i32
      %dma_start3A_746 = arith.constant 0 : i32
      %dma_start3A_747 = tpu.memref_slice %arg5[%dma_start3A_736, %dma_start3A_745, %dma_start3A_746] : memref<2x8x100xi32, #tpu.memory_space<vmem>> -> memref<1x8x100xi32, #tpu.memory_space<vmem>>
      %dma_start3A_748 = tpu.memref_squeeze %dma_start3A_747 : memref<1x8x100xi32, #tpu.memory_space<vmem>> -> memref<8x100xi32, #tpu.memory_space<vmem>>
      %dma_start3A_749 = arith.constant 0 : i32
      %dma_start3A_750 = arith.constant 0 : i32
      %dma_start3A_751 = tpu.memref_slice %arg3[%add3A_735, %dma_start3A_749, %dma_start3A_750] : memref<4096x8x100xi32, #tpu.memory_space<hbm>> -> memref<1x8x100xi32, #tpu.memory_space<hbm>>
      %dma_start3A_752 = tpu.memref_squeeze %dma_start3A_751 : memref<1x8x100xi32, #tpu.memory_space<hbm>> -> memref<8x100xi32, #tpu.memory_space<hbm>>
      tpu.enqueue_dma source(%dma_start3A_752 : memref<8x100xi32, #tpu.memory_space<hbm>>) target(%dma_start3A_748 : memref<8x100xi32, #tpu.memory_space<vmem>>) target_semaphore(%arg11 : memref<!tpu.dma_semaphore, #tpu.memory_space<semaphore_mem>>)
      %broadcast_in_dim3A_753 = arith.constant 0.000000e+00 : f32
      %broadcast_in_dim3A_754 = vector.broadcast %broadcast_in_dim3A_753 : f32 to vector<16xf32>
      %scan3A_755 = arith.constant 1 : i32
      %scan3A_756 = arith.constant 0 : i32
      %scan3A_757 = arith.constant 25 : i32
      %scan3A_758 = arith.addi %scan3A_756, %scan3A_757 : i32
      %scan3A_759 = arith.constant 1 : i32
      %scan3A_760:8 = scf.for %scan3A_846 = %scan3A_756 to %scan3A_758 step %scan3A_759 iter_args(%scan3A_847 = %broadcast_in_dim3A_754, %scan3A_848 = %broadcast_in_dim3A_754, %scan3A_849 = %broadcast_in_dim3A_754, %scan3A_850 = %broadcast_in_dim3A_754, %scan3A_851 = %broadcast_in_dim3A_754, %scan3A_852 = %broadcast_in_dim3A_754, %scan3A_853 = %broadcast_in_dim3A_754, %scan3A_854 = %broadcast_in_dim3A_754) -> (vector<16xf32>, vector<16xf32>, vector<16xf32>, vector<16xf32>, vector<16xf32>, vector<16xf32>, vector<16xf32>, vector<16xf32>)  : i32 {
        %mul3A_855 = arith.constant 8 : i32
        %mul3A_856 = arith.muli %scan3A_846, %mul3A_855 : i32
        %add3A_857 = arith.constant 0 : i32
        %add3A_858 = arith.addi %add3A_857, %mul3A_856 : i32
        %add3A_859 = arith.constant 0 : i32
        %add3A_860 = arith.addi %add3A_858, %add3A_859 : i32
        %get3A = arith.constant 0 : i32
        %get3A_861 = arith.constant 0 : i32
        %get3A_862 = tpu.memref_slice %arg6[%scan3A_755, %get3A, %get3A_861] : memref<2x800x16xf32, #tpu.memory_space<vmem>> -> memref<1x800x16xf32, #tpu.memory_space<vmem>>
        %get3A_863 = tpu.memref_squeeze %get3A_862 : memref<1x800x16xf32, #tpu.memory_space<vmem>> -> memref<800x16xf32, #tpu.memory_space<vmem>>
        %get3A_864 = arith.index_cast %add3A_860 : i32 to index
        %get3A_865 = arith.constant 0 : index
        %get3A_866 = tpu.vector_load %get3A_863[%get3A_864, %get3A_865] {strides = array<i32>} : memref<800x16xf32, #tpu.memory_space<vmem>>, vector<1x16xf32>,
        %get3A_867 = vector.shape_cast %get3A_866 : vector<1x16xf32> to vector<16xf32>
        %add3A_868 = arith.addf %scan3A_847, %get3A_867 : vector<16xf32>
        %add3A_869 = arith.constant 1 : i32
        %add3A_870 = arith.addi %add3A_858, %add3A_869 : i32
        %get3A_871 = arith.constant 0 : i32
        %get3A_872 = arith.constant 0 : i32
        %get3A_873 = tpu.memref_slice %arg6[%scan3A_755, %get3A_871, %get3A_872] : memref<2x800x16xf32, #tpu.memory_space<vmem>> -> memref<1x800x16xf32, #tpu.memory_space<vmem>>
        %get3A_874 = tpu.memref_squeeze %get3A_873 : memref<1x800x16xf32, #tpu.memory_space<vmem>> -> memref<800x16xf32, #tpu.memory_space<vmem>>
        %get3A_875 = arith.index_cast %add3A_870 : i32 to index
        %get3A_876 = arith.constant 0 : index
        %get3A_877 = tpu.vector_load %get3A_874[%get3A_875, %get3A_876] {strides = array<i32>} : memref<800x16xf32, #tpu.memory_space<vmem>>, vector<1x16xf32>,
        %get3A_878 = vector.shape_cast %get3A_877 : vector<1x16xf32> to vector<16xf32>
        %add3A_879 = arith.addf %scan3A_848, %get3A_878 : vector<16xf32>
        %add3A_880 = arith.constant 2 : i32
        %add3A_881 = arith.addi %add3A_858, %add3A_880 : i32
        %get3A_882 = arith.constant 0 : i32
        %get3A_883 = arith.constant 0 : i32
        %get3A_884 = tpu.memref_slice %arg6[%scan3A_755, %get3A_882, %get3A_883] : memref<2x800x16xf32, #tpu.memory_space<vmem>> -> memref<1x800x16xf32, #tpu.memory_space<vmem>>
        %get3A_885 = tpu.memref_squeeze %get3A_884 : memref<1x800x16xf32, #tpu.memory_space<vmem>> -> memref<800x16xf32, #tpu.memory_space<vmem>>
        %get3A_886 = arith.index_cast %add3A_881 : i32 to index
        %get3A_887 = arith.constant 0 : index
        %get3A_888 = tpu.vector_load %get3A_885[%get3A_886, %get3A_887] {strides = array<i32>} : memref<800x16xf32, #tpu.memory_space<vmem>>, vector<1x16xf32>,
        %get3A_889 = vector.shape_cast %get3A_888 : vector<1x16xf32> to vector<16xf32>
        %add3A_890 = arith.addf %scan3A_849, %get3A_889 : vector<16xf32>
        %add3A_891 = arith.constant 3 : i32
        %add3A_892 = arith.addi %add3A_858, %add3A_891 : i32
        %get3A_893 = arith.constant 0 : i32
        %get3A_894 = arith.constant 0 : i32
        %get3A_895 = tpu.memref_slice %arg6[%scan3A_755, %get3A_893, %get3A_894] : memref<2x800x16xf32, #tpu.memory_space<vmem>> -> memref<1x800x16xf32, #tpu.memory_space<vmem>>
        %get3A_896 = tpu.memref_squeeze %get3A_895 : memref<1x800x16xf32, #tpu.memory_space<vmem>> -> memref<800x16xf32, #tpu.memory_space<vmem>>
        %get3A_897 = arith.index_cast %add3A_892 : i32 to index
        %get3A_898 = arith.constant 0 : index
        %get3A_899 = tpu.vector_load %get3A_896[%get3A_897, %get3A_898] {strides = array<i32>} : memref<800x16xf32, #tpu.memory_space<vmem>>, vector<1x16xf32>,
        %get3A_900 = vector.shape_cast %get3A_899 : vector<1x16xf32> to vector<16xf32>
        %add3A_901 = arith.addf %scan3A_850, %get3A_900 : vector<16xf32>
        %add3A_902 = arith.constant 4 : i32
        %add3A_903 = arith.addi %add3A_858, %add3A_902 : i32
        %get3A_904 = arith.constant 0 : i32
        %get3A_905 = arith.constant 0 : i32
        %get3A_906 = tpu.memref_slice %arg6[%scan3A_755, %get3A_904, %get3A_905] : memref<2x800x16xf32, #tpu.memory_space<vmem>> -> memref<1x800x16xf32, #tpu.memory_space<vmem>>
        %get3A_907 = tpu.memref_squeeze %get3A_906 : memref<1x800x16xf32, #tpu.memory_space<vmem>> -> memref<800x16xf32, #tpu.memory_space<vmem>>
        %get3A_908 = arith.index_cast %add3A_903 : i32 to index
        %get3A_909 = arith.constant 0 : index
        %get3A_910 = tpu.vector_load %get3A_907[%get3A_908, %get3A_909] {strides = array<i32>} : memref<800x16xf32, #tpu.memory_space<vmem>>, vector<1x16xf32>,
        %get3A_911 = vector.shape_cast %get3A_910 : vector<1x16xf32> to vector<16xf32>
        %add3A_912 = arith.addf %scan3A_851, %get3A_911 : vector<16xf32>
        %add3A_913 = arith.constant 5 : i32
        %add3A_914 = arith.addi %add3A_858, %add3A_913 : i32
        %get3A_915 = arith.constant 0 : i32
        %get3A_916 = arith.constant 0 : i32
        %get3A_917 = tpu.memref_slice %arg6[%scan3A_755, %get3A_915, %get3A_916] : memref<2x800x16xf32, #tpu.memory_space<vmem>> -> memref<1x800x16xf32, #tpu.memory_space<vmem>>
        %get3A_918 = tpu.memref_squeeze %get3A_917 : memref<1x800x16xf32, #tpu.memory_space<vmem>> -> memref<800x16xf32, #tpu.memory_space<vmem>>
        %get3A_919 = arith.index_cast %add3A_914 : i32 to index
        %get3A_920 = arith.constant 0 : index
        %get3A_921 = tpu.vector_load %get3A_918[%get3A_919, %get3A_920] {strides = array<i32>} : memref<800x16xf32, #tpu.memory_space<vmem>>, vector<1x16xf32>,
        %get3A_922 = vector.shape_cast %get3A_921 : vector<1x16xf32> to vector<16xf32>
        %add3A_923 = arith.addf %scan3A_852, %get3A_922 : vector<16xf32>
        %add3A_924 = arith.constant 6 : i32
        %add3A_925 = arith.addi %add3A_858, %add3A_924 : i32
        %get3A_926 = arith.constant 0 : i32
        %get3A_927 = arith.constant 0 : i32
        %get3A_928 = tpu.memref_slice %arg6[%scan3A_755, %get3A_926, %get3A_927] : memref<2x800x16xf32, #tpu.memory_space<vmem>> -> memref<1x800x16xf32, #tpu.memory_space<vmem>>
        %get3A_929 = tpu.memref_squeeze %get3A_928 : memref<1x800x16xf32, #tpu.memory_space<vmem>> -> memref<800x16xf32, #tpu.memory_space<vmem>>
        %get3A_930 = arith.index_cast %add3A_925 : i32 to index
        %get3A_931 = arith.constant 0 : index
        %get3A_932 = tpu.vector_load %get3A_929[%get3A_930, %get3A_931] {strides = array<i32>} : memref<800x16xf32, #tpu.memory_space<vmem>>, vector<1x16xf32>,
        %get3A_933 = vector.shape_cast %get3A_932 : vector<1x16xf32> to vector<16xf32>
        %add3A_934 = arith.addf %scan3A_853, %get3A_933 : vector<16xf32>
        %add3A_935 = arith.constant 7 : i32
        %add3A_936 = arith.addi %add3A_858, %add3A_935 : i32
        %get3A_937 = arith.constant 0 : i32
        %get3A_938 = arith.constant 0 : i32
        %get3A_939 = tpu.memref_slice %arg6[%scan3A_755, %get3A_937, %get3A_938] : memref<2x800x16xf32, #tpu.memory_space<vmem>> -> memref<1x800x16xf32, #tpu.memory_space<vmem>>
        %get3A_940 = tpu.memref_squeeze %get3A_939 : memref<1x800x16xf32, #tpu.memory_space<vmem>> -> memref<800x16xf32, #tpu.memory_space<vmem>>
        %get3A_941 = arith.index_cast %add3A_936 : i32 to index
        %get3A_942 = arith.constant 0 : index
        %get3A_943 = tpu.vector_load %get3A_940[%get3A_941, %get3A_942] {strides = array<i32>} : memref<800x16xf32, #tpu.memory_space<vmem>>, vector<1x16xf32>,
        %get3A_944 = vector.shape_cast %get3A_943 : vector<1x16xf32> to vector<16xf32>
        %add3A_945 = arith.addf %scan3A_854, %get3A_944 : vector<16xf32>
        scf.yield %add3A_868, %add3A_879, %add3A_890, %add3A_901, %add3A_912, %add3A_923, %add3A_934, %add3A_945 : vector<16xf32>, vector<16xf32>, vector<16xf32>, vector<16xf32>, vector<16xf32>, vector<16xf32>, vector<16xf32>, vector<16xf32>
      }
      %scan3A_761 = arith.constant 25 : i32
      %add3A_762 = arith.addf %scan3A_760#0, %scan3A_760#1 : vector<16xf32>
      %add3A_763 = arith.addf %scan3A_760#2, %scan3A_760#3 : vector<16xf32>
      %add3A_764 = arith.addf %add3A_762, %add3A_763 : vector<16xf32>
      %add3A_765 = arith.addf %scan3A_760#4, %scan3A_760#5 : vector<16xf32>
      %add3A_766 = arith.addf %scan3A_760#6, %scan3A_760#7 : vector<16xf32>
      %add3A_767 = arith.addf %add3A_765, %add3A_766 : vector<16xf32>
      %add3A_768 = arith.addf %add3A_764, %add3A_767 : vector<16xf32>
      %swap3A_769 = arith.constant 0 : i32
      %swap3A_770 = arith.index_cast %swap3A_769 : i32 to index
      %swap3A_771 = arith.constant 0 : index
      %swap3A_772 = tpu.vector_load %arg7[%swap3A_770, %swap3A_771] {strides = array<i32>} : memref<4x16xf32, #tpu.memory_space<vmem>>, vector<1x16xf32>,
      %swap3A_773 = vector.shape_cast %swap3A_772 : vector<1x16xf32> to vector<16xf32>
      %swap3A_774 = vector.shape_cast %add3A_768 : vector<16xf32> to vector<1x16xf32>
      tpu.vector_store %arg7[%swap3A_770, %swap3A_771], %swap3A_774 {strides = array<i32>} : memref<4x16xf32, #tpu.memory_space<vmem>>, vector<1x16xf32>,
      %broadcast_in_dim3A_775 = arith.constant 0.000000e+00 : f32
      %broadcast_in_dim3A_776 = vector.broadcast %broadcast_in_dim3A_775 : f32 to vector<16xf32>
      %scan3A_777 = arith.constant 1 : i32
      %scan3A_778 = arith.constant 0 : i32
      %scan3A_779 = arith.constant 25 : i32
      %scan3A_780 = arith.addi %scan3A_778, %scan3A_779 : i32
      %scan3A_781 = arith.constant 1 : i32
      %scan3A_782:8 = scf.for %scan3A_846 = %scan3A_778 to %scan3A_780 step %scan3A_781 iter_args(%scan3A_847 = %broadcast_in_dim3A_776, %scan3A_848 = %broadcast_in_dim3A_776, %scan3A_849 = %broadcast_in_dim3A_776, %scan3A_850 = %broadcast_in_dim3A_776, %scan3A_851 = %broadcast_in_dim3A_776, %scan3A_852 = %broadcast_in_dim3A_776, %scan3A_853 = %broadcast_in_dim3A_776, %scan3A_854 = %broadcast_in_dim3A_776) -> (vector<16xf32>, vector<16xf32>, vector<16xf32>, vector<16xf32>, vector<16xf32>, vector<16xf32>, vector<16xf32>, vector<16xf32>)  : i32 {
        %mul3A_855 = arith.constant 8 : i32
        %mul3A_856 = arith.muli %scan3A_846, %mul3A_855 : i32
        %add3A_857 = arith.constant 200 : i32
        %add3A_858 = arith.addi %add3A_857, %mul3A_856 : i32
        %add3A_859 = arith.constant 0 : i32
        %add3A_860 = arith.addi %add3A_858, %add3A_859 : i32
        %get3A = arith.constant 0 : i32
        %get3A_861 = arith.constant 0 : i32
        %get3A_862 = tpu.memref_slice %arg6[%scan3A_777, %get3A, %get3A_861] : memref<2x800x16xf32, #tpu.memory_space<vmem>> -> memref<1x800x16xf32, #tpu.memory_space<vmem>>
        %get3A_863 = tpu.memref_squeeze %get3A_862 : memref<1x800x16xf32, #tpu.memory_space<vmem>> -> memref<800x16xf32, #tpu.memory_space<vmem>>
        %get3A_864 = arith.index_cast %add3A_860 : i32 to index
        %get3A_865 = arith.constant 0 : index
        %get3A_866 = tpu.vector_load %get3A_863[%get3A_864, %get3A_865] {strides = array<i32>} : memref<800x16xf32, #tpu.memory_space<vmem>>, vector<1x16xf32>,
        %get3A_867 = vector.shape_cast %get3A_866 : vector<1x16xf32> to vector<16xf32>
        %add3A_868 = arith.addf %scan3A_847, %get3A_867 : vector<16xf32>
        %add3A_869 = arith.constant 1 : i32
        %add3A_870 = arith.addi %add3A_858, %add3A_869 : i32
        %get3A_871 = arith.constant 0 : i32
        %get3A_872 = arith.constant 0 : i32
        %get3A_873 = tpu.memref_slice %arg6[%scan3A_777, %get3A_871, %get3A_872] : memref<2x800x16xf32, #tpu.memory_space<vmem>> -> memref<1x800x16xf32, #tpu.memory_space<vmem>>
        %get3A_874 = tpu.memref_squeeze %get3A_873 : memref<1x800x16xf32, #tpu.memory_space<vmem>> -> memref<800x16xf32, #tpu.memory_space<vmem>>
        %get3A_875 = arith.index_cast %add3A_870 : i32 to index
        %get3A_876 = arith.constant 0 : index
        %get3A_877 = tpu.vector_load %get3A_874[%get3A_875, %get3A_876] {strides = array<i32>} : memref<800x16xf32, #tpu.memory_space<vmem>>, vector<1x16xf32>,
        %get3A_878 = vector.shape_cast %get3A_877 : vector<1x16xf32> to vector<16xf32>
        %add3A_879 = arith.addf %scan3A_848, %get3A_878 : vector<16xf32>
        %add3A_880 = arith.constant 2 : i32
        %add3A_881 = arith.addi %add3A_858, %add3A_880 : i32
        %get3A_882 = arith.constant 0 : i32
        %get3A_883 = arith.constant 0 : i32
        %get3A_884 = tpu.memref_slice %arg6[%scan3A_777, %get3A_882, %get3A_883] : memref<2x800x16xf32, #tpu.memory_space<vmem>> -> memref<1x800x16xf32, #tpu.memory_space<vmem>>
        %get3A_885 = tpu.memref_squeeze %get3A_884 : memref<1x800x16xf32, #tpu.memory_space<vmem>> -> memref<800x16xf32, #tpu.memory_space<vmem>>
        %get3A_886 = arith.index_cast %add3A_881 : i32 to index
        %get3A_887 = arith.constant 0 : index
        %get3A_888 = tpu.vector_load %get3A_885[%get3A_886, %get3A_887] {strides = array<i32>} : memref<800x16xf32, #tpu.memory_space<vmem>>, vector<1x16xf32>,
        %get3A_889 = vector.shape_cast %get3A_888 : vector<1x16xf32> to vector<16xf32>
        %add3A_890 = arith.addf %scan3A_849, %get3A_889 : vector<16xf32>
        %add3A_891 = arith.constant 3 : i32
        %add3A_892 = arith.addi %add3A_858, %add3A_891 : i32
        %get3A_893 = arith.constant 0 : i32
        %get3A_894 = arith.constant 0 : i32
        %get3A_895 = tpu.memref_slice %arg6[%scan3A_777, %get3A_893, %get3A_894] : memref<2x800x16xf32, #tpu.memory_space<vmem>> -> memref<1x800x16xf32, #tpu.memory_space<vmem>>
        %get3A_896 = tpu.memref_squeeze %get3A_895 : memref<1x800x16xf32, #tpu.memory_space<vmem>> -> memref<800x16xf32, #tpu.memory_space<vmem>>
        %get3A_897 = arith.index_cast %add3A_892 : i32 to index
        %get3A_898 = arith.constant 0 : index
        %get3A_899 = tpu.vector_load %get3A_896[%get3A_897, %get3A_898] {strides = array<i32>} : memref<800x16xf32, #tpu.memory_space<vmem>>, vector<1x16xf32>,
        %get3A_900 = vector.shape_cast %get3A_899 : vector<1x16xf32> to vector<16xf32>
        %add3A_901 = arith.addf %scan3A_850, %get3A_900 : vector<16xf32>
        %add3A_902 = arith.constant 4 : i32
        %add3A_903 = arith.addi %add3A_858, %add3A_902 : i32
        %get3A_904 = arith.constant 0 : i32
        %get3A_905 = arith.constant 0 : i32
        %get3A_906 = tpu.memref_slice %arg6[%scan3A_777, %get3A_904, %get3A_905] : memref<2x800x16xf32, #tpu.memory_space<vmem>> -> memref<1x800x16xf32, #tpu.memory_space<vmem>>
        %get3A_907 = tpu.memref_squeeze %get3A_906 : memref<1x800x16xf32, #tpu.memory_space<vmem>> -> memref<800x16xf32, #tpu.memory_space<vmem>>
        %get3A_908 = arith.index_cast %add3A_903 : i32 to index
        %get3A_909 = arith.constant 0 : index
        %get3A_910 = tpu.vector_load %get3A_907[%get3A_908, %get3A_909] {strides = array<i32>} : memref<800x16xf32, #tpu.memory_space<vmem>>, vector<1x16xf32>,
        %get3A_911 = vector.shape_cast %get3A_910 : vector<1x16xf32> to vector<16xf32>
        %add3A_912 = arith.addf %scan3A_851, %get3A_911 : vector<16xf32>
        %add3A_913 = arith.constant 5 : i32
        %add3A_914 = arith.addi %add3A_858, %add3A_913 : i32
        %get3A_915 = arith.constant 0 : i32
        %get3A_916 = arith.constant 0 : i32
        %get3A_917 = tpu.memref_slice %arg6[%scan3A_777, %get3A_915, %get3A_916] : memref<2x800x16xf32, #tpu.memory_space<vmem>> -> memref<1x800x16xf32, #tpu.memory_space<vmem>>
        %get3A_918 = tpu.memref_squeeze %get3A_917 : memref<1x800x16xf32, #tpu.memory_space<vmem>> -> memref<800x16xf32, #tpu.memory_space<vmem>>
        %get3A_919 = arith.index_cast %add3A_914 : i32 to index
        %get3A_920 = arith.constant 0 : index
        %get3A_921 = tpu.vector_load %get3A_918[%get3A_919, %get3A_920] {strides = array<i32>} : memref<800x16xf32, #tpu.memory_space<vmem>>, vector<1x16xf32>,
        %get3A_922 = vector.shape_cast %get3A_921 : vector<1x16xf32> to vector<16xf32>
        %add3A_923 = arith.addf %scan3A_852, %get3A_922 : vector<16xf32>
        %add3A_924 = arith.constant 6 : i32
        %add3A_925 = arith.addi %add3A_858, %add3A_924 : i32
        %get3A_926 = arith.constant 0 : i32
        %get3A_927 = arith.constant 0 : i32
        %get3A_928 = tpu.memref_slice %arg6[%scan3A_777, %get3A_926, %get3A_927] : memref<2x800x16xf32, #tpu.memory_space<vmem>> -> memref<1x800x16xf32, #tpu.memory_space<vmem>>
        %get3A_929 = tpu.memref_squeeze %get3A_928 : memref<1x800x16xf32, #tpu.memory_space<vmem>> -> memref<800x16xf32, #tpu.memory_space<vmem>>
        %get3A_930 = arith.index_cast %add3A_925 : i32 to index
        %get3A_931 = arith.constant 0 : index
        %get3A_932 = tpu.vector_load %get3A_929[%get3A_930, %get3A_931] {strides = array<i32>} : memref<800x16xf32, #tpu.memory_space<vmem>>, vector<1x16xf32>,
        %get3A_933 = vector.shape_cast %get3A_932 : vector<1x16xf32> to vector<16xf32>
        %add3A_934 = arith.addf %scan3A_853, %get3A_933 : vector<16xf32>
        %add3A_935 = arith.constant 7 : i32
        %add3A_936 = arith.addi %add3A_858, %add3A_935 : i32
        %get3A_937 = arith.constant 0 : i32
        %get3A_938 = arith.constant 0 : i32
        %get3A_939 = tpu.memref_slice %arg6[%scan3A_777, %get3A_937, %get3A_938] : memref<2x800x16xf32, #tpu.memory_space<vmem>> -> memref<1x800x16xf32, #tpu.memory_space<vmem>>
        %get3A_940 = tpu.memref_squeeze %get3A_939 : memref<1x800x16xf32, #tpu.memory_space<vmem>> -> memref<800x16xf32, #tpu.memory_space<vmem>>
        %get3A_941 = arith.index_cast %add3A_936 : i32 to index
        %get3A_942 = arith.constant 0 : index
        %get3A_943 = tpu.vector_load %get3A_940[%get3A_941, %get3A_942] {strides = array<i32>} : memref<800x16xf32, #tpu.memory_space<vmem>>, vector<1x16xf32>,
        %get3A_944 = vector.shape_cast %get3A_943 : vector<1x16xf32> to vector<16xf32>
        %add3A_945 = arith.addf %scan3A_854, %get3A_944 : vector<16xf32>
        scf.yield %add3A_868, %add3A_879, %add3A_890, %add3A_901, %add3A_912, %add3A_923, %add3A_934, %add3A_945 : vector<16xf32>, vector<16xf32>, vector<16xf32>, vector<16xf32>, vector<16xf32>, vector<16xf32>, vector<16xf32>, vector<16xf32>
      }
      %scan3A_783 = arith.constant 25 : i32
      %add3A_784 = arith.addf %scan3A_782#0, %scan3A_782#1 : vector<16xf32>
      %add3A_785 = arith.addf %scan3A_782#2, %scan3A_782#3 : vector<16xf32>
      %add3A_786 = arith.addf %add3A_784, %add3A_785 : vector<16xf32>
      %add3A_787 = arith.addf %scan3A_782#4, %scan3A_782#5 : vector<16xf32>
      %add3A_788 = arith.addf %scan3A_782#6, %scan3A_782#7 : vector<16xf32>
      %add3A_789 = arith.addf %add3A_787, %add3A_788 : vector<16xf32>
      %add3A_790 = arith.addf %add3A_786, %add3A_789 : vector<16xf32>
      %swap3A_791 = arith.constant 1 : i32
      %swap3A_792 = arith.index_cast %swap3A_791 : i32 to index
      %swap3A_793 = arith.constant 0 : index
      %swap3A_794 = tpu.vector_load %arg7[%swap3A_792, %swap3A_793] {strides = array<i32>} : memref<4x16xf32, #tpu.memory_space<vmem>>, vector<1x16xf32>,
      %swap3A_795 = vector.shape_cast %swap3A_794 : vector<1x16xf32> to vector<16xf32>
      %swap3A_796 = vector.shape_cast %add3A_790 : vector<16xf32> to vector<1x16xf32>
      tpu.vector_store %arg7[%swap3A_792, %swap3A_793], %swap3A_796 {strides = array<i32>} : memref<4x16xf32, #tpu.memory_space<vmem>>, vector<1x16xf32>,
      %broadcast_in_dim3A_797 = arith.constant 0.000000e+00 : f32
      %broadcast_in_dim3A_798 = vector.broadcast %broadcast_in_dim3A_797 : f32 to vector<16xf32>
      %scan3A_799 = arith.constant 1 : i32
      %scan3A_800 = arith.constant 0 : i32
      %scan3A_801 = arith.constant 25 : i32
      %scan3A_802 = arith.addi %scan3A_800, %scan3A_801 : i32
      %scan3A_803 = arith.constant 1 : i32
      %scan3A_804:8 = scf.for %scan3A_846 = %scan3A_800 to %scan3A_802 step %scan3A_803 iter_args(%scan3A_847 = %broadcast_in_dim3A_798, %scan3A_848 = %broadcast_in_dim3A_798, %scan3A_849 = %broadcast_in_dim3A_798, %scan3A_850 = %broadcast_in_dim3A_798, %scan3A_851 = %broadcast_in_dim3A_798, %scan3A_852 = %broadcast_in_dim3A_798, %scan3A_853 = %broadcast_in_dim3A_798, %scan3A_854 = %broadcast_in_dim3A_798) -> (vector<16xf32>, vector<16xf32>, vector<16xf32>, vector<16xf32>, vector<16xf32>, vector<16xf32>, vector<16xf32>, vector<16xf32>)  : i32 {
        %mul3A_855 = arith.constant 8 : i32
        %mul3A_856 = arith.muli %scan3A_846, %mul3A_855 : i32
        %add3A_857 = arith.constant 400 : i32
        %add3A_858 = arith.addi %add3A_857, %mul3A_856 : i32
        %add3A_859 = arith.constant 0 : i32
        %add3A_860 = arith.addi %add3A_858, %add3A_859 : i32
        %get3A = arith.constant 0 : i32
        %get3A_861 = arith.constant 0 : i32
        %get3A_862 = tpu.memref_slice %arg6[%scan3A_799, %get3A, %get3A_861] : memref<2x800x16xf32, #tpu.memory_space<vmem>> -> memref<1x800x16xf32, #tpu.memory_space<vmem>>
        %get3A_863 = tpu.memref_squeeze %get3A_862 : memref<1x800x16xf32, #tpu.memory_space<vmem>> -> memref<800x16xf32, #tpu.memory_space<vmem>>
        %get3A_864 = arith.index_cast %add3A_860 : i32 to index
        %get3A_865 = arith.constant 0 : index
        %get3A_866 = tpu.vector_load %get3A_863[%get3A_864, %get3A_865] {strides = array<i32>} : memref<800x16xf32, #tpu.memory_space<vmem>>, vector<1x16xf32>,
        %get3A_867 = vector.shape_cast %get3A_866 : vector<1x16xf32> to vector<16xf32>
        %add3A_868 = arith.addf %scan3A_847, %get3A_867 : vector<16xf32>
        %add3A_869 = arith.constant 1 : i32
        %add3A_870 = arith.addi %add3A_858, %add3A_869 : i32
        %get3A_871 = arith.constant 0 : i32
        %get3A_872 = arith.constant 0 : i32
        %get3A_873 = tpu.memref_slice %arg6[%scan3A_799, %get3A_871, %get3A_872] : memref<2x800x16xf32, #tpu.memory_space<vmem>> -> memref<1x800x16xf32, #tpu.memory_space<vmem>>
        %get3A_874 = tpu.memref_squeeze %get3A_873 : memref<1x800x16xf32, #tpu.memory_space<vmem>> -> memref<800x16xf32, #tpu.memory_space<vmem>>
        %get3A_875 = arith.index_cast %add3A_870 : i32 to index
        %get3A_876 = arith.constant 0 : index
        %get3A_877 = tpu.vector_load %get3A_874[%get3A_875, %get3A_876] {strides = array<i32>} : memref<800x16xf32, #tpu.memory_space<vmem>>, vector<1x16xf32>,
        %get3A_878 = vector.shape_cast %get3A_877 : vector<1x16xf32> to vector<16xf32>
        %add3A_879 = arith.addf %scan3A_848, %get3A_878 : vector<16xf32>
        %add3A_880 = arith.constant 2 : i32
        %add3A_881 = arith.addi %add3A_858, %add3A_880 : i32
        %get3A_882 = arith.constant 0 : i32
        %get3A_883 = arith.constant 0 : i32
        %get3A_884 = tpu.memref_slice %arg6[%scan3A_799, %get3A_882, %get3A_883] : memref<2x800x16xf32, #tpu.memory_space<vmem>> -> memref<1x800x16xf32, #tpu.memory_space<vmem>>
        %get3A_885 = tpu.memref_squeeze %get3A_884 : memref<1x800x16xf32, #tpu.memory_space<vmem>> -> memref<800x16xf32, #tpu.memory_space<vmem>>
        %get3A_886 = arith.index_cast %add3A_881 : i32 to index
        %get3A_887 = arith.constant 0 : index
        %get3A_888 = tpu.vector_load %get3A_885[%get3A_886, %get3A_887] {strides = array<i32>} : memref<800x16xf32, #tpu.memory_space<vmem>>, vector<1x16xf32>,
        %get3A_889 = vector.shape_cast %get3A_888 : vector<1x16xf32> to vector<16xf32>
        %add3A_890 = arith.addf %scan3A_849, %get3A_889 : vector<16xf32>
        %add3A_891 = arith.constant 3 : i32
        %add3A_892 = arith.addi %add3A_858, %add3A_891 : i32
        %get3A_893 = arith.constant 0 : i32
        %get3A_894 = arith.constant 0 : i32
        %get3A_895 = tpu.memref_slice %arg6[%scan3A_799, %get3A_893, %get3A_894] : memref<2x800x16xf32, #tpu.memory_space<vmem>> -> memref<1x800x16xf32, #tpu.memory_space<vmem>>
        %get3A_896 = tpu.memref_squeeze %get3A_895 : memref<1x800x16xf32, #tpu.memory_space<vmem>> -> memref<800x16xf32, #tpu.memory_space<vmem>>
        %get3A_897 = arith.index_cast %add3A_892 : i32 to index
        %get3A_898 = arith.constant 0 : index
        %get3A_899 = tpu.vector_load %get3A_896[%get3A_897, %get3A_898] {strides = array<i32>} : memref<800x16xf32, #tpu.memory_space<vmem>>, vector<1x16xf32>,
        %get3A_900 = vector.shape_cast %get3A_899 : vector<1x16xf32> to vector<16xf32>
        %add3A_901 = arith.addf %scan3A_850, %get3A_900 : vector<16xf32>
        %add3A_902 = arith.constant 4 : i32
        %add3A_903 = arith.addi %add3A_858, %add3A_902 : i32
        %get3A_904 = arith.constant 0 : i32
        %get3A_905 = arith.constant 0 : i32
        %get3A_906 = tpu.memref_slice %arg6[%scan3A_799, %get3A_904, %get3A_905] : memref<2x800x16xf32, #tpu.memory_space<vmem>> -> memref<1x800x16xf32, #tpu.memory_space<vmem>>
        %get3A_907 = tpu.memref_squeeze %get3A_906 : memref<1x800x16xf32, #tpu.memory_space<vmem>> -> memref<800x16xf32, #tpu.memory_space<vmem>>
        %get3A_908 = arith.index_cast %add3A_903 : i32 to index
        %get3A_909 = arith.constant 0 : index
        %get3A_910 = tpu.vector_load %get3A_907[%get3A_908, %get3A_909] {strides = array<i32>} : memref<800x16xf32, #tpu.memory_space<vmem>>, vector<1x16xf32>,
        %get3A_911 = vector.shape_cast %get3A_910 : vector<1x16xf32> to vector<16xf32>
        %add3A_912 = arith.addf %scan3A_851, %get3A_911 : vector<16xf32>
        %add3A_913 = arith.constant 5 : i32
        %add3A_914 = arith.addi %add3A_858, %add3A_913 : i32
        %get3A_915 = arith.constant 0 : i32
        %get3A_916 = arith.constant 0 : i32
        %get3A_917 = tpu.memref_slice %arg6[%scan3A_799, %get3A_915, %get3A_916] : memref<2x800x16xf32, #tpu.memory_space<vmem>> -> memref<1x800x16xf32, #tpu.memory_space<vmem>>
        %get3A_918 = tpu.memref_squeeze %get3A_917 : memref<1x800x16xf32, #tpu.memory_space<vmem>> -> memref<800x16xf32, #tpu.memory_space<vmem>>
        %get3A_919 = arith.index_cast %add3A_914 : i32 to index
        %get3A_920 = arith.constant 0 : index
        %get3A_921 = tpu.vector_load %get3A_918[%get3A_919, %get3A_920] {strides = array<i32>} : memref<800x16xf32, #tpu.memory_space<vmem>>, vector<1x16xf32>,
        %get3A_922 = vector.shape_cast %get3A_921 : vector<1x16xf32> to vector<16xf32>
        %add3A_923 = arith.addf %scan3A_852, %get3A_922 : vector<16xf32>
        %add3A_924 = arith.constant 6 : i32
        %add3A_925 = arith.addi %add3A_858, %add3A_924 : i32
        %get3A_926 = arith.constant 0 : i32
        %get3A_927 = arith.constant 0 : i32
        %get3A_928 = tpu.memref_slice %arg6[%scan3A_799, %get3A_926, %get3A_927] : memref<2x800x16xf32, #tpu.memory_space<vmem>> -> memref<1x800x16xf32, #tpu.memory_space<vmem>>
        %get3A_929 = tpu.memref_squeeze %get3A_928 : memref<1x800x16xf32, #tpu.memory_space<vmem>> -> memref<800x16xf32, #tpu.memory_space<vmem>>
        %get3A_930 = arith.index_cast %add3A_925 : i32 to index
        %get3A_931 = arith.constant 0 : index
        %get3A_932 = tpu.vector_load %get3A_929[%get3A_930, %get3A_931] {strides = array<i32>} : memref<800x16xf32, #tpu.memory_space<vmem>>, vector<1x16xf32>,
        %get3A_933 = vector.shape_cast %get3A_932 : vector<1x16xf32> to vector<16xf32>
        %add3A_934 = arith.addf %scan3A_853, %get3A_933 : vector<16xf32>
        %add3A_935 = arith.constant 7 : i32
        %add3A_936 = arith.addi %add3A_858, %add3A_935 : i32
        %get3A_937 = arith.constant 0 : i32
        %get3A_938 = arith.constant 0 : i32
        %get3A_939 = tpu.memref_slice %arg6[%scan3A_799, %get3A_937, %get3A_938] : memref<2x800x16xf32, #tpu.memory_space<vmem>> -> memref<1x800x16xf32, #tpu.memory_space<vmem>>
        %get3A_940 = tpu.memref_squeeze %get3A_939 : memref<1x800x16xf32, #tpu.memory_space<vmem>> -> memref<800x16xf32, #tpu.memory_space<vmem>>
        %get3A_941 = arith.index_cast %add3A_936 : i32 to index
        %get3A_942 = arith.constant 0 : index
        %get3A_943 = tpu.vector_load %get3A_940[%get3A_941, %get3A_942] {strides = array<i32>} : memref<800x16xf32, #tpu.memory_space<vmem>>, vector<1x16xf32>,
        %get3A_944 = vector.shape_cast %get3A_943 : vector<1x16xf32> to vector<16xf32>
        %add3A_945 = arith.addf %scan3A_854, %get3A_944 : vector<16xf32>
        scf.yield %add3A_868, %add3A_879, %add3A_890, %add3A_901, %add3A_912, %add3A_923, %add3A_934, %add3A_945 : vector<16xf32>, vector<16xf32>, vector<16xf32>, vector<16xf32>, vector<16xf32>, vector<16xf32>, vector<16xf32>, vector<16xf32>
      }
      %scan3A_805 = arith.constant 25 : i32
      %add3A_806 = arith.addf %scan3A_804#0, %scan3A_804#1 : vector<16xf32>
      %add3A_807 = arith.addf %scan3A_804#2, %scan3A_804#3 : vector<16xf32>
      %add3A_808 = arith.addf %add3A_806, %add3A_807 : vector<16xf32>
      %add3A_809 = arith.addf %scan3A_804#4, %scan3A_804#5 : vector<16xf32>
      %add3A_810 = arith.addf %scan3A_804#6, %scan3A_804#7 : vector<16xf32>
      %add3A_811 = arith.addf %add3A_809, %add3A_810 : vector<16xf32>
      %add3A_812 = arith.addf %add3A_808, %add3A_811 : vector<16xf32>
      %swap3A_813 = arith.constant 2 : i32
      %swap3A_814 = arith.index_cast %swap3A_813 : i32 to index
      %swap3A_815 = arith.constant 0 : index
      %swap3A_816 = tpu.vector_load %arg7[%swap3A_814, %swap3A_815] {strides = array<i32>} : memref<4x16xf32, #tpu.memory_space<vmem>>, vector<1x16xf32>,
      %swap3A_817 = vector.shape_cast %swap3A_816 : vector<1x16xf32> to vector<16xf32>
      %swap3A_818 = vector.shape_cast %add3A_812 : vector<16xf32> to vector<1x16xf32>
      tpu.vector_store %arg7[%swap3A_814, %swap3A_815], %swap3A_818 {strides = array<i32>} : memref<4x16xf32, #tpu.memory_space<vmem>>, vector<1x16xf32>,
      %broadcast_in_dim3A_819 = arith.constant 0.000000e+00 : f32
      %broadcast_in_dim3A_820 = vector.broadcast %broadcast_in_dim3A_819 : f32 to vector<16xf32>
      %scan3A_821 = arith.constant 1 : i32
      %scan3A_822 = arith.constant 0 : i32
      %scan3A_823 = arith.constant 25 : i32
      %scan3A_824 = arith.addi %scan3A_822, %scan3A_823 : i32
      %scan3A_825 = arith.constant 1 : i32
      %scan3A_826:8 = scf.for %scan3A_846 = %scan3A_822 to %scan3A_824 step %scan3A_825 iter_args(%scan3A_847 = %broadcast_in_dim3A_820, %scan3A_848 = %broadcast_in_dim3A_820, %scan3A_849 = %broadcast_in_dim3A_820, %scan3A_850 = %broadcast_in_dim3A_820, %scan3A_851 = %broadcast_in_dim3A_820, %scan3A_852 = %broadcast_in_dim3A_820, %scan3A_853 = %broadcast_in_dim3A_820, %scan3A_854 = %broadcast_in_dim3A_820) -> (vector<16xf32>, vector<16xf32>, vector<16xf32>, vector<16xf32>, vector<16xf32>, vector<16xf32>, vector<16xf32>, vector<16xf32>)  : i32 {
        %mul3A_855 = arith.constant 8 : i32
        %mul3A_856 = arith.muli %scan3A_846, %mul3A_855 : i32
        %add3A_857 = arith.constant 600 : i32
        %add3A_858 = arith.addi %add3A_857, %mul3A_856 : i32
        %add3A_859 = arith.constant 0 : i32
        %add3A_860 = arith.addi %add3A_858, %add3A_859 : i32
        %get3A = arith.constant 0 : i32
        %get3A_861 = arith.constant 0 : i32
        %get3A_862 = tpu.memref_slice %arg6[%scan3A_821, %get3A, %get3A_861] : memref<2x800x16xf32, #tpu.memory_space<vmem>> -> memref<1x800x16xf32, #tpu.memory_space<vmem>>
        %get3A_863 = tpu.memref_squeeze %get3A_862 : memref<1x800x16xf32, #tpu.memory_space<vmem>> -> memref<800x16xf32, #tpu.memory_space<vmem>>
        %get3A_864 = arith.index_cast %add3A_860 : i32 to index
        %get3A_865 = arith.constant 0 : index
        %get3A_866 = tpu.vector_load %get3A_863[%get3A_864, %get3A_865] {strides = array<i32>} : memref<800x16xf32, #tpu.memory_space<vmem>>, vector<1x16xf32>,
        %get3A_867 = vector.shape_cast %get3A_866 : vector<1x16xf32> to vector<16xf32>
        %add3A_868 = arith.addf %scan3A_847, %get3A_867 : vector<16xf32>
        %add3A_869 = arith.constant 1 : i32
        %add3A_870 = arith.addi %add3A_858, %add3A_869 : i32
        %get3A_871 = arith.constant 0 : i32
        %get3A_872 = arith.constant 0 : i32
        %get3A_873 = tpu.memref_slice %arg6[%scan3A_821, %get3A_871, %get3A_872] : memref<2x800x16xf32, #tpu.memory_space<vmem>> -> memref<1x800x16xf32, #tpu.memory_space<vmem>>
        %get3A_874 = tpu.memref_squeeze %get3A_873 : memref<1x800x16xf32, #tpu.memory_space<vmem>> -> memref<800x16xf32, #tpu.memory_space<vmem>>
        %get3A_875 = arith.index_cast %add3A_870 : i32 to index
        %get3A_876 = arith.constant 0 : index
        %get3A_877 = tpu.vector_load %get3A_874[%get3A_875, %get3A_876] {strides = array<i32>} : memref<800x16xf32, #tpu.memory_space<vmem>>, vector<1x16xf32>,
        %get3A_878 = vector.shape_cast %get3A_877 : vector<1x16xf32> to vector<16xf32>
        %add3A_879 = arith.addf %scan3A_848, %get3A_878 : vector<16xf32>
        %add3A_880 = arith.constant 2 : i32
        %add3A_881 = arith.addi %add3A_858, %add3A_880 : i32
        %get3A_882 = arith.constant 0 : i32
        %get3A_883 = arith.constant 0 : i32
        %get3A_884 = tpu.memref_slice %arg6[%scan3A_821, %get3A_882, %get3A_883] : memref<2x800x16xf32, #tpu.memory_space<vmem>> -> memref<1x800x16xf32, #tpu.memory_space<vmem>>
        %get3A_885 = tpu.memref_squeeze %get3A_884 : memref<1x800x16xf32, #tpu.memory_space<vmem>> -> memref<800x16xf32, #tpu.memory_space<vmem>>
        %get3A_886 = arith.index_cast %add3A_881 : i32 to index
        %get3A_887 = arith.constant 0 : index
        %get3A_888 = tpu.vector_load %get3A_885[%get3A_886, %get3A_887] {strides = array<i32>} : memref<800x16xf32, #tpu.memory_space<vmem>>, vector<1x16xf32>,
        %get3A_889 = vector.shape_cast %get3A_888 : vector<1x16xf32> to vector<16xf32>
        %add3A_890 = arith.addf %scan3A_849, %get3A_889 : vector<16xf32>
        %add3A_891 = arith.constant 3 : i32
        %add3A_892 = arith.addi %add3A_858, %add3A_891 : i32
        %get3A_893 = arith.constant 0 : i32
        %get3A_894 = arith.constant 0 : i32
        %get3A_895 = tpu.memref_slice %arg6[%scan3A_821, %get3A_893, %get3A_894] : memref<2x800x16xf32, #tpu.memory_space<vmem>> -> memref<1x800x16xf32, #tpu.memory_space<vmem>>
        %get3A_896 = tpu.memref_squeeze %get3A_895 : memref<1x800x16xf32, #tpu.memory_space<vmem>> -> memref<800x16xf32, #tpu.memory_space<vmem>>
        %get3A_897 = arith.index_cast %add3A_892 : i32 to index
        %get3A_898 = arith.constant 0 : index
        %get3A_899 = tpu.vector_load %get3A_896[%get3A_897, %get3A_898] {strides = array<i32>} : memref<800x16xf32, #tpu.memory_space<vmem>>, vector<1x16xf32>,
        %get3A_900 = vector.shape_cast %get3A_899 : vector<1x16xf32> to vector<16xf32>
        %add3A_901 = arith.addf %scan3A_850, %get3A_900 : vector<16xf32>
        %add3A_902 = arith.constant 4 : i32
        %add3A_903 = arith.addi %add3A_858, %add3A_902 : i32
        %get3A_904 = arith.constant 0 : i32
        %get3A_905 = arith.constant 0 : i32
        %get3A_906 = tpu.memref_slice %arg6[%scan3A_821, %get3A_904, %get3A_905] : memref<2x800x16xf32, #tpu.memory_space<vmem>> -> memref<1x800x16xf32, #tpu.memory_space<vmem>>
        %get3A_907 = tpu.memref_squeeze %get3A_906 : memref<1x800x16xf32, #tpu.memory_space<vmem>> -> memref<800x16xf32, #tpu.memory_space<vmem>>
        %get3A_908 = arith.index_cast %add3A_903 : i32 to index
        %get3A_909 = arith.constant 0 : index
        %get3A_910 = tpu.vector_load %get3A_907[%get3A_908, %get3A_909] {strides = array<i32>} : memref<800x16xf32, #tpu.memory_space<vmem>>, vector<1x16xf32>,
        %get3A_911 = vector.shape_cast %get3A_910 : vector<1x16xf32> to vector<16xf32>
        %add3A_912 = arith.addf %scan3A_851, %get3A_911 : vector<16xf32>
        %add3A_913 = arith.constant 5 : i32
        %add3A_914 = arith.addi %add3A_858, %add3A_913 : i32
        %get3A_915 = arith.constant 0 : i32
        %get3A_916 = arith.constant 0 : i32
        %get3A_917 = tpu.memref_slice %arg6[%scan3A_821, %get3A_915, %get3A_916] : memref<2x800x16xf32, #tpu.memory_space<vmem>> -> memref<1x800x16xf32, #tpu.memory_space<vmem>>
        %get3A_918 = tpu.memref_squeeze %get3A_917 : memref<1x800x16xf32, #tpu.memory_space<vmem>> -> memref<800x16xf32, #tpu.memory_space<vmem>>
        %get3A_919 = arith.index_cast %add3A_914 : i32 to index
        %get3A_920 = arith.constant 0 : index
        %get3A_921 = tpu.vector_load %get3A_918[%get3A_919, %get3A_920] {strides = array<i32>} : memref<800x16xf32, #tpu.memory_space<vmem>>, vector<1x16xf32>,
        %get3A_922 = vector.shape_cast %get3A_921 : vector<1x16xf32> to vector<16xf32>
        %add3A_923 = arith.addf %scan3A_852, %get3A_922 : vector<16xf32>
        %add3A_924 = arith.constant 6 : i32
        %add3A_925 = arith.addi %add3A_858, %add3A_924 : i32
        %get3A_926 = arith.constant 0 : i32
        %get3A_927 = arith.constant 0 : i32
        %get3A_928 = tpu.memref_slice %arg6[%scan3A_821, %get3A_926, %get3A_927] : memref<2x800x16xf32, #tpu.memory_space<vmem>> -> memref<1x800x16xf32, #tpu.memory_space<vmem>>
        %get3A_929 = tpu.memref_squeeze %get3A_928 : memref<1x800x16xf32, #tpu.memory_space<vmem>> -> memref<800x16xf32, #tpu.memory_space<vmem>>
        %get3A_930 = arith.index_cast %add3A_925 : i32 to index
        %get3A_931 = arith.constant 0 : index
        %get3A_932 = tpu.vector_load %get3A_929[%get3A_930, %get3A_931] {strides = array<i32>} : memref<800x16xf32, #tpu.memory_space<vmem>>, vector<1x16xf32>,
        %get3A_933 = vector.shape_cast %get3A_932 : vector<1x16xf32> to vector<16xf32>
        %add3A_934 = arith.addf %scan3A_853, %get3A_933 : vector<16xf32>
        %add3A_935 = arith.constant 7 : i32
        %add3A_936 = arith.addi %add3A_858, %add3A_935 : i32
        %get3A_937 = arith.constant 0 : i32
        %get3A_938 = arith.constant 0 : i32
        %get3A_939 = tpu.memref_slice %arg6[%scan3A_821, %get3A_937, %get3A_938] : memref<2x800x16xf32, #tpu.memory_space<vmem>> -> memref<1x800x16xf32, #tpu.memory_space<vmem>>
        %get3A_940 = tpu.memref_squeeze %get3A_939 : memref<1x800x16xf32, #tpu.memory_space<vmem>> -> memref<800x16xf32, #tpu.memory_space<vmem>>
        %get3A_941 = arith.index_cast %add3A_936 : i32 to index
        %get3A_942 = arith.constant 0 : index
        %get3A_943 = tpu.vector_load %get3A_940[%get3A_941, %get3A_942] {strides = array<i32>} : memref<800x16xf32, #tpu.memory_space<vmem>>, vector<1x16xf32>,
        %get3A_944 = vector.shape_cast %get3A_943 : vector<1x16xf32> to vector<16xf32>
        %add3A_945 = arith.addf %scan3A_854, %get3A_944 : vector<16xf32>
        scf.yield %add3A_868, %add3A_879, %add3A_890, %add3A_901, %add3A_912, %add3A_923, %add3A_934, %add3A_945 : vector<16xf32>, vector<16xf32>, vector<16xf32>, vector<16xf32>, vector<16xf32>, vector<16xf32>, vector<16xf32>, vector<16xf32>
      }
      %scan3A_827 = arith.constant 25 : i32
      %add3A_828 = arith.addf %scan3A_826#0, %scan3A_826#1 : vector<16xf32>
      %add3A_829 = arith.addf %scan3A_826#2, %scan3A_826#3 : vector<16xf32>
      %add3A_830 = arith.addf %add3A_828, %add3A_829 : vector<16xf32>
      %add3A_831 = arith.addf %scan3A_826#4, %scan3A_826#5 : vector<16xf32>
      %add3A_832 = arith.addf %scan3A_826#6, %scan3A_826#7 : vector<16xf32>
      %add3A_833 = arith.addf %add3A_831, %add3A_832 : vector<16xf32>
      %add3A_834 = arith.addf %add3A_830, %add3A_833 : vector<16xf32>
      %swap3A_835 = arith.constant 3 : i32
      %swap3A_836 = arith.index_cast %swap3A_835 : i32 to index
      %swap3A_837 = arith.constant 0 : index
      %swap3A_838 = tpu.vector_load %arg7[%swap3A_836, %swap3A_837] {strides = array<i32>} : memref<4x16xf32, #tpu.memory_space<vmem>>, vector<1x16xf32>,
      %swap3A_839 = vector.shape_cast %swap3A_838 : vector<1x16xf32> to vector<16xf32>
      %swap3A_840 = vector.shape_cast %add3A_834 : vector<16xf32> to vector<1x16xf32>
      tpu.vector_store %arg7[%swap3A_836, %swap3A_837], %swap3A_840 {strides = array<i32>} : memref<4x16xf32, #tpu.memory_space<vmem>>, vector<1x16xf32>,
      %mul3A_841 = arith.constant 128 : i32
      %mul3A_842 = arith.muli %add3A, %mul3A_841 : i32
      %add3A_843 = arith.addi %mul3A_842, %add3A_535 : i32
      %mul3A_844 = arith.constant 4 : i32
      %mul3A_845 = arith.muli %add3A_843, %mul3A_844 : i32
      "tpu.region"() ({
        %run_scoped3A_846 = tpu.sem_alloc : memref<!tpu.dma_semaphore, #tpu.memory_space<semaphore_mem>>
        %dma_start3A_847 = arith.constant 0 : i32
        %dma_start3A_848 = tpu.memref_slice %arg4[%mul3A_845, %dma_start3A_847] : memref<16384x16xf32, #tpu.memory_space<hbm>> -> memref<4x16xf32, #tpu.memory_space<hbm>>
        %dma_start3A_849 = arith.constant 0 : i32
        %dma_start3A_850 = tpu.memref_slice %arg4[%mul3A_845, %dma_start3A_849] : memref<16384x16xf32, #tpu.memory_space<hbm>> -> memref<4x16xf32, #tpu.memory_space<hbm>>
        tpu.enqueue_dma source(%arg7 : memref<4x16xf32, #tpu.memory_space<vmem>>) target(%dma_start3A_850 : memref<4x16xf32, #tpu.memory_space<hbm>>) target_semaphore(%run_scoped3A_846 : memref<!tpu.dma_semaphore, #tpu.memory_space<semaphore_mem>>)
        %dma_wait3A_851 = arith.constant 0 : i32
        %dma_wait3A_852 = tpu.memref_slice %arg4[%mul3A_845, %dma_wait3A_851] : memref<16384x16xf32, #tpu.memory_space<hbm>> -> memref<4x16xf32, #tpu.memory_space<hbm>>
        %dma_wait3A_853 = arith.constant 0 : i32
        %dma_wait3A_854 = tpu.memref_slice %arg4[%mul3A_845, %dma_wait3A_853] : memref<16384x16xf32, #tpu.memory_space<hbm>> -> memref<4x16xf32, #tpu.memory_space<hbm>>
        tpu.wait_dma2 semaphore(%run_scoped3A_846 : memref<!tpu.dma_semaphore, #tpu.memory_space<semaphore_mem>>) src(%arg7 : memref<4x16xf32, #tpu.memory_space<vmem>>) dst(%dma_wait3A_854 : memref<4x16xf32, #tpu.memory_space<hbm>>)
        tpu.yield
      }) : () -> ()
    }
    %scan3A_187 = arith.constant 64 : i32
    %dma_wait3A = arith.constant 0 : i32
    %dma_wait3A_188 = arith.constant 0 : i32
    %dma_wait3A_189 = arith.constant 0 : i32
    %dma_wait3A_190 = tpu.memref_slice %arg6[%dma_wait3A, %dma_wait3A_188, %dma_wait3A_189] : memref<2x800x16xf32, #tpu.memory_space<vmem>> -> memref<1x800x16xf32, #tpu.memory_space<vmem>>
    %dma_wait3A_191 = tpu.memref_squeeze %dma_wait3A_190 : memref<1x800x16xf32, #tpu.memory_space<vmem>> -> memref<800x16xf32, #tpu.memory_space<vmem>>
    %dma_wait3A_192 = arith.constant 0 : i32
    %dma_wait3A_193 = arith.constant 0 : i32
    %dma_wait3A_194 = tpu.memref_slice %arg2[%dma_wait3A_192, %dma_wait3A_193] : memref<1000000x16xf32, #tpu.memory_space<hbm>> -> memref<800x16xf32, #tpu.memory_space<hbm>>
    %dma_wait3A_195 = arith.constant 0 : i32
    %dma_wait3A_196 = arith.constant 0 : i32
    %dma_wait3A_197 = tpu.memref_slice %arg6[%dma_wait3A, %dma_wait3A_195, %dma_wait3A_196] : memref<2x800x16xf32, #tpu.memory_space<vmem>> -> memref<1x800x16xf32, #tpu.memory_space<vmem>>
    %dma_wait3A_198 = tpu.memref_squeeze %dma_wait3A_197 : memref<1x800x16xf32, #tpu.memory_space<vmem>> -> memref<800x16xf32, #tpu.memory_space<vmem>>
    %dma_wait3A_199 = arith.constant 0 : i32
    %dma_wait3A_200 = arith.constant 0 : i32
    %dma_wait3A_201 = tpu.memref_slice %arg2[%dma_wait3A_199, %dma_wait3A_200] : memref<1000000x16xf32, #tpu.memory_space<hbm>> -> memref<800x16xf32, #tpu.memory_space<hbm>>
    tpu.wait_dma2 semaphore(%arg8 : memref<!tpu.dma_semaphore, #tpu.memory_space<semaphore_mem>>) src(%dma_wait3A_201 : memref<800x16xf32, #tpu.memory_space<hbm>>) dst(%dma_wait3A_198 : memref<800x16xf32, #tpu.memory_space<vmem>>)
    %dma_wait3A_202 = arith.constant 0 : i32
    %dma_wait3A_203 = arith.constant 1 : i32
    %dma_wait3A_204 = arith.constant 0 : i32
    %dma_wait3A_205 = arith.constant 0 : i32
    %dma_wait3A_206 = tpu.memref_slice %arg5[%dma_wait3A_203, %dma_wait3A_204, %dma_wait3A_205] : memref<2x8x100xi32, #tpu.memory_space<vmem>> -> memref<1x8x100xi32, #tpu.memory_space<vmem>>
    %dma_wait3A_207 = tpu.memref_squeeze %dma_wait3A_206 : memref<1x8x100xi32, #tpu.memory_space<vmem>> -> memref<8x100xi32, #tpu.memory_space<vmem>>
    %dma_wait3A_208 = arith.constant 0 : i32
    %dma_wait3A_209 = arith.constant 0 : i32
    %dma_wait3A_210 = tpu.memref_slice %arg3[%dma_wait3A_202, %dma_wait3A_208, %dma_wait3A_209] : memref<4096x8x100xi32, #tpu.memory_space<hbm>> -> memref<1x8x100xi32, #tpu.memory_space<hbm>>
    %dma_wait3A_211 = tpu.memref_squeeze %dma_wait3A_210 : memref<1x8x100xi32, #tpu.memory_space<hbm>> -> memref<8x100xi32, #tpu.memory_space<hbm>>
    %dma_wait3A_212 = arith.constant 0 : i32
    %dma_wait3A_213 = arith.constant 0 : i32
    %dma_wait3A_214 = tpu.memref_slice %arg5[%dma_wait3A_203, %dma_wait3A_212, %dma_wait3A_213] : memref<2x8x100xi32, #tpu.memory_space<vmem>> -> memref<1x8x100xi32, #tpu.memory_space<vmem>>
    %dma_wait3A_215 = tpu.memref_squeeze %dma_wait3A_214 : memref<1x8x100xi32, #tpu.memory_space<vmem>> -> memref<8x100xi32, #tpu.memory_space<vmem>>
    %dma_wait3A_216 = arith.constant 0 : i32
    %dma_wait3A_217 = arith.constant 0 : i32
    %dma_wait3A_218 = tpu.memref_slice %arg3[%dma_wait3A_202, %dma_wait3A_216, %dma_wait3A_217] : memref<4096x8x100xi32, #tpu.memory_space<hbm>> -> memref<1x8x100xi32, #tpu.memory_space<hbm>>
    %dma_wait3A_219 = tpu.memref_squeeze %dma_wait3A_218 : memref<1x8x100xi32, #tpu.memory_space<hbm>> -> memref<8x100xi32, #tpu.memory_space<hbm>>
    tpu.wait_dma2 semaphore(%arg11 : memref<!tpu.dma_semaphore, #tpu.memory_space<semaphore_mem>>) src(%dma_wait3A_219 : memref<8x100xi32, #tpu.memory_space<hbm>>) dst(%dma_wait3A_215 : memref<8x100xi32, #tpu.memory_space<vmem>>)
    return
  }
}

module attributes {stable_mosaic.version = 14 : i64} {
  func.func @body(%arg0: i32, %arg1: memref<5000x64xbf16, #tpu.memory_space<vmem>>, %arg2: memref<5000x64xbf16, #tpu.memory_space<vmem>>, %arg3: memref<5000x64xbf16, #tpu.memory_space<vmem>>, %arg4: memref<5000x64xbf16, #tpu.memory_space<vmem>>, %arg5: memref<5000x64xbf16, #tpu.memory_space<vmem>>, %arg6: memref<5000x64xbf16, #tpu.memory_space<vmem>>, %arg7: memref<5000x64xbf16, #tpu.memory_space<vmem>>, %arg8: memref<5000x64xbf16, #tpu.memory_space<vmem>>, %arg9: memref<512x128xbf16, #tpu.memory_space<vmem>>, %arg10: memref<1x128xf32, #tpu.memory_space<vmem>>, %arg11: memref<5000x128xf32, #tpu.memory_space<vmem>>) attributes {dimension_semantics = [#tpu.dimension_semantics<arbitrary>], iteration_bounds = array<i64: 25>, scalar_prefetch = 0 : i64, scratch_operands = 0 : i64, tpu.core_type = #tpu.core_type<tc>, window_params = [{transform_indices = @transform_0, window_bounds = array<i64: 5000, 64>}, {transform_indices = @transform_1, window_bounds = array<i64: 5000, 64>}, {transform_indices = @transform_2, window_bounds = array<i64: 5000, 64>}, {transform_indices = @transform_3, window_bounds = array<i64: 5000, 64>}, {transform_indices = @transform_4, window_bounds = array<i64: 5000, 64>}, {transform_indices = @transform_5, window_bounds = array<i64: 5000, 64>}, {transform_indices = @transform_6, window_bounds = array<i64: 5000, 64>}, {transform_indices = @transform_7, window_bounds = array<i64: 5000, 64>}, {pipeline_mode = #tpu.pipeline_mode<synchronous>, transform_indices = @transform_8, window_bounds = array<i64: 512, 128>}, {pipeline_mode = #tpu.pipeline_mode<synchronous>, transform_indices = @transform_9, window_bounds = array<i64: 1, 128>}, {transform_indices = @transform_10, window_bounds = array<i64: 5000, 128>}]} {
    %get3A = arith.constant 0 : index
    %get3A_0 = arith.constant 0 : index
    %get3A_1 = vector.load %arg1[%get3A, %get3A_0] : memref<5000x64xbf16, #tpu.memory_space<vmem>>, vector<5000x64xbf16>
    %get3A_2 = arith.constant 0 : index
    %get3A_3 = arith.constant 0 : index
    %get3A_4 = vector.load %arg2[%get3A_2, %get3A_3] : memref<5000x64xbf16, #tpu.memory_space<vmem>>, vector<5000x64xbf16>
    %get3A_5 = arith.constant 0 : index
    %get3A_6 = arith.constant 0 : index
    %get3A_7 = vector.load %arg3[%get3A_5, %get3A_6] : memref<5000x64xbf16, #tpu.memory_space<vmem>>, vector<5000x64xbf16>
    %get3A_8 = arith.constant 0 : index
    %get3A_9 = arith.constant 0 : index
    %get3A_10 = vector.load %arg4[%get3A_8, %get3A_9] : memref<5000x64xbf16, #tpu.memory_space<vmem>>, vector<5000x64xbf16>
    %get3A_11 = arith.constant 0 : index
    %get3A_12 = arith.constant 0 : index
    %get3A_13 = vector.load %arg5[%get3A_11, %get3A_12] : memref<5000x64xbf16, #tpu.memory_space<vmem>>, vector<5000x64xbf16>
    %get3A_14 = arith.constant 0 : index
    %get3A_15 = arith.constant 0 : index
    %get3A_16 = vector.load %arg6[%get3A_14, %get3A_15] : memref<5000x64xbf16, #tpu.memory_space<vmem>>, vector<5000x64xbf16>
    %get3A_17 = arith.constant 0 : index
    %get3A_18 = arith.constant 0 : index
    %get3A_19 = vector.load %arg7[%get3A_17, %get3A_18] : memref<5000x64xbf16, #tpu.memory_space<vmem>>, vector<5000x64xbf16>
    %get3A_20 = arith.constant 0 : index
    %get3A_21 = arith.constant 0 : index
    %get3A_22 = vector.load %arg8[%get3A_20, %get3A_21] : memref<5000x64xbf16, #tpu.memory_space<vmem>>, vector<5000x64xbf16>
    %concatenate3A = tpu.concatenate %get3A_1, %get3A_4, %get3A_7, %get3A_10, %get3A_13, %get3A_16, %get3A_19, %get3A_22 in 1 : vector<5000x64xbf16>, vector<5000x64xbf16>, vector<5000x64xbf16>, vector<5000x64xbf16>, vector<5000x64xbf16>, vector<5000x64xbf16>, vector<5000x64xbf16>, vector<5000x64xbf16> -> vector<5000x512xbf16>
    %get3A_23 = arith.constant 0 : index
    %get3A_24 = arith.constant 0 : index
    %get3A_25 = vector.load %arg9[%get3A_23, %get3A_24] : memref<512x128xbf16, #tpu.memory_space<vmem>>, vector<512x128xbf16>
    %dot_general3A = arith.constant dense<0.000000e+00> : vector<5000x128xf32>
    %dot_general3A_26 = tpu.matmul %concatenate3A, %get3A_25, %dot_general3A {dimension_numbers = #tpu.dot_dimension_numbers<[1], [0], [0], [1], [0, 0, 1, 1], [], []>, transpose_lhs_hint = false} : vector<5000x512xbf16>, vector<512x128xbf16>, vector<5000x128xf32> -> vector<5000x128xf32>
    %get3A_27 = arith.constant 0 : index
    %get3A_28 = arith.constant 0 : index
    %get3A_29 = vector.load %arg10[%get3A_27, %get3A_28] : memref<1x128xf32, #tpu.memory_space<vmem>>, vector<1x128xf32>
    %add3A = vector.broadcast %get3A_29 : vector<1x128xf32> to vector<5000x128xf32>
    %add3A_30 = arith.addf %dot_general3A_26, %add3A : vector<5000x128xf32>
    %swap3A = arith.constant 0 : index
    %swap3A_31 = arith.constant 0 : index
    %swap3A_32 = vector.load %arg11[%swap3A, %swap3A_31] : memref<5000x128xf32, #tpu.memory_space<vmem>>, vector<5000x128xf32>
    tpu.vector_store %arg11[%swap3A, %swap3A_31], %add3A_30 {strides = array<i32>} : memref<5000x128xf32, #tpu.memory_space<vmem>>, vector<5000x128xf32>,
    return
  }
  func.func @transform_0(%arg0: i32) -> (i32, i32) {
    %add3A = arith.constant 0 : i32
    %add3A_0 = arith.addi %add3A, %arg0 : i32
    %c0_i32 = arith.constant 0 : i32
    %c0_i32_1 = arith.constant 0 : i32
    return %add3A_0, %c0_i32 : i32, i32
  }
  func.func @transform_1(%arg0: i32) -> (i32, i32) {
    %add3A = arith.constant 25 : i32
    %add3A_0 = arith.addi %add3A, %arg0 : i32
    %c0_i32 = arith.constant 0 : i32
    %c0_i32_1 = arith.constant 0 : i32
    return %add3A_0, %c0_i32 : i32, i32
  }
  func.func @transform_2(%arg0: i32) -> (i32, i32) {
    %add3A = arith.constant 50 : i32
    %add3A_0 = arith.addi %add3A, %arg0 : i32
    %c0_i32 = arith.constant 0 : i32
    %c0_i32_1 = arith.constant 0 : i32
    return %add3A_0, %c0_i32 : i32, i32
  }
  func.func @transform_3(%arg0: i32) -> (i32, i32) {
    %add3A = arith.constant 75 : i32
    %add3A_0 = arith.addi %add3A, %arg0 : i32
    %c0_i32 = arith.constant 0 : i32
    %c0_i32_1 = arith.constant 0 : i32
    return %add3A_0, %c0_i32 : i32, i32
  }
  func.func @transform_4(%arg0: i32) -> (i32, i32) {
    %add3A = arith.constant 100 : i32
    %add3A_0 = arith.addi %add3A, %arg0 : i32
    %c0_i32 = arith.constant 0 : i32
    %c0_i32_1 = arith.constant 0 : i32
    return %add3A_0, %c0_i32 : i32, i32
  }
  func.func @transform_5(%arg0: i32) -> (i32, i32) {
    %add3A = arith.constant 125 : i32
    %add3A_0 = arith.addi %add3A, %arg0 : i32
    %c0_i32 = arith.constant 0 : i32
    %c0_i32_1 = arith.constant 0 : i32
    return %add3A_0, %c0_i32 : i32, i32
  }
  func.func @transform_6(%arg0: i32) -> (i32, i32) {
    %add3A = arith.constant 150 : i32
    %add3A_0 = arith.addi %add3A, %arg0 : i32
    %c0_i32 = arith.constant 0 : i32
    %c0_i32_1 = arith.constant 0 : i32
    return %add3A_0, %c0_i32 : i32, i32
  }
  func.func @transform_7(%arg0: i32) -> (i32, i32) {
    %add3A = arith.constant 175 : i32
    %add3A_0 = arith.addi %add3A, %arg0 : i32
    %c0_i32 = arith.constant 0 : i32
    %c0_i32_1 = arith.constant 0 : i32
    return %add3A_0, %c0_i32 : i32, i32
  }
  func.func @transform_8(%arg0: i32) -> (i32, i32) {
    %c0_i32 = arith.constant 0 : i32
    %c0_i32_0 = arith.constant 0 : i32
    %c0_i32_1 = arith.constant 0 : i32
    return %c0_i32, %c0_i32_0 : i32, i32
  }
  func.func @transform_9(%arg0: i32) -> (i32, i32) {
    %c0_i32 = arith.constant 0 : i32
    %c0_i32_0 = arith.constant 0 : i32
    %c0_i32_1 = arith.constant 0 : i32
    return %c0_i32, %c0_i32_0 : i32, i32
  }
  func.func @transform_10(%arg0: i32) -> (i32, i32) {
    %c0_i32 = arith.constant 0 : i32
    %c0_i32_0 = arith.constant 0 : i32
    return %arg0, %c0_i32 : i32, i32
  }
}

</mosaic_0001>

<sc_bundles>
// kernel: bag_sum.3.cloned.1.call-start
scs
__scs_entry_jumppad:
0x0: {  	(pc) =	sbr.rel $0x88, $3  }
0x1: {  	(tag) =	ssettag $0x0;
	lr =	simm.s32 $0x1  }
0x2: {  	[smem:$0x3F9D] =	sst lr;
	_ =	strace $0xD0000000  }
0x3: {  	_ = 	snop  }
0x4: {  	_ = 	snop  }
0x5: {  	_ = 	snop  }
0x6: {  	_ = 	snop  }
0x7: {  	_ = 	snop  }
__scs_overlays_trampoline_lowered:
0x8: {  	[smem:$0x3FAC] =	sst s0  }
0x9: {  	[smem:$0x3FAD] =	sst s1  }
0xa: {  	[smem:$0x3FAE] =	sst s2  }
0xb: {  	[smem:$0x3FAF] =	sst s3  }
0xc: {  	[smem:$0x3FB0] =	sst s4  }
0xd: {  	[smem:$0x3FB1] =	sst s5  }
0xe: {  	[smem:$0x3FB2] =	sst s6  }
0xf: {  	[smem:$0x3FB3] =	sst s7  }
0x10: {  	[smem:$0x3FB4] =	sst s8  }
0x11: {  	[smem:$0x3FB5] =	sst s9;
	s0 =	simm.s32 @!p0 $0x0  }
0x12: {  	s1 =	sld [smem:$0x3F9B];
	s0 =	simm.s32 @p0 $0x1  }
0x13: {  	[smem:$0x3FB6] =	sst s0;
	s0 =	simm.s32 @!p1 $0x0  }
0x14: {  	s2 =	sld [smem:$0x3F9A];
	s0 =	simm.s32 @p1 $0x1  }
0x15: {  	[smem:$0x3FB7] =	sst s0;
	s0 =	simm.s32 @!p2 $0x0  }
0x16: {  	s3 =	sld [smem:$0x3FDB];
	s0 =	simm.s32 @p2 $0x1  }
0x17: {  	s4 =	simm.s32 $0x1BF5;
	[smem:$0x3FB9] =	sst s0  }
0x18: {  	s0 =	sld [smem:$0x3F9C];
	_ =	swait.ge [sflag:s4], $0x0  }
0x19: {  	s7 =	sld [smem:$0x3F9D]  }
0x1a: {  	s8 =	sadd.s32 $0xFFFFE003, lr  }
0x1b: {  	s9 =	sadd.s32 $0xFFFFFEF7, lr;
	s5 =	simm.s32 $0xFFFFFFFF;
	p2 =	slt.u32 s8, $0xFFFFF086  }
0x1c: {  	p1 =	slt.u32 s9, $0xF7A;
	s5 =	simm.s32 @!p2 $0x0  }
0x1d: {  	s5 =	simm.s32 @p1 $0x1;
	p0 =	seq.s32 s7, s2  }
0x1e: {  	s7 =	smul.u32 @!p0 $0xF7A, s2;
	p2 =	seq.s32 @!p0 s5, $0x0  }
0x1f: {  	s9 =	smul.u32 $0xF7A, s1;
	s8 =	simm.s32 @!p0 $0x1BF5;
	p2 =	por !p2, p0  }
0x20: {  	[sflag:s8] =	ssyncset.s32 @!p0 $0xFFFFF086;
	s6 =	sadd.s32 @!p0 s3, s7;
	s7 =	simm.s32 @!p0 $0x108  }
0x21: {  	s3 =	sadd.s32 s3, s9;
	s6 =	sadd.s32 @!p0 $0x88, s6;
	s7 =	simm.s32 @p2 $0x1082  }
0x22: {  	[simem:s7], [sflag:s8] =	dma.local @!p0 [hbm:s6], $0xF7A  }
0x23: {  	s9 =	sor.u32 $0xD0000000, s2;
	s6 =	simm.s32 $0x108;
	_ =	swait.ge @!p0 [sflag:s8], $0x0  }
0x24: {  	s3 =	sadd.s32 $0x88, s3;
	s6 =	simm.s32 @!p1 $0x1082;
	[sflag:s4] =	ssyncset.s32 $0xFFFFF086  }
0x25: {  	[simem:s6], [sflag:s4] =	dma.local [hbm:s3], $0xF7A  }
0x26: {  	[smem:$0x3F9D] =	sst s1;
	(tag) =	ssettag s2;
	_ =	strace s9  }
0x27: {  	s1 =	sld [smem:$0x3FAD]  }
0x28: {  	s2 =	sld [smem:$0x3FAE]  }
0x29: {  	s4 =	sld [smem:$0x3FB0]  }
0x2a: {  	p0 =	seq.s32 s5, $0x0;
	s5 =	sld [smem:$0x3FB1]  }
0x2b: {  	s6 =	sld [smem:$0x3FB2]  }
0x2c: {  	s7 =	sld [smem:$0x3FB3]  }
0x2d: {  	s3 =	simm.s32 $0x108;
	s8 =	sld [smem:$0x3FB4]  }
0x2e: {  	s3 =	simm.s32 @!p0 $0x1082;
	s9 =	sld [smem:$0x3FB5]  }
0x2f: {  	lr =	sadd.s32 s0, s3;
	s0 =	sld [smem:$0x3FAC]  }
0x30: {  	s3 =	sld [smem:$0x3FAF]  }
0x31: {  	[smem:$0x3FB8] =	sst s10  }
0x32: {  	s10 =	sld [smem:$0x3FB6];
	_ =	sdelay $0x3  }
0x33: {  	p0 =	seq.s32 s10, $0x1;
	s10 =	sld [smem:$0x3FB8];
	_ =	sdelay $0x3  }
0x34: {  	[smem:$0x3FB8] =	sst s10  }
0x35: {  	s10 =	sld [smem:$0x3FB7];
	_ =	sdelay $0x3  }
0x36: {  	p1 =	seq.s32 s10, $0x1;
	s10 =	sld [smem:$0x3FB8];
	_ =	sdelay $0x3  }
0x37: {  	[smem:$0x3FB8] =	sst s10  }
0x38: {  	s10 =	sld [smem:$0x3FB9]  }
0x39: {  	_ = 	snop;
	(pc) =	sbr.ind lr, $3  }
0x3a: {  	_ = 	snop  }
0x3b: {  	_ = 	snop  }
0x3c: {  	p2 =	seq.s32 s10, $0x1;
	s10 =	sld [smem:$0x3FB8]  }
0x3d: {  	_ =	shalt  }
0x3e: {  	_ =	shalt  }
0x3f: {  	_ =	shalt  }
0x40: {  	_ =	shalt  }
0x41: {  	_ =	shalt  }
0x42: {  	_ =	shalt  }
0x43: {  	_ =	shalt  }
0x44: {  	_ =	shalt  }
0x45: {  	_ =	shalt  }
0x46: {  	_ =	shalt  }
0x47: {  	_ =	shalt  }
0x48: {  	_ =	shalt  }
0x49: {  	_ =	shalt  }
0x4a: {  	_ =	shalt  }
0x4b: {  	_ =	shalt  }
0x4c: {  	_ =	shalt  }
0x4d: {  	_ =	shalt  }
0x4e: {  	_ =	shalt  }
0x4f: {  	_ =	shalt  }
0x50: {  	_ =	shalt  }
0x51: {  	_ =	shalt  }
0x52: {  	_ =	shalt  }
0x53: {  	_ =	shalt  }
0x54: {  	_ =	shalt  }
0x55: {  	_ =	shalt  }
0x56: {  	_ =	shalt  }
0x57: {  	_ =	shalt  }
0x58: {  	_ =	shalt  }
0x59: {  	_ =	shalt  }
0x5a: {  	_ =	shalt  }
0x5b: {  	_ =	shalt  }
0x5c: {  	_ =	shalt  }
0x5d: {  	_ =	shalt  }
0x5e: {  	_ =	shalt  }
0x5f: {  	_ =	shalt  }
0x60: {  	_ =	shalt  }
0x61: {  	_ =	shalt  }
0x62: {  	_ =	shalt  }
0x63: {  	_ =	shalt  }
0x64: {  	_ =	shalt  }
0x65: {  	_ =	shalt  }
0x66: {  	_ =	shalt  }
0x67: {  	_ =	shalt  }
0x68: {  	_ =	shalt  }
0x69: {  	_ =	shalt  }
0x6a: {  	_ =	shalt  }
0x6b: {  	_ =	shalt  }
0x6c: {  	_ =	shalt  }
0x6d: {  	_ =	shalt  }
0x6e: {  	_ =	shalt  }
0x6f: {  	_ =	shalt  }
0x70: {  	_ =	shalt  }
0x71: {  	_ =	shalt  }
0x72: {  	_ =	shalt  }
0x73: {  	_ =	shalt  }
0x74: {  	_ =	shalt  }
0x75: {  	_ =	shalt  }
0x76: {  	_ =	shalt  }
0x77: {  	_ =	shalt  }
0x78: {  	_ =	shalt  }
0x79: {  	_ =	shalt  }
0x7a: {  	_ =	shalt  }
0x7b: {  	_ =	shalt  }
0x7c: {  	_ =	shalt  }
0x7d: {  	_ =	shalt  }
0x7e: {  	_ =	shalt  }
0x7f: {  	_ =	shalt  }
0x80: {  	_ =	shalt  }
0x81: {  	_ =	shalt  }
0x82: {  	_ =	shalt  }
0x83: {  	_ =	shalt  }
0x84: {  	_ =	shalt  }
0x85: {  	_ =	shalt  }
0x86: {  	_ =	shalt  }
0x87: {  	_ =	shalt  }
.Lfunc_end0:
.L_simem_size_0:
called_computation_lowered:
.L_overlay_start_0:
0x88: {  	s2 =	sld [smem:$0x3FD9]  }
0x89: {  	s3 =	sld [smem:$0x3FFE];
	_ =	sdelay $0x1  }
0x8a: {  	s1 =	srdreg.scid  }
0x8b: {  	s0 =	sand.u32 $0x1, s1  }
0x8c: {  	s16 =	sshll.u32 s0, $0xA;
	s2 =	sadd.s32 s3, s2  }
0x8d: {  	s2 =	sadd.s32 s2, s16  }
0x8e: {  	[smem:$0x3FC4] =	sst s2  }
0x8f: {  	_ = 	snop  }
0x90: {  	(tm) =	ssettm $0x1  }
0x91: {  	s17 =	sld [smem:$0x3FFB];
	_ =	sdelay $0x3  }
0x92: {  	_ =	strace s17  }
0x93: {  	s2 =	sld [smem:$0x3FFC];
	_ =	sdelay $0x3  }
0x94: {  	_ =	strace s2  }
0x95: {  	s2 =	sld [smem:$0x3FFD];
	_ =	sdelay $0x3  }
0x96: {  	_ =	strace s2  }
0x97: {  	_ =	strace $0x8FFFFFFF  }
0x98: {  	s18 =	sld [smem:$0x3FDB];
	_ =	sdelay $0x1  }
0x99: {  	s19 =	simm.s32 $_scs_section_size  }
0x9a: {  	s4 =	simm.s32 $_size__tile_overlayer_lowered;
	s5 =	simm.s32 $_tile_overlayer_lowered  }
0x9b: {  	s22 =	simm.s32 $0x1BFF;
	s21 =	sshll.u32 s5, $0x1;
	s2 =	sadd.s32 s19, s18  }
0x9c: {  	s6 =	simm.s32 $0x0;
	s20 =	sshll.u32 s4, $0x1;
	s4 =	sadd.s32 s21, s2  }
0x9d: {  	[timem:s6], [sflag:s22] =	dma.local [hbm:s4], s20  }
0x9e: {  	_ =	swait.ge [sflag:s22], s20  }
0x9f: {  	s3 =	ssub.s32 $0x0, s20;
	[sflag:s22] =	ssyncset.done $0x0  }
0xa0: {  	[sflag:s22] =	ssyncadd.s32 s3;
	_ =	sdelay $0x1  }
0xa1: {  	s23 =	simm.s32 $0x1B8B  }
0xa2: {  	_ =	swait.ge [sflag:s23], $0x1  }
0xa3: {  	[sflag:s23] =	ssyncset.done $0x0  }
0xa4: {  	s25 =	simm.s32 $0x1B8E;
	s24 =	sld [smem:$0x3FFE];
	[sflag:s23] =	ssyncadd.s32 $0xFFFFFFFF  }
0xa5: {  	s26 =	simm.s32 $execute0_lowered;
	[smem:$0x3FD2] =	sst s25  }
0xa6: {  	s4 =	sshll.u32 s26, $0x1;
	_ =	strace $0x80000046;
	[dreg:$0x1] =	wrdreg $0xFFFFFFFF  }
0xa7: {  	s28 =	simm.s32 $_size_execute0_lowered;
	s2 =	sadd.s32 s2, s4;
	[dreg:$0x0] =	wrdreg $0x0  }
0xa8: {  	s4 =	sshll.u32 s28, $0x1;
	[dreg:$0x2] =	wrdreg s2  }
0xa9: {  	[dreg:$0x3] =	wrdreg s4  }
0xaa: {  	[dreg:$0x4] =	wrdreg $0xC0  }
0xab: {  	_ =	task [dreg:s6], $0x5FFFF  }
0xac: {  	[dreg:$0x1] =	wrdreg $0xFFFFFFFF  }
0xad: {  	[dreg:$0x0] =	wrdreg $0x60  }
0xae: {  	[dreg:$0x2] =	wrdreg s24  }
0xaf: {  	[dreg:$0x3] =	wrdreg $0x9  }
0xb0: {  	_ =	task.clear_ibuf [dreg:s6], $0x4FFFF;
	_ =	strace $0x90000046  }
0xb1: {  	s29 =	simm.s32 $0x9;
	_ =	strace $0x80000048  }
0xb2: {  	_ =	swait.ge [sflag:s29], $0x1  }
0xb3: {  	[sflag:s29] =	ssyncadd.s32 $0xFFFFFFFF  }
0xb4: {  	_ =	strace $0x90000048  }
0xb5: {  	_ =	sfence  }
0xb6: {  	s30 =	sld [smem:$0x0];
	_ =	sdelay $0x2  }
0xb7: {  	s31 =	sshll.u32 s1, $0xD;
	s1 =	sshrl.u32 s1, $0x2  }
0xb8: {  	s3 =	sand.u32 $0x4000, s31;
	s1 =	sadd.s32 s1, s30  }
0xb9: {  	s0 =	sor.u32 s3, s0;
	s1 =	sshll.u32 s1, $0x11  }
0xba: {  	s0 =	sor.u32 s1, s0  }
0xbb: {  	s0 =	sadd.s32 $0x8F2B, s0  }
0xbc: {  	[sflag:s0] =	ssyncadd.remote.s32 $0x1  }
0xbd: {  	_ =	sfence.sel $0xFFFF  }
0xbe: {  	[dreg:$0x0] =	wrdreg $0xFFFFFFFF;
	(pc) =	sbr.abs _section_cstart, $3  }
0xbf: {  	[dreg:$0x1] =	wrdreg $0xFFFFFFFF  }
0xc0: {  	_ =	task.clear_ibuf [dreg:s6], $0x2FFFF;
	_ =	strace $0x9FFFFFFF  }
0xc1: {  	(tm) =	ssettm $0x7FFFFFFF  }
tec
execute0_lowered:
.L_overlay_start_1:
0x0: {  	(tag) =	ssettag $0x1  }
0x1: {  	s0 =	srdreg.scid  }
0x2: {  	s2 =	stileid.u32;
	s1 =	rddreg [dreg:$0x0]  }
0x3: {  	s12 =	simm.s32 $0x5;
	s13 =	simm.s32 $0x64;
	s20 =	simm.s32 $0x1940  }
0x4: {  	s21 =	simm.s32 $0x1A0;
	s22 =	simm.s32 $0x1F80;
	s23 =	simm.s32 $0x208  }
0x5: {  	s24 =	simm.s32 $0x25C0;
	s25 =	simm.s32 $0x270;
	s28 =	simm.s32 $0x2D8  }
0x6: {  	s29 =	simm.s32 $0x3240;
	s30 =	simm.s32 $0x340;
	s31 =	simm.s32 $0x4  }
0x7: {  	s15 =	simm.s32 $0x6440;
	s11 =	simm.s32 $0x1;
	s16 =	simm.s32 $0x6A80  }
0x8: {  	s17 =	simm.s32 $0x2;
	s0 =	sand.u32 $0x1, s0;
	s3 =	sshll.u32 s2, $0x8  }
0x9: {  	s2 =	simm.s32 $0x0;
	s5 =	sadd.s32 $0x68800, s1;
	s7 =	sadd.s32 $0x250E00, s1  }
0xa: {  	s4 =	sshll.u32 s0, $0x7;
	[smem:$0x7FF] =	sst s2;
	s0 =	ssub.s32 $0x2, s0  }
0xb: {  	s3 =	sor.u32 s4, s3;
	_ =	strace $0x80000047;
	s8 =	sshrl.u32 s0, $0x1  }
0xc: {  	s4 =	sadd.s32 $0x800, s1;
	s6 =	smul.u32 $0x68, s3;
	s0 =	ssub.s32 s0, s8  }
0xd: {  	s1 =	simm.s32 $0x0;
	s9 =	sor.u32 $0x2, s3;
	s0 =	smax.u32 s0, $0x1  }
0xe: {  	s10 =	sor.u32 $0x3, s3;
	s6 =	sadd.s32 s4, s6;
	[dreg:$0x4] =	wrdreg s0  }
0xf: {  	s8 =	simm.s32 $0x618;
	[dreg:$0x2] =	wrdreg s6;
	s26 =	sadd.s32 $0x68, s6  }
0x10: {  	s6 =	simm.s32 $0x3;
	[dreg:$0x3] =	wrdreg s26;
	s26 =	simm.s32 $0x2C00  }
.LBB2_1:
0x11: {  	[dreg:$0x5] =	wrdreg s1  }
0x12: {  	s0 =	rddreg [dreg:$0x2]  }
0x13: {  	[tilespmem:s2], [sflag:$0x5] =	stream.linear.gather [hbm4b:s0+s2], $0x340, $0x38;
	[tilespmem:$0x6AC0] =	vst v63  }
0x14: {  	_ =	swait.ge [sflag:s12], $0x340  }
0x15: {  	[sflag:s12] =	ssyncset.done $0x0  }
0x16: {  	s14 =	simm.s32 $0x680;
	[sflag:s12] =	ssyncadd.s32 $0xFFFFFCC0  }
0x17: {  	[tilespmem:s14], [sflag:$0x1] =	stream.indirect.gather [hbm4b:s5+s13], $0x10, s2, s13, $0xb8;
	[tilespmem:$0x6AC0] =	vst v63  }
0x18: {  	s18 =	simm.s32 $0x68;
	s19 =	simm.s32 $0xCC0  }
0x19: {  	[tilespmem:s19], [sflag:$0x1] =	stream.indirect.gather [hbm4b:s5+s13], $0x10, s18, s13, $0xb8;
	[tilespmem:$0x6AC0] =	vst v63  }
0x1a: {  	s1 =	simm.s32 $0xD0;
	s14 =	simm.s32 $0x1300  }
0x1b: {  	[tilespmem:s14], [sflag:$0x1] =	stream.indirect.gather [hbm4b:s5+s13], $0x10, s1, s13, $0xb8;
	[tilespmem:$0x6AC0] =	vst v63  }
0x1c: {  	s18 =	simm.s32 $0x138  }
0x1d: {  	[tilespmem:s20], [sflag:$0x1] =	stream.indirect.gather [hbm4b:s5+s13], $0x10, s18, s13, $0xb8;
	[tilespmem:$0x6AC0] =	vst v63  }
0x1e: {  	_ = 	snop  }
0x1f: {  	[tilespmem:s22], [sflag:$0x1] =	stream.indirect.gather [hbm4b:s5+s13], $0x10, s21, s13, $0xb8;
	[tilespmem:$0x6AC0] =	vst v63  }
0x20: {  	_ = 	snop  }
0x21: {  	[tilespmem:s24], [sflag:$0x1] =	stream.indirect.gather [hbm4b:s5+s13], $0x10, s23, s13, $0xb8;
	[tilespmem:$0x6AC0] =	vst v63  }
0x22: {  	_ = 	snop  }
0x23: {  	[tilespmem:s26], [sflag:$0x1] =	stream.indirect.gather [hbm4b:s5+s13], $0x10, s25, s13, $0xb8;
	[tilespmem:$0x6AC0] =	vst v63  }
0x24: {  	_ = 	snop  }
0x25: {  	[tilespmem:s29], [sflag:$0x1] =	stream.indirect.gather [hbm4b:s5+s13], $0x10, s28, s13, $0xb8;
	[tilespmem:$0x6AC0] =	vst v63  }
0x26: {  	s19 =	rddreg [dreg:$0x3];
	s1 =	simm.s32 $0x0  }
0x27: {  	[tilespmem:s30], [sflag:$0x4] =	stream.linear.gather [hbm4b:s19+s2], $0x340, $0x38;
	[tilespmem:$0x6AC0] =	vst v63  }
.LBB2_2:
0x28: {  	_ =	swait.ge [sflag:s31], $0x340  }
0x29: {  	[sflag:s31] =	ssyncset.done $0x0  }
0x2a: {  	s0 =	simm.s32 $0x3880;
	[sflag:s31] =	ssyncadd.s32 $0xFFFFFCC0  }
0x2b: {  	[tilespmem:s0], [sflag:$0x2] =	stream.indirect.gather [hbm4b:s5+s13], $0x10, s30, s13, $0xb8;
	[tilespmem:$0x6AC0] =	vst v63  }
0x2c: {  	s19 =	simm.s32 $0x3A8;
	s14 =	simm.s32 $0x3EC0  }
0x2d: {  	[tilespmem:s14], [sflag:$0x2] =	stream.indirect.gather [hbm4b:s5+s13], $0x10, s19, s13, $0xb8;
	[tilespmem:$0x6AC0] =	vst v63  }
0x2e: {  	s18 =	simm.s32 $0x410;
	s19 =	simm.s32 $0x4500  }
0x2f: {  	[tilespmem:s19], [sflag:$0x2] =	stream.indirect.gather [hbm4b:s5+s13], $0x10, s18, s13, $0xb8;
	[tilespmem:$0x6AC0] =	vst v63  }
0x30: {  	s18 =	simm.s32 $0x478;
	s19 =	simm.s32 $0x4B40  }
0x31: {  	[tilespmem:s19], [sflag:$0x2] =	stream.indirect.gather [hbm4b:s5+s13], $0x10, s18, s13, $0xb8;
	[tilespmem:$0x6AC0] =	vst v63  }
0x32: {  	s18 =	simm.s32 $0x4E0;
	s19 =	simm.s32 $0x5180  }
0x33: {  	[tilespmem:s19], [sflag:$0x2] =	stream.indirect.gather [hbm4b:s5+s13], $0x10, s18, s13, $0xb8;
	[tilespmem:$0x6AC0] =	vst v63  }
0x34: {  	s18 =	simm.s32 $0x548;
	s19 =	simm.s32 $0x57C0  }
0x35: {  	[tilespmem:s19], [sflag:$0x2] =	stream.indirect.gather [hbm4b:s5+s13], $0x10, s18, s13, $0xb8;
	[tilespmem:$0x6AC0] =	vst v63  }
0x36: {  	s14 =	simm.s32 $0x5B0;
	s18 =	simm.s32 $0x5E00  }
0x37: {  	[tilespmem:s18], [sflag:$0x2] =	stream.indirect.gather [hbm4b:s5+s13], $0x10, s14, s13, $0xb8;
	[tilespmem:$0x6AC0] =	vst v63  }
0x38: {  	s18 =	sshll.u32 s1, $0x1  }
0x39: {  	s19 =	smin.u32 s18, $0x7D  }
0x3a: {  	[tilespmem:s15], [sflag:$0x2] =	stream.indirect.gather [hbm4b:s5+s13], $0x10, s8, s13, $0xb8;
	[tilespmem:$0x6AC0] =	vst v63  }
0x3b: {  	s0 =	sadd.s32 s19, s9  }
0x3c: {  	_ =	swait.ge [sflag:s11], $0x3200;
	s0 =	smul.u32 $0x68, s0  }
0x3d: {  	s14 =	simm.s32 $0x0;
	[sflag:s11] =	ssyncset.done $0x0  }
0x3e: {  	s19 =	simm.s32 $0x0;
	[sflag:s11] =	ssyncadd.s32 $0xFFFFCE00;
	s0 =	sadd.s32 s4, s0  }
0x3f: {  	[tilespmem:s19], [sflag:$0x3] =	stream.linear.gather [hbm4b:s0+s19], $0x340, $0x38;
	[tilespmem:$0x6AC0] =	vst v63  }
0x40: {  	v0 =	vld [tilespmem:s14+$0x6F0]  }
0x41: {  	v1 =	vld [tilespmem:s14+$0x680]  }
0x42: {  	v2 =	vld [tilespmem:s14+$0x690]  }
0x43: {  	v5 =	vld [tilespmem:s14+$0x6A0]  }
0x44: {  	v6 =	vld [tilespmem:s14+$0x6B0]  }
0x45: {  	v3 =	vimm.f32 $0.0e+00;
	v4 =	vimm.f32 $0.0e+00;
	v7 =	vld [tilespmem:s14+$0x6C0]  }
0x46: {  	v10 =	vimm.f32 $0.0e+00;
	v8 =	vimm.f32 $0.0e+00;
	v11 =	vld [tilespmem:s14+$0x6D0];
	v0 =	vadd.f32 v0, v3  }
0x47: {  	v9 =	vimm.f32 $0.0e+00;
	s0 =	simm.s32 $0x80;
	s19 =	simm.s32 $0x400;
	v12 =	vld [tilespmem:s14+$0x6E0];
	v1 =	vadd.f32 v1, v3;
	v2 =	vadd.f32 v2, v3  }
.LBB2_3:
0x48: {  	p0 =	sne.s32 s19, $0x3000;
	v13 =	vld [tilespmem:s0+$0x6F0];
	v3 =	vadd.f32 v5, v3  }
0x49: {  	v14 =	vld [tilespmem:s0+$0x680];
	v4 =	vadd.f32 v6, v4  }
0x4a: {  	v15 =	vld [tilespmem:s0+$0x690];
	v10 =	vadd.f32 v7, v10  }
.Ltmp0:
0x4b: {  	v5 =	vld [tilespmem:s0+$0x6A0];
	v8 =	vadd.f32 v11, v8;
	(pc) =	sbr.rel @p0 .LBB2_3-.Ltmp0, $4  }
0x4c: {  	v6 =	vld [tilespmem:s0+$0x6B0];
	v9 =	vadd.f32 v12, v9  }
0x4d: {  	v7 =	vld [tilespmem:s0+$0x6C0];
	v0 =	vadd.f32 v13, v0  }
0x4e: {  	v1 =	vadd.f32 v14, v1;
	v11 =	vld [tilespmem:s0+$0x6D0]  }
0x4f: {  	v2 =	vadd.f32 v15, v2;
	v12 =	vld [tilespmem:s0+$0x6E0];
	s0 =	sshra.s32 s19, $0x2;
	s19 =	sadd.s32 $0x200, s19  }
0x50: {  	v13 =	vld [tilespmem:s0+$0x6F0]  }
0x51: {  	v14 =	vld [tilespmem:s0+$0x680]  }
0x52: {  	v15 =	vld [tilespmem:s0+$0x690]  }
0x53: {  	v16 =	vld [tilespmem:s0+$0x6A0]  }
0x54: {  	v17 =	vld [tilespmem:s0+$0x6B0]  }
0x55: {  	v18 =	vld [tilespmem:s0+$0x6C0]  }
0x56: {  	v3 =	vadd.f32 v5, v3;
	v5 =	vld [tilespmem:s0+$0x6D0]  }
0x57: {  	v4 =	vadd.f32 v6, v4;
	v6 =	vadd.f32 v7, v10;
	v7 =	vld [tilespmem:s0+$0x6E0]  }
0x58: {  	v8 =	vadd.f32 v11, v8;
	v9 =	vadd.f32 v12, v9  }
0x59: {  	v0 =	vadd.f32 v13, v0;
	v1 =	vadd.f32 v14, v1  }
0x5a: {  	v2 =	vadd.f32 v15, v2;
	v3 =	vadd.f32 v16, v3  }
0x5b: {  	v4 =	vadd.f32 v17, v4;
	v6 =	vadd.f32 v18, v6  }
0x5c: {  	v5 =	vadd.f32 v5, v8;
	v7 =	vadd.f32 v7, v9  }
0x5d: {  	v1 =	vadd.f32 v2, v1;
	v2 =	vadd.f32 v4, v3  }
0x5e: {  	v3 =	vadd.f32 v5, v6;
	v0 =	vadd.f32 v0, v7;
	_ =	sdelay $0x1  }
0x5f: {  	v1 =	vadd.f32 v2, v1;
	v0 =	vadd.f32 v0, v3;
	_ =	sdelay $0x1  }
0x60: {  	v0 =	vadd.f32 v0, v1;
	_ =	sdelay $0x1  }
0x61: {  	s14 =	simm.s32 $0x0;
	[tilespmem:$0x6A80] =	vst v0  }
0x62: {  	v0 =	vld [tilespmem:s14+$0x1370]  }
0x63: {  	v1 =	vld [tilespmem:s14+$0x1300]  }
0x64: {  	v2 =	vld [tilespmem:s14+$0x1310]  }
0x65: {  	v5 =	vld [tilespmem:s14+$0x1320]  }
0x66: {  	v6 =	vld [tilespmem:s14+$0x1330]  }
0x67: {  	v10 =	vimm.f32 $0.0e+00;
	v3 =	vimm.f32 $0.0e+00;
	v7 =	vld [tilespmem:s14+$0x1340]  }
0x68: {  	v8 =	vimm.f32 $0.0e+00;
	v4 =	vimm.f32 $0.0e+00;
	v11 =	vld [tilespmem:s14+$0x1350];
	v0 =	vadd.f32 v0, v3  }
0x69: {  	s19 =	simm.s32 $0x400;
	s0 =	simm.s32 $0x80;
	v9 =	vimm.f32 $0.0e+00;
	v12 =	vld [tilespmem:s14+$0x1360];
	v1 =	vadd.f32 v1, v3;
	v2 =	vadd.f32 v2, v3  }
.LBB2_5:
0x6a: {  	p0 =	sne.s32 s19, $0x3000;
	v13 =	vld [tilespmem:s0+$0x1370];
	v3 =	vadd.f32 v5, v3  }
0x6b: {  	v14 =	vld [tilespmem:s0+$0x1300];
	v4 =	vadd.f32 v6, v4  }
0x6c: {  	v15 =	vld [tilespmem:s0+$0x1310];
	v10 =	vadd.f32 v7, v10  }
.Ltmp1:
0x6d: {  	v5 =	vld [tilespmem:s0+$0x1320];
	v8 =	vadd.f32 v11, v8;
	(pc) =	sbr.rel @p0 .LBB2_5-.Ltmp1, $4  }
0x6e: {  	v6 =	vld [tilespmem:s0+$0x1330];
	v9 =	vadd.f32 v12, v9  }
0x6f: {  	v7 =	vld [tilespmem:s0+$0x1340];
	v0 =	vadd.f32 v13, v0  }
0x70: {  	v1 =	vadd.f32 v14, v1;
	v11 =	vld [tilespmem:s0+$0x1350]  }
0x71: {  	v2 =	vadd.f32 v15, v2;
	v12 =	vld [tilespmem:s0+$0x1360];
	s0 =	sshra.s32 s19, $0x2;
	s19 =	sadd.s32 $0x200, s19  }
0x72: {  	v13 =	vld [tilespmem:s0+$0x1370]  }
0x73: {  	v14 =	vld [tilespmem:s0+$0x1300]  }
0x74: {  	v15 =	vld [tilespmem:s0+$0x1310]  }
0x75: {  	v16 =	vld [tilespmem:s0+$0x1320]  }
0x76: {  	v17 =	vld [tilespmem:s0+$0x1330]  }
0x77: {  	v18 =	vld [tilespmem:s0+$0x1340]  }
0x78: {  	v3 =	vadd.f32 v5, v3;
	v5 =	vld [tilespmem:s0+$0x1350]  }
0x79: {  	v4 =	vadd.f32 v6, v4;
	v6 =	vadd.f32 v7, v10;
	v7 =	vld [tilespmem:s0+$0x1360]  }
0x7a: {  	v8 =	vadd.f32 v11, v8;
	v9 =	vadd.f32 v12, v9  }
0x7b: {  	v0 =	vadd.f32 v13, v0;
	v1 =	vadd.f32 v14, v1  }
0x7c: {  	v2 =	vadd.f32 v15, v2;
	v3 =	vadd.f32 v16, v3  }
0x7d: {  	v4 =	vadd.f32 v17, v4;
	v6 =	vadd.f32 v18, v6  }
0x7e: {  	v5 =	vadd.f32 v5, v8;
	v7 =	vadd.f32 v7, v9  }
0x7f: {  	v1 =	vadd.f32 v2, v1;
	v2 =	vadd.f32 v4, v3  }
0x80: {  	v3 =	vadd.f32 v5, v6;
	v0 =	vadd.f32 v0, v7;
	_ =	sdelay $0x1  }
0x81: {  	v1 =	vadd.f32 v2, v1;
	v0 =	vadd.f32 v0, v3;
	_ =	sdelay $0x1  }
0x82: {  	v0 =	vadd.f32 v0, v1;
	_ =	sdelay $0x1  }
0x83: {  	s14 =	simm.s32 $0x0;
	[tilespmem:$0x6A90] =	vst v0  }
0x84: {  	v0 =	vld [tilespmem:s14+$0x1FF0]  }
0x85: {  	v1 =	vld [tilespmem:s14+$0x1F80]  }
0x86: {  	v2 =	vld [tilespmem:s14+$0x1F90]  }
0x87: {  	v5 =	vld [tilespmem:s14+$0x1FA0]  }
0x88: {  	v6 =	vld [tilespmem:s14+$0x1FB0]  }
0x89: {  	v10 =	vimm.f32 $0.0e+00;
	v3 =	vimm.f32 $0.0e+00;
	v7 =	vld [tilespmem:s14+$0x1FC0]  }
0x8a: {  	v8 =	vimm.f32 $0.0e+00;
	v4 =	vimm.f32 $0.0e+00;
	v11 =	vld [tilespmem:s14+$0x1FD0];
	v0 =	vadd.f32 v0, v3  }
0x8b: {  	s19 =	simm.s32 $0x400;
	s0 =	simm.s32 $0x80;
	v9 =	vimm.f32 $0.0e+00;
	v12 =	vld [tilespmem:s14+$0x1FE0];
	v1 =	vadd.f32 v1, v3;
	v2 =	vadd.f32 v2, v3  }
.LBB2_7:
0x8c: {  	p0 =	sne.s32 s19, $0x3000;
	v13 =	vld [tilespmem:s0+$0x1FF0];
	v3 =	vadd.f32 v5, v3  }
0x8d: {  	v14 =	vld [tilespmem:s0+$0x1F80];
	v4 =	vadd.f32 v6, v4  }
0x8e: {  	v15 =	vld [tilespmem:s0+$0x1F90];
	v10 =	vadd.f32 v7, v10  }
.Ltmp2:
0x8f: {  	v5 =	vld [tilespmem:s0+$0x1FA0];
	v8 =	vadd.f32 v11, v8;
	(pc) =	sbr.rel @p0 .LBB2_7-.Ltmp2, $4  }
0x90: {  	v6 =	vld [tilespmem:s0+$0x1FB0];
	v9 =	vadd.f32 v12, v9  }
0x91: {  	v7 =	vld [tilespmem:s0+$0x1FC0];
	v0 =	vadd.f32 v13, v0  }
0x92: {  	v1 =	vadd.f32 v14, v1;
	v11 =	vld [tilespmem:s0+$0x1FD0]  }
0x93: {  	v2 =	vadd.f32 v15, v2;
	v12 =	vld [tilespmem:s0+$0x1FE0];
	s0 =	sshra.s32 s19, $0x2;
	s19 =	sadd.s32 $0x200, s19  }
0x94: {  	v13 =	vld [tilespmem:s0+$0x1FF0]  }
0x95: {  	v14 =	vld [tilespmem:s0+$0x1F80]  }
0x96: {  	v15 =	vld [tilespmem:s0+$0x1F90]  }
0x97: {  	v16 =	vld [tilespmem:s0+$0x1FA0]  }
0x98: {  	v17 =	vld [tilespmem:s0+$0x1FB0]  }
0x99: {  	v18 =	vld [tilespmem:s0+$0x1FC0]  }
0x9a: {  	v3 =	vadd.f32 v5, v3;
	v5 =	vld [tilespmem:s0+$0x1FD0]  }
0x9b: {  	v4 =	vadd.f32 v6, v4;
	v6 =	vadd.f32 v7, v10;
	v7 =	vld [tilespmem:s0+$0x1FE0]  }
0x9c: {  	v8 =	vadd.f32 v11, v8;
	v9 =	vadd.f32 v12, v9  }
0x9d: {  	v0 =	vadd.f32 v13, v0;
	v1 =	vadd.f32 v14, v1  }
0x9e: {  	v2 =	vadd.f32 v15, v2;
	v3 =	vadd.f32 v16, v3  }
0x9f: {  	v4 =	vadd.f32 v17, v4;
	v6 =	vadd.f32 v18, v6  }
0xa0: {  	v5 =	vadd.f32 v5, v8;
	v7 =	vadd.f32 v7, v9  }
0xa1: {  	v1 =	vadd.f32 v2, v1;
	v2 =	vadd.f32 v4, v3  }
0xa2: {  	v3 =	vadd.f32 v5, v6;
	v0 =	vadd.f32 v0, v7;
	_ =	sdelay $0x1  }
0xa3: {  	v1 =	vadd.f32 v2, v1;
	v0 =	vadd.f32 v0, v3;
	_ =	sdelay $0x1  }
0xa4: {  	v0 =	vadd.f32 v0, v1;
	_ =	sdelay $0x1  }
0xa5: {  	s14 =	simm.s32 $0x0;
	[tilespmem:$0x6AA0] =	vst v0  }
0xa6: {  	v0 =	vld [tilespmem:s14+$0x2C70]  }
0xa7: {  	v1 =	vld [tilespmem:s14+$0x2C00]  }
0xa8: {  	v2 =	vld [tilespmem:s14+$0x2C10]  }
0xa9: {  	v5 =	vld [tilespmem:s14+$0x2C20]  }
0xaa: {  	v6 =	vld [tilespmem:s14+$0x2C30]  }
0xab: {  	v10 =	vimm.f32 $0.0e+00;
	v3 =	vimm.f32 $0.0e+00;
	v7 =	vld [tilespmem:s14+$0x2C40]  }
0xac: {  	v8 =	vimm.f32 $0.0e+00;
	v4 =	vimm.f32 $0.0e+00;
	v11 =	vld [tilespmem:s14+$0x2C50];
	v0 =	vadd.f32 v0, v3  }
0xad: {  	s19 =	simm.s32 $0x400;
	s0 =	simm.s32 $0x80;
	v9 =	vimm.f32 $0.0e+00;
	v12 =	vld [tilespmem:s14+$0x2C60];
	v1 =	vadd.f32 v1, v3;
	v2 =	vadd.f32 v2, v3  }
.LBB2_9:
0xae: {  	p0 =	sne.s32 s19, $0x3000;
	v13 =	vld [tilespmem:s0+$0x2C70];
	v3 =	vadd.f32 v5, v3  }
0xaf: {  	v14 =	vld [tilespmem:s0+$0x2C00];
	v4 =	vadd.f32 v6, v4  }
0xb0: {  	v15 =	vld [tilespmem:s0+$0x2C10];
	v10 =	vadd.f32 v7, v10  }
.Ltmp3:
0xb1: {  	v5 =	vld [tilespmem:s0+$0x2C20];
	v8 =	vadd.f32 v11, v8;
	(pc) =	sbr.rel @p0 .LBB2_9-.Ltmp3, $4  }
0xb2: {  	v6 =	vld [tilespmem:s0+$0x2C30];
	v9 =	vadd.f32 v12, v9  }
0xb3: {  	v7 =	vld [tilespmem:s0+$0x2C40];
	v0 =	vadd.f32 v13, v0  }
0xb4: {  	v1 =	vadd.f32 v14, v1;
	v11 =	vld [tilespmem:s0+$0x2C50]  }
0xb5: {  	v2 =	vadd.f32 v15, v2;
	v12 =	vld [tilespmem:s0+$0x2C60];
	s0 =	sshra.s32 s19, $0x2;
	s19 =	sadd.s32 $0x200, s19  }
0xb6: {  	v13 =	vld [tilespmem:s0+$0x2C70]  }
0xb7: {  	v14 =	vld [tilespmem:s0+$0x2C00]  }
0xb8: {  	v15 =	vld [tilespmem:s0+$0x2C10]  }
0xb9: {  	v16 =	vld [tilespmem:s0+$0x2C20]  }
0xba: {  	v17 =	vld [tilespmem:s0+$0x2C30]  }
0xbb: {  	v18 =	vld [tilespmem:s0+$0x2C40]  }
0xbc: {  	v3 =	vadd.f32 v5, v3;
	v5 =	vld [tilespmem:s0+$0x2C50]  }
0xbd: {  	v4 =	vadd.f32 v6, v4;
	v6 =	vadd.f32 v7, v10;
	v7 =	vld [tilespmem:s0+$0x2C60]  }
0xbe: {  	v8 =	vadd.f32 v11, v8;
	v9 =	vadd.f32 v12, v9  }
0xbf: {  	v0 =	vadd.f32 v13, v0;
	v1 =	vadd.f32 v14, v1  }
0xc0: {  	v2 =	vadd.f32 v15, v2;
	v3 =	vadd.f32 v16, v3  }
0xc1: {  	v4 =	vadd.f32 v17, v4;
	v6 =	vadd.f32 v18, v6  }
0xc2: {  	v5 =	vadd.f32 v5, v8;
	v7 =	vadd.f32 v7, v9  }
0xc3: {  	v1 =	vadd.f32 v2, v1;
	v2 =	vadd.f32 v4, v3  }
0xc4: {  	v3 =	vadd.f32 v5, v6;
	v0 =	vadd.f32 v0, v7;
	_ =	sdelay $0x1  }
0xc5: {  	v1 =	vadd.f32 v2, v1;
	v0 =	vadd.f32 v0, v3;
	_ =	sdelay $0x1  }
0xc6: {  	s14 =	sadd.s32 s3, s18;
	v0 =	vadd.f32 v0, v1  }
0xc7: {  	s0 =	sshll.u32 s14, $0x3  }
0xc8: {  	s14 =	simm.s32 $0x0;
	s0 =	sadd.s32 s7, s0;
	[tilespmem:$0x6AB0] =	vst v0  }
0xc9: {  	[hbm4b:s0+s14] =	stream.linear.scatter [tilespmem:s16], [sflag:$0x5], $0x40, $0x38;
	[tilespmem:$0x6AC0] =	vst v63  }
0xca: {  	_ =	swait.ge [sflag:s12], $0x40  }
0xcb: {  	[sflag:s12] =	ssyncset.done $0x0  }
0xcc: {  	[sflag:s12] =	ssyncadd.s32 $0xFFFFFFC0  }
0xcd: {  	_ =	swait.ge [sflag:s6], $0x340  }
0xce: {  	[sflag:s6] =	ssyncset.done $0x0  }
0xcf: {  	s19 =	simm.s32 $0x680;
	[sflag:s6] =	ssyncadd.s32 $0xFFFFFCC0  }
0xd0: {  	[tilespmem:s19], [sflag:$0x1] =	stream.indirect.gather [hbm4b:s5+s13], $0x10, s14, s13, $0xb8;
	[tilespmem:$0x6AC0] =	vst v63  }
0xd1: {  	s0 =	simm.s32 $0x68;
	s19 =	simm.s32 $0xCC0  }
0xd2: {  	[tilespmem:s19], [sflag:$0x1] =	stream.indirect.gather [hbm4b:s5+s13], $0x10, s0, s13, $0xb8;
	[tilespmem:$0x6AC0] =	vst v63  }
0xd3: {  	s0 =	simm.s32 $0xD0;
	s19 =	simm.s32 $0x1300  }
0xd4: {  	[tilespmem:s19], [sflag:$0x1] =	stream.indirect.gather [hbm4b:s5+s13], $0x10, s0, s13, $0xb8;
	[tilespmem:$0x6AC0] =	vst v63  }
0xd5: {  	s19 =	simm.s32 $0x138  }
0xd6: {  	[tilespmem:s20], [sflag:$0x1] =	stream.indirect.gather [hbm4b:s5+s13], $0x10, s19, s13, $0xb8;
	[tilespmem:$0x6AC0] =	vst v63  }
0xd7: {  	_ = 	snop  }
0xd8: {  	[tilespmem:s22], [sflag:$0x1] =	stream.indirect.gather [hbm4b:s5+s13], $0x10, s21, s13, $0xb8;
	[tilespmem:$0x6AC0] =	vst v63  }
0xd9: {  	_ = 	snop  }
0xda: {  	[tilespmem:s24], [sflag:$0x1] =	stream.indirect.gather [hbm4b:s5+s13], $0x10, s23, s13, $0xb8;
	[tilespmem:$0x6AC0] =	vst v63  }
0xdb: {  	s19 =	smin.u32 s18, $0x7C  }
0xdc: {  	[tilespmem:s26], [sflag:$0x1] =	stream.indirect.gather [hbm4b:s5+s13], $0x10, s25, s13, $0xb8;
	[tilespmem:$0x6AC0] =	vst v63  }
0xdd: {  	s0 =	sadd.s32 s19, s10  }
0xde: {  	[tilespmem:s29], [sflag:$0x1] =	stream.indirect.gather [hbm4b:s5+s13], $0x10, s28, s13, $0xb8;
	[tilespmem:$0x6AC0] =	vst v63  }
0xdf: {  	s0 =	smul.u32 $0x68, s0;
	_ =	swait.ge [sflag:s17], $0x3200  }
0xe0: {  	[sflag:s17] =	ssyncset.done $0x0  }
0xe1: {  	s19 =	simm.s32 $0x0;
	s0 =	sadd.s32 s4, s0;
	[sflag:s17] =	ssyncadd.s32 $0xFFFFCE00  }
0xe2: {  	[tilespmem:s30], [sflag:$0x4] =	stream.linear.gather [hbm4b:s0+s14], $0x340, $0x38;
	[tilespmem:$0x6AC0] =	vst v63  }
0xe3: {  	v0 =	vld [tilespmem:s19+$0x38F0]  }
0xe4: {  	v1 =	vld [tilespmem:s19+$0x3880]  }
0xe5: {  	v2 =	vld [tilespmem:s19+$0x3890]  }
0xe6: {  	v5 =	vld [tilespmem:s19+$0x38A0]  }
0xe7: {  	v6 =	vld [tilespmem:s19+$0x38B0]  }
0xe8: {  	v10 =	vimm.f32 $0.0e+00;
	v3 =	vimm.f32 $0.0e+00;
	v7 =	vld [tilespmem:s19+$0x38C0]  }
0xe9: {  	v8 =	vimm.f32 $0.0e+00;
	v4 =	vimm.f32 $0.0e+00;
	v11 =	vld [tilespmem:s19+$0x38D0];
	v0 =	vadd.f32 v0, v3  }
0xea: {  	v9 =	vimm.f32 $0.0e+00;
	s0 =	simm.s32 $0x80;
	v12 =	vld [tilespmem:s19+$0x38E0];
	s19 =	simm.s32 $0x400;
	v1 =	vadd.f32 v1, v3;
	v2 =	vadd.f32 v2, v3  }
.LBB2_11:
0xeb: {  	p0 =	sne.s32 s19, $0x3000;
	v13 =	vld [tilespmem:s0+$0x38F0];
	v3 =	vadd.f32 v5, v3  }
0xec: {  	v14 =	vld [tilespmem:s0+$0x3880];
	v4 =	vadd.f32 v6, v4  }
0xed: {  	v15 =	vld [tilespmem:s0+$0x3890];
	v10 =	vadd.f32 v7, v10  }
.Ltmp4:
0xee: {  	v5 =	vld [tilespmem:s0+$0x38A0];
	v8 =	vadd.f32 v11, v8;
	(pc) =	sbr.rel @p0 .LBB2_11-.Ltmp4, $4  }
0xef: {  	v6 =	vld [tilespmem:s0+$0x38B0];
	v9 =	vadd.f32 v12, v9  }
0xf0: {  	v7 =	vld [tilespmem:s0+$0x38C0];
	v0 =	vadd.f32 v13, v0  }
0xf1: {  	v1 =	vadd.f32 v14, v1;
	v11 =	vld [tilespmem:s0+$0x38D0]  }
0xf2: {  	v2 =	vadd.f32 v15, v2;
	v12 =	vld [tilespmem:s0+$0x38E0];
	s0 =	sshra.s32 s19, $0x2;
	s19 =	sadd.s32 $0x200, s19  }
0xf3: {  	v13 =	vld [tilespmem:s0+$0x38F0]  }
0xf4: {  	v14 =	vld [tilespmem:s0+$0x3880]  }
0xf5: {  	v15 =	vld [tilespmem:s0+$0x3890]  }
0xf6: {  	v16 =	vld [tilespmem:s0+$0x38A0]  }
0xf7: {  	v17 =	vld [tilespmem:s0+$0x38B0]  }
0xf8: {  	v18 =	vld [tilespmem:s0+$0x38C0]  }
0xf9: {  	v3 =	vadd.f32 v5, v3;
	v5 =	vld [tilespmem:s0+$0x38D0]  }
0xfa: {  	v4 =	vadd.f32 v6, v4;
	v6 =	vadd.f32 v7, v10;
	v7 =	vld [tilespmem:s0+$0x38E0]  }
0xfb: {  	v8 =	vadd.f32 v11, v8;
	v9 =	vadd.f32 v12, v9  }
0xfc: {  	v0 =	vadd.f32 v13, v0;
	v1 =	vadd.f32 v14, v1  }
0xfd: {  	v2 =	vadd.f32 v15, v2;
	v3 =	vadd.f32 v16, v3  }
0xfe: {  	v4 =	vadd.f32 v17, v4;
	v6 =	vadd.f32 v18, v6  }
0xff: {  	v5 =	vadd.f32 v5, v8;
	v7 =	vadd.f32 v7, v9  }
0x100: {  	v1 =	vadd.f32 v2, v1;
	v2 =	vadd.f32 v4, v3  }
0x101: {  	v3 =	vadd.f32 v5, v6;
	v0 =	vadd.f32 v0, v7;
	_ =	sdelay $0x1  }
0x102: {  	v1 =	vadd.f32 v2, v1;
	v0 =	vadd.f32 v0, v3;
	_ =	sdelay $0x1  }
0x103: {  	v0 =	vadd.f32 v0, v1;
	_ =	sdelay $0x1  }
0x104: {  	s14 =	simm.s32 $0x0;
	[tilespmem:$0x6A80] =	vst v0  }
0x105: {  	v0 =	vld [tilespmem:s14+$0x4570]  }
0x106: {  	v1 =	vld [tilespmem:s14+$0x4500]  }
0x107: {  	v2 =	vld [tilespmem:s14+$0x4510]  }
0x108: {  	v5 =	vld [tilespmem:s14+$0x4520]  }
0x109: {  	v6 =	vld [tilespmem:s14+$0x4530]  }
0x10a: {  	v10 =	vimm.f32 $0.0e+00;
	v3 =	vimm.f32 $0.0e+00;
	v7 =	vld [tilespmem:s14+$0x4540]  }
0x10b: {  	v8 =	vimm.f32 $0.0e+00;
	v4 =	vimm.f32 $0.0e+00;
	v11 =	vld [tilespmem:s14+$0x4550];
	v0 =	vadd.f32 v0, v3  }
0x10c: {  	s19 =	simm.s32 $0x400;
	s0 =	simm.s32 $0x80;
	v9 =	vimm.f32 $0.0e+00;
	v12 =	vld [tilespmem:s14+$0x4560];
	v1 =	vadd.f32 v1, v3;
	v2 =	vadd.f32 v2, v3  }
.LBB2_13:
0x10d: {  	p0 =	sne.s32 s19, $0x3000;
	v13 =	vld [tilespmem:s0+$0x4570];
	v3 =	vadd.f32 v5, v3  }
0x10e: {  	v14 =	vld [tilespmem:s0+$0x4500];
	v4 =	vadd.f32 v6, v4  }
0x10f: {  	v15 =	vld [tilespmem:s0+$0x4510];
	v10 =	vadd.f32 v7, v10  }
.Ltmp5:
0x110: {  	v5 =	vld [tilespmem:s0+$0x4520];
	v8 =	vadd.f32 v11, v8;
	(pc) =	sbr.rel @p0 .LBB2_13-.Ltmp5, $4  }
0x111: {  	v6 =	vld [tilespmem:s0+$0x4530];
	v9 =	vadd.f32 v12, v9  }
0x112: {  	v7 =	vld [tilespmem:s0+$0x4540];
	v0 =	vadd.f32 v13, v0  }
0x113: {  	v1 =	vadd.f32 v14, v1;
	v11 =	vld [tilespmem:s0+$0x4550]  }
0x114: {  	v2 =	vadd.f32 v15, v2;
	v12 =	vld [tilespmem:s0+$0x4560];
	s0 =	sshra.s32 s19, $0x2;
	s19 =	sadd.s32 $0x200, s19  }
0x115: {  	v13 =	vld [tilespmem:s0+$0x4570]  }
0x116: {  	v14 =	vld [tilespmem:s0+$0x4500]  }
0x117: {  	v15 =	vld [tilespmem:s0+$0x4510]  }
0x118: {  	v16 =	vld [tilespmem:s0+$0x4520]  }
0x119: {  	v17 =	vld [tilespmem:s0+$0x4530]  }
0x11a: {  	v18 =	vld [tilespmem:s0+$0x4540]  }
0x11b: {  	v3 =	vadd.f32 v5, v3;
	v5 =	vld [tilespmem:s0+$0x4550]  }
0x11c: {  	v4 =	vadd.f32 v6, v4;
	v6 =	vadd.f32 v7, v10;
	v7 =	vld [tilespmem:s0+$0x4560]  }
0x11d: {  	v8 =	vadd.f32 v11, v8;
	v9 =	vadd.f32 v12, v9  }
0x11e: {  	v0 =	vadd.f32 v13, v0;
	v1 =	vadd.f32 v14, v1  }
0x11f: {  	v2 =	vadd.f32 v15, v2;
	v3 =	vadd.f32 v16, v3  }
0x120: {  	v4 =	vadd.f32 v17, v4;
	v6 =	vadd.f32 v18, v6  }
0x121: {  	v5 =	vadd.f32 v5, v8;
	v7 =	vadd.f32 v7, v9  }
0x122: {  	v1 =	vadd.f32 v2, v1;
	v2 =	vadd.f32 v4, v3  }
0x123: {  	v3 =	vadd.f32 v5, v6;
	v0 =	vadd.f32 v0, v7;
	_ =	sdelay $0x1  }
0x124: {  	v1 =	vadd.f32 v2, v1;
	v0 =	vadd.f32 v0, v3;
	_ =	sdelay $0x1  }
0x125: {  	v0 =	vadd.f32 v0, v1;
	_ =	sdelay $0x1  }
0x126: {  	s14 =	simm.s32 $0x0;
	[tilespmem:$0x6A90] =	vst v0  }
0x127: {  	v0 =	vld [tilespmem:s14+$0x51F0]  }
0x128: {  	v1 =	vld [tilespmem:s14+$0x5180]  }
0x129: {  	v2 =	vld [tilespmem:s14+$0x5190]  }
0x12a: {  	v5 =	vld [tilespmem:s14+$0x51A0]  }
0x12b: {  	v6 =	vld [tilespmem:s14+$0x51B0]  }
0x12c: {  	v10 =	vimm.f32 $0.0e+00;
	v3 =	vimm.f32 $0.0e+00;
	v7 =	vld [tilespmem:s14+$0x51C0]  }
0x12d: {  	v8 =	vimm.f32 $0.0e+00;
	v4 =	vimm.f32 $0.0e+00;
	v11 =	vld [tilespmem:s14+$0x51D0];
	v0 =	vadd.f32 v0, v3  }
0x12e: {  	s19 =	simm.s32 $0x400;
	s0 =	simm.s32 $0x80;
	v9 =	vimm.f32 $0.0e+00;
	v12 =	vld [tilespmem:s14+$0x51E0];
	v1 =	vadd.f32 v1, v3;
	v2 =	vadd.f32 v2, v3  }
.LBB2_15:
0x12f: {  	p0 =	sne.s32 s19, $0x3000;
	v13 =	vld [tilespmem:s0+$0x51F0];
	v3 =	vadd.f32 v5, v3  }
0x130: {  	v14 =	vld [tilespmem:s0+$0x5180];
	v4 =	vadd.f32 v6, v4  }
0x131: {  	v15 =	vld [tilespmem:s0+$0x5190];
	v10 =	vadd.f32 v7, v10  }
.Ltmp6:
0x132: {  	v5 =	vld [tilespmem:s0+$0x51A0];
	v8 =	vadd.f32 v11, v8;
	(pc) =	sbr.rel @p0 .LBB2_15-.Ltmp6, $4  }
0x133: {  	v6 =	vld [tilespmem:s0+$0x51B0];
	v9 =	vadd.f32 v12, v9  }
0x134: {  	v7 =	vld [tilespmem:s0+$0x51C0];
	v0 =	vadd.f32 v13, v0  }
0x135: {  	v1 =	vadd.f32 v14, v1;
	v11 =	vld [tilespmem:s0+$0x51D0]  }
0x136: {  	v2 =	vadd.f32 v15, v2;
	v12 =	vld [tilespmem:s0+$0x51E0];
	s0 =	sshra.s32 s19, $0x2;
	s19 =	sadd.s32 $0x200, s19  }
0x137: {  	v13 =	vld [tilespmem:s0+$0x51F0]  }
0x138: {  	v14 =	vld [tilespmem:s0+$0x5180]  }
0x139: {  	v15 =	vld [tilespmem:s0+$0x5190]  }
0x13a: {  	v16 =	vld [tilespmem:s0+$0x51A0]  }
0x13b: {  	v17 =	vld [tilespmem:s0+$0x51B0]  }
0x13c: {  	v18 =	vld [tilespmem:s0+$0x51C0]  }
0x13d: {  	v3 =	vadd.f32 v5, v3;
	v5 =	vld [tilespmem:s0+$0x51D0]  }
0x13e: {  	v4 =	vadd.f32 v6, v4;
	v6 =	vadd.f32 v7, v10;
	v7 =	vld [tilespmem:s0+$0x51E0]  }
0x13f: {  	v8 =	vadd.f32 v11, v8;
	v9 =	vadd.f32 v12, v9  }
0x140: {  	v0 =	vadd.f32 v13, v0;
	v1 =	vadd.f32 v14, v1  }
0x141: {  	v2 =	vadd.f32 v15, v2;
	v3 =	vadd.f32 v16, v3  }
0x142: {  	v4 =	vadd.f32 v17, v4;
	v6 =	vadd.f32 v18, v6  }
0x143: {  	v5 =	vadd.f32 v5, v8;
	v7 =	vadd.f32 v7, v9  }
0x144: {  	v1 =	vadd.f32 v2, v1;
	v2 =	vadd.f32 v4, v3  }
0x145: {  	v3 =	vadd.f32 v5, v6;
	v0 =	vadd.f32 v0, v7;
	_ =	sdelay $0x1  }
0x146: {  	v1 =	vadd.f32 v2, v1;
	v0 =	vadd.f32 v0, v3;
	_ =	sdelay $0x1  }
0x147: {  	v0 =	vadd.f32 v0, v1;
	_ =	sdelay $0x1  }
0x148: {  	s14 =	simm.s32 $0x0;
	[tilespmem:$0x6AA0] =	vst v0  }
0x149: {  	v0 =	vld [tilespmem:s14+$0x5E70]  }
0x14a: {  	v1 =	vld [tilespmem:s14+$0x5E00]  }
0x14b: {  	v2 =	vld [tilespmem:s14+$0x5E10]  }
0x14c: {  	v5 =	vld [tilespmem:s14+$0x5E20]  }
0x14d: {  	v6 =	vld [tilespmem:s14+$0x5E30]  }
0x14e: {  	v10 =	vimm.f32 $0.0e+00;
	v3 =	vimm.f32 $0.0e+00;
	v7 =	vld [tilespmem:s14+$0x5E40]  }
0x14f: {  	v8 =	vimm.f32 $0.0e+00;
	v4 =	vimm.f32 $0.0e+00;
	v11 =	vld [tilespmem:s14+$0x5E50];
	v0 =	vadd.f32 v0, v3  }
0x150: {  	s19 =	simm.s32 $0x400;
	s0 =	simm.s32 $0x80;
	v9 =	vimm.f32 $0.0e+00;
	v12 =	vld [tilespmem:s14+$0x5E60];
	v1 =	vadd.f32 v1, v3;
	v2 =	vadd.f32 v2, v3  }
.LBB2_17:
0x151: {  	p0 =	sne.s32 s19, $0x3000;
	v13 =	vld [tilespmem:s0+$0x5E70];
	v3 =	vadd.f32 v5, v3  }
0x152: {  	v14 =	vld [tilespmem:s0+$0x5E00];
	v4 =	vadd.f32 v6, v4  }
0x153: {  	v15 =	vld [tilespmem:s0+$0x5E10];
	v10 =	vadd.f32 v7, v10  }
.Ltmp7:
0x154: {  	v5 =	vld [tilespmem:s0+$0x5E20];
	v8 =	vadd.f32 v11, v8;
	(pc) =	sbr.rel @p0 .LBB2_17-.Ltmp7, $4  }
0x155: {  	v6 =	vld [tilespmem:s0+$0x5E30];
	v9 =	vadd.f32 v12, v9  }
0x156: {  	v7 =	vld [tilespmem:s0+$0x5E40];
	v0 =	vadd.f32 v13, v0  }
0x157: {  	v1 =	vadd.f32 v14, v1;
	v11 =	vld [tilespmem:s0+$0x5E50]  }
0x158: {  	v2 =	vadd.f32 v15, v2;
	v12 =	vld [tilespmem:s0+$0x5E60];
	s0 =	sshra.s32 s19, $0x2;
	s19 =	sadd.s32 $0x200, s19  }
0x159: {  	v13 =	vld [tilespmem:s0+$0x5E70]  }
0x15a: {  	v14 =	vld [tilespmem:s0+$0x5E00]  }
0x15b: {  	v15 =	vld [tilespmem:s0+$0x5E10]  }
0x15c: {  	v16 =	vld [tilespmem:s0+$0x5E20]  }
0x15d: {  	v17 =	vld [tilespmem:s0+$0x5E30]  }
0x15e: {  	v18 =	vld [tilespmem:s0+$0x5E40]  }
0x15f: {  	v3 =	vadd.f32 v5, v3;
	v59 =	vld [tilespmem:s0+$0x5E50]  }
0x160: {  	v61 =	vld [tilespmem:s0+$0x5E60];
	v4 =	vadd.f32 v6, v4;
	v60 =	vadd.f32 v7, v10  }
0x161: {  	v8 =	vadd.f32 v11, v8;
	v9 =	vadd.f32 v12, v9  }
0x162: {  	v0 =	vadd.f32 v13, v0;
	v1 =	vadd.f32 v14, v1  }
0x163: {  	v2 =	vadd.f32 v15, v2;
	v3 =	vadd.f32 v16, v3  }
0x164: {  	v4 =	vadd.f32 v17, v4;
	v6 =	vadd.f32 v18, v60  }
0x165: {  	v5 =	vadd.f32 v59, v8;
	v7 =	vadd.f32 v61, v9  }
0x166: {  	v1 =	vadd.f32 v2, v1;
	v62 =	vadd.f32 v4, v3  }
0x167: {  	v63 =	vadd.f32 v5, v6;
	v0 =	vadd.f32 v0, v7;
	_ =	sdelay $0x1  }
0x168: {  	v1 =	vadd.f32 v62, v1;
	v0 =	vadd.f32 v0, v63  }
0x169: {  	s19 =	sadd.s32 s18, s3  }
0x16a: {  	s1 =	sadd.s32 $0x1, s1;
	s0 =	sshll.u32 s19, $0x3;
	v0 =	vadd.f32 v0, v1  }
0x16b: {  	p0 =	sne.s32 s1, $0x40;
	s0 =	sadd.s32 s7, s0  }
.Ltmp8:
0x16c: {  	s0 =	sadd.s32 $0x8, s0;
	[tilespmem:$0x6AB0] =	vst v0;
	(pc) =	sbr.rel @p0 .LBB2_2-.Ltmp8, $4  }
0x16d: {  	[hbm4b:s0+s2] =	stream.linear.scatter [tilespmem:s16], [sflag:$0x5], $0x40, $0x38;
	[tilespmem:$0x6AC0] =	vst v63  }
0x16e: {  	_ =	swait.ge [sflag:s12], $0x40  }
0x16f: {  	[sflag:s12] =	ssyncset.done $0x0  }
0x170: {  	[sflag:s12] =	ssyncadd.s32 $0xFFFFFFC0  }
0x171: {  	_ =	swait.ge [sflag:s11], $0x3200  }
0x172: {  	[sflag:s11] =	ssyncset.done $0x0  }
0x173: {  	[sflag:s11] =	ssyncadd.s32 $0xFFFFCE00  }
0x174: {  	_ =	swait.ge [sflag:s31], $0x340  }
0x175: {  	s1 =	rddreg [dreg:$0x5]  }
0x176: {  	s0 =	rddreg [dreg:$0x4];
	s1 =	sadd.s32 $0x1, s1  }
0x177: {  	p0 =	sne.s32 s1, s0  }
.Ltmp9:
0x178: {  	_ = 	snop;
	(pc) =	sbr.rel @p0 .LBB2_1-.Ltmp9, $3  }
0x179: {  	_ =	sdelay $0x1  }
0x17a: {  	[sflag:s31] =	ssyncset.done $0x0  }
0x17b: {  	[sflag:s31] =	ssyncadd.s32 $0xFFFFFCC0  }
0x17c: {  	_ =	sfence.sel $0x180000  }
0x17d: {  	[bflag:$0x0] =	sbarrier.arrive $0xFFFF  }
0x17e: {  	_ =	strace $0x90000047  }
0x17f: {  	s0 =	stileid.u32;
	[bflag:$0x2] =	sbarrier.arrive $0xFFFF  }
0x180: {  	p0 =	sne.s32 s0, $0x0;
	s0 =	rddreg [dreg:$0x1]  }
0x181: {  	s0 =	sadd.s32 @!p0 $0x100000, s0  }
0x182: {  	[sflag:s0] =	ssyncadd.tile.s32 @!p0 $0x1;
	_ =	shalt  }
.Lfunc_end2:
_tile_overlayer_lowered:
.L_overlay_start_2:
0x183: {  	(tag) =	ssettag $0x2  }
0x184: {  	s0 =	rddreg [dreg:$0x0];
	s2 =	stileid.u32  }
0x185: {  	s1 =	rddreg [dreg:$0x1];
	p0 =	sne.s32 s2, $0x0  }
0x186: {  	s3 =	rddreg [dreg:$0x2];
	[bflag:$0x3] =	sbarrier.arrive $0xFFFF;
	s2 =	simm.s32 @!p0 $0x1C05  }
0x187: {  	[timem:s3], [sflag:s2] =	dma.local @!p0 [hbm:s0], s1  }
0x188: {  	s0 =	simm.s32 @!p0 $0x5  }
0x189: {  	_ =	swait.ge @!p0 [sflag:s0], s1  }
0x18a: {  	s1 =	ssub.s32 @!p0 $0x0, s1;
	[sflag:s0] =	ssyncset.done @!p0 $0x0  }
0x18b: {  	[sflag:s0] =	ssyncadd.s32 @!p0 s1  }
0x18c: {  	[bflag:$0x3] =	sbarrier.arrive $0xFFFF  }
0x18d: {  	_ =	shalt  }

</sc_bundles>
